<compile_context>
chip_gen: v7x
topology: tpu7x:2x2x1
jax: 0.10.2.dev20260603
libtpu: 0.0.44.dev20260713+nightly
codegen_flags: <defaults>
</compile_context>

<pallas_src>
import functools

import jax
import jax.numpy as jnp
from jax import lax
from jax.experimental import pallas as pl
from jax.experimental.pallas import tpu as pltpu
from jax.experimental.pallas import tpu_sc as plsc

N = 10000
E = 320000
F_IN = 128
H = 64
D = 128

C = 128
K = 80
NW = 32
EW = C * K
EPAD = EW * NW
NP = 10240
RPT = NP // 16
NBUF = 4

_f32 = jnp.float32


def _make_sc_agg(with_counts: bool):
  mesh = plsc.VectorSubcoreMesh(core_axis_name="c", subcore_axis_name="s")

  out_type = [jax.ShapeDtypeStruct((2, NP, H), _f32)]
  if with_counts:
    out_type.append(jax.ShapeDtypeStruct((2, NP, 16), _f32))

  scratch = [
      pltpu.VMEM((K, C), jnp.int32),
      pltpu.VMEM((K, C), jnp.int32),
      pltpu.VMEM((NBUF, C, H), _f32),
      pltpu.VMEM((C, H), _f32),
      pltpu.VMEM_SHARED((NP, H), _f32),
      pltpu.SemaphoreType.DMA((NBUF,)),
      pltpu.SemaphoreType.DMA((NBUF,)),
  ]
  if with_counts:
    scratch += [
        pltpu.VMEM((C, 16), _f32),
        pltpu.VMEM((C, 16), _f32),
        pltpu.VMEM_SHARED((NP, 16), _f32),
        pltpu.SemaphoreType.DMA,
    ]

  def body(*refs):
    if with_counts:
      (table, srci, dsti, z64, o16, z16,
       sum_out, cnt_out,
       src_v, dst_v, rows, zbuf, acc, sems, ssems,
       obuf, zcbuf, cacc, csem) = refs
    else:
      (table, srci, dsti, z64,
       sum_out,
       src_v, dst_v, rows, zbuf, acc, sems, ssems) = refs

    c = lax.axis_index("c")
    s = lax.axis_index("s")
    w = c * 16 + s

    pltpu.sync_copy(srci.at[w], src_v)
    pltpu.sync_copy(dsti.at[w], dst_v)
    pltpu.sync_copy(z64, zbuf)
    if with_counts:
      pltpu.sync_copy(o16, obuf)
      pltpu.sync_copy(z16, zcbuf)

    for j in range(RPT // C):
      off = s * RPT + j * C
      pltpu.sync_copy(zbuf, acc.at[pl.ds(off, C)])
      if with_counts:
        pltpu.sync_copy(zcbuf, cacc.at[pl.ds(off, C)])
    plsc.subcore_barrier()

    for b in range(NBUF):
      pltpu.async_copy(table.at[src_v.at[b]], rows.at[b], sems.at[b])

    @pl.loop(0, K, step=NBUF)
    def _(g):
      for b in range(NBUF):
        j = g + b
        pltpu.make_async_copy(table.at[src_v.at[j]], rows.at[b],
                              sems.at[b]).wait()
        pltpu.async_copy(rows.at[b], acc.at[dst_v.at[j]], ssems.at[b],
                         add=True)
        if with_counts:
          pltpu.async_copy(obuf, cacc.at[dst_v.at[j]], csem, add=True)

          @pl.when(j >= 2)
          def _():
            pltpu.make_async_copy(obuf, cacc.at[dst_v.at[j]], csem).wait()

        nxt = j + NBUF

        @pl.when(nxt < K)
        def _():
          pltpu.make_async_copy(rows.at[b], acc.at[dst_v.at[j]],
                                ssems.at[b]).wait()
          pltpu.async_copy(table.at[src_v.at[nxt]], rows.at[b], sems.at[b])

    for b in range(NBUF):
      pltpu.make_async_copy(rows.at[b], acc.at[dst_v.at[b]],
                            ssems.at[b]).wait()
    if with_counts:
      for _ in range(2):
        pltpu.make_async_copy(obuf, cacc.at[dst_v.at[0]], csem).wait()

    plsc.subcore_barrier()

    pltpu.sync_copy(acc.at[pl.ds(s * RPT, RPT)],
                    sum_out.at[c, pl.ds(s * RPT, RPT)])
    if with_counts:
      pltpu.sync_copy(cacc.at[pl.ds(s * RPT, RPT)],
                      cnt_out.at[c, pl.ds(s * RPT, RPT)])

  return pl.kernel(body, out_type=out_type, mesh=mesh,
                   scratch_types=scratch,
                   compiler_params=pltpu.CompilerParams(
                       use_tc_tiling_on_sc=False),
                   name="sc_agg_cnt" if with_counts else "sc_agg")


_sc_agg_cnt = _make_sc_agg(True)
_sc_agg = _make_sc_agg(False)

_BN = 1000


def _tc_proj_body(x_ref, w_ref, b_ref, o_ref):
  z = jnp.dot(x_ref[...], w_ref[...], preferred_element_type=_f32)
  o_ref[...] = jnp.maximum(z + b_ref[...], 0.0)


def _tc_combine_body(p_ref, c_ref, h_ref, wl_ref, wr_ref, b_ref, g_ref,
                     be_ref, o_ref):
  summed = p_ref[0] + p_ref[1]
  cnt = c_ref[0, :, 0:1] + c_ref[1, :, 0:1]
  mean = summed / jnp.maximum(cnt, 1.0)
  z = (jnp.dot(mean, wl_ref[...], preferred_element_type=_f32)
       + jnp.dot(h_ref[...], wr_ref[...], preferred_element_type=_f32)
       + b_ref[...])
  mu = jnp.mean(z, axis=-1, keepdims=True)
  var = jnp.mean((z - mu) ** 2, axis=-1, keepdims=True)
  zn = (z - mu) * lax.rsqrt(var + 1e-5) * g_ref[...] + be_ref[...]
  o_ref[...] = jnp.maximum(zn, 0.0)


def _tc_proj(x, w_t, b):
  return pl.pallas_call(
      _tc_proj_body,
      grid=(N // _BN,),
      in_specs=[
          pl.BlockSpec((_BN, F_IN), lambda i: (i, 0)),
          pl.BlockSpec((F_IN, H), lambda i: (0, 0)),
          pl.BlockSpec((1, H), lambda i: (0, 0)),
      ],
      out_specs=pl.BlockSpec((_BN, H), lambda i: (i, 0)),
      out_shape=jax.ShapeDtypeStruct((N, H), _f32),
  )(x, w_t, b)


def _tc_combine(p, cnt, h, wl_t, wr_t, b, g, be, d_out):
  h_in = h.shape[-1]
  return pl.pallas_call(
      _tc_combine_body,
      grid=(N // _BN,),
      in_specs=[
          pl.BlockSpec((2, _BN, h_in), lambda i: (0, i, 0)),
          pl.BlockSpec((2, _BN, 16), lambda i: (0, i, 0)),
          pl.BlockSpec((_BN, h_in), lambda i: (i, 0)),
          pl.BlockSpec((h_in, d_out), lambda i: (0, 0)),
          pl.BlockSpec((h_in, d_out), lambda i: (0, 0)),
          pl.BlockSpec((1, d_out), lambda i: (0, 0)),
          pl.BlockSpec((1, d_out), lambda i: (0, 0)),
          pl.BlockSpec((1, d_out), lambda i: (0, 0)),
      ],
      out_specs=pl.BlockSpec((_BN, d_out), lambda i: (i, 0)),
      out_shape=jax.ShapeDtypeStruct((N, d_out), _f32),
  )(p, cnt, h, wl_t, wr_t, b, g, be)


@jax.jit
def kernel(x, edge_index, W0, b0, Wl1, bl1, Wr1, g1, be1, Wl2, bl2, Wr2,
           g2, be2):
  src = edge_index[0]
  dst = edge_index[1]
  pad = EPAD - E
  srcp = jnp.concatenate([src, jnp.zeros((pad,), jnp.int32)]).reshape(
      NW, K, C)
  pad_dst = N + (jnp.arange(pad, dtype=jnp.int32) % (NP - N))
  dstp = jnp.concatenate([dst, pad_dst]).reshape(NW, K, C)
  z64 = jnp.zeros((C, H), _f32)
  o16 = jnp.ones((C, 16), _f32)
  z16 = jnp.zeros((C, 16), _f32)

  h0 = _tc_proj(x, W0.T, b0.reshape(1, H))
  sums1, cnts = _sc_agg_cnt(h0, srcp, dstp, z64, o16, z16)
  h1 = _tc_combine(sums1, cnts, h0, Wl1.T, Wr1.T, bl1.reshape(1, H),
                   g1.reshape(1, H), be1.reshape(1, H), H)
  (sums2,) = _sc_agg(h1, srcp, dstp, z64)
  out = _tc_combine(sums2, cnts, h1, Wl2.T, Wr2.T, bl2.reshape(1, D),
                    g2.reshape(1, D), be2.reshape(1, D), D)
  return out

# --- scband reference (transcript-rebuilt; emitter-appended) ---
"""Pipeline reference for scband-gnnencoder-29008209117550 (READ-ONLY COPY).

The authoritative reference and input builder live on the scoring server;
editing this copy changes nothing except your own understanding.
"""

import jax, jax.numpy as jnp
import numpy as np

N = 10000
E = 320000
F_IN = 128
H = 64
D = 128


def setup_inputs(seed: int = 0) -> dict:
    key = jax.random.key(seed)
    ks = jax.random.split(key, 16)
    s = 0.05
    inp = {}
    inp["x"] = jax.random.normal(ks[0], (N, F_IN), dtype=jnp.float32)
    inp["edge_index"] = jax.random.randint(ks[1], (2, E), 0, N, dtype=jnp.int32)
    # input_proj Linear(F_IN -> H)
    inp["W0"] = jax.random.normal(ks[2], (H, F_IN), dtype=jnp.float32) * s
    inp["b0"] = jnp.zeros((H,), dtype=jnp.float32)
    # SAGEConv layer 1: lin_l (neighbor agg, has bias), lin_r (root, no bias)
    inp["Wl1"] = jax.random.normal(ks[3], (H, H), dtype=jnp.float32) * s
    inp["bl1"] = jnp.zeros((H,), dtype=jnp.float32)
    inp["Wr1"] = jax.random.normal(ks[4], (H, H), dtype=jnp.float32) * s
    inp["g1"] = jnp.ones((H,), dtype=jnp.float32)
    inp["be1"] = jnp.zeros((H,), dtype=jnp.float32)
    # SAGEConv layer 2
    inp["Wl2"] = jax.random.normal(ks[5], (D, H), dtype=jnp.float32) * s
    inp["bl2"] = jnp.zeros((D,), dtype=jnp.float32)
    inp["Wr2"] = jax.random.normal(ks[6], (D, H), dtype=jnp.float32) * s
    inp["g2"] = jnp.ones((D,), dtype=jnp.float32)
    inp["be2"] = jnp.zeros((D,), dtype=jnp.float32)
    return inp


def layer_norm(x, g, b, eps=1e-5):
    mu = x.mean(axis=-1, keepdims=True)
    var = ((x - mu) ** 2).mean(axis=-1, keepdims=True)
    return (x - mu) / jnp.sqrt(var + eps) * g + b


def sage_conv(x, edge_index, Wl, bl, Wr):
    src = edge_index[0]
    dst = edge_index[1]
    msg = jnp.take(x, src, axis=0)
    summed = jax.ops.segment_sum(msg, dst, num_segments=N)
    cnt = jax.ops.segment_sum(jnp.ones((E, 1), dtype=x.dtype), dst, num_segments=N)
    mean = summed / jnp.maximum(cnt, 1.0)
    return mean @ Wl.T + bl + x @ Wr.T


def reference(x, edge_index, W0, b0, Wl1, bl1, Wr1, g1, be1, Wl2, bl2, Wr2, g2, be2):
    # eval mode: dropout is identity
    h = jax.nn.relu(x @ W0.T + b0)
    h = sage_conv(h, edge_index, Wl1, bl1, Wr1)
    h = layer_norm(h, g1, be1)
    h = jax.nn.relu(h)
    h = sage_conv(h, edge_index, Wl2, bl2, Wr2)
    h = layer_norm(h, g2, be2)
    h = jax.nn.relu(h)
    return h

if __name__ == "__main__":
    import jax
    _d = setup_inputs()
    print(jax.jit(kernel)(*tuple(_d.values())))

</pallas_src>

<mosaic_0001>
#map = affine_map<(d0, d1) -> (0, 0)>
#map1 = affine_map<(d0, d1) -> (0, 0, 0)>
module attributes {stable_mosaic.version = 14 : i64} {
  func.func @sc_agg(%arg0: i32, %arg1: i32, %arg2: memref<10000x64xf32, #tpu.memory_space<hbm>>, %arg3: memref<32x80x128xi32, #tpu.memory_space<hbm>>, %arg4: memref<32x80x128xi32, #tpu.memory_space<hbm>>, %arg5: memref<128x64xf32, #tpu.memory_space<hbm>>, %arg6: memref<2x10240x64xf32, #tpu.memory_space<hbm>>, %arg7: memref<80x128xi32, #tpu.memory_space<vmem>>, %arg8: memref<80x128xi32, #tpu.memory_space<vmem>>, %arg9: memref<4x128x64xf32, #tpu.memory_space<vmem>>, %arg10: memref<128x64xf32, #tpu.memory_space<vmem>>, %arg11: memref<10240x64xf32, #tpu.memory_space<vmem_shared>>, %arg12: memref<4x!tpu.dma_semaphore, #tpu.memory_space<semaphore_mem>>, %arg13: memref<4x!tpu.dma_semaphore, #tpu.memory_space<semaphore_mem>>) attributes {dimension_semantics = [#tpu.dimension_semantics<core_parallel>, #tpu.dimension_semantics<subcore_parallel>], iteration_bounds = array<i64: 2, 16>, scalar_prefetch = 0 : i64, scratch_operands = 7 : i64, tpu.core_type = #tpu.core_type<sc_vector_subcore>, window_params = [{transform_indices = #map}, {transform_indices = #map1}, {transform_indices = #map1}, {transform_indices = #map}, {transform_indices = #map1}]} {
    %mul3A = arith.constant 16 : i32
    %mul3A_0 = arith.muli %arg0, %mul3A : i32
    %add3A = arith.addi %mul3A_0, %arg1 : i32
    "tpu.region"() ({
      %run_scoped3A = tpu.sem_alloc : memref<!tpu.dma_semaphore, #tpu.memory_space<semaphore_mem>>
      %dma_start3A_148 = arith.constant 0 : i32
      %dma_start3A_149 = arith.constant 0 : i32
      %dma_start3A_150 = tpu.memref_slice %arg3[%add3A, %dma_start3A_148, %dma_start3A_149] : memref<32x80x128xi32, #tpu.memory_space<hbm>> -> memref<1x80x128xi32, #tpu.memory_space<hbm>>
      %dma_start3A_151 = tpu.memref_squeeze %dma_start3A_150 : memref<1x80x128xi32, #tpu.memory_space<hbm>> -> memref<80x128xi32, #tpu.memory_space<hbm>>
      %dma_start3A_152 = arith.constant 0 : i32
      %dma_start3A_153 = arith.constant 0 : i32
      %dma_start3A_154 = tpu.memref_slice %arg3[%add3A, %dma_start3A_152, %dma_start3A_153] : memref<32x80x128xi32, #tpu.memory_space<hbm>> -> memref<1x80x128xi32, #tpu.memory_space<hbm>>
      %dma_start3A_155 = tpu.memref_squeeze %dma_start3A_154 : memref<1x80x128xi32, #tpu.memory_space<hbm>> -> memref<80x128xi32, #tpu.memory_space<hbm>>
      tpu.enqueue_dma source(%dma_start3A_155 : memref<80x128xi32, #tpu.memory_space<hbm>>) target(%arg7 : memref<80x128xi32, #tpu.memory_space<vmem>>) target_semaphore(%run_scoped3A : memref<!tpu.dma_semaphore, #tpu.memory_space<semaphore_mem>>)
      %dma_wait3A_156 = arith.constant 0 : i32
      %dma_wait3A_157 = arith.constant 0 : i32
      %dma_wait3A_158 = tpu.memref_slice %arg3[%add3A, %dma_wait3A_156, %dma_wait3A_157] : memref<32x80x128xi32, #tpu.memory_space<hbm>> -> memref<1x80x128xi32, #tpu.memory_space<hbm>>
      %dma_wait3A_159 = tpu.memref_squeeze %dma_wait3A_158 : memref<1x80x128xi32, #tpu.memory_space<hbm>> -> memref<80x128xi32, #tpu.memory_space<hbm>>
      %dma_wait3A_160 = arith.constant 0 : i32
      %dma_wait3A_161 = arith.constant 0 : i32
      %dma_wait3A_162 = tpu.memref_slice %arg3[%add3A, %dma_wait3A_160, %dma_wait3A_161] : memref<32x80x128xi32, #tpu.memory_space<hbm>> -> memref<1x80x128xi32, #tpu.memory_space<hbm>>
      %dma_wait3A_163 = tpu.memref_squeeze %dma_wait3A_162 : memref<1x80x128xi32, #tpu.memory_space<hbm>> -> memref<80x128xi32, #tpu.memory_space<hbm>>
      tpu.wait_dma2 semaphore(%run_scoped3A : memref<!tpu.dma_semaphore, #tpu.memory_space<semaphore_mem>>) src(%dma_wait3A_163 : memref<80x128xi32, #tpu.memory_space<hbm>>) dst(%arg7 : memref<80x128xi32, #tpu.memory_space<vmem>>)
      tpu.yield
    }) : () -> ()
    "tpu.region"() ({
      %run_scoped3A = tpu.sem_alloc : memref<!tpu.dma_semaphore, #tpu.memory_space<semaphore_mem>>
      %dma_start3A_148 = arith.constant 0 : i32
      %dma_start3A_149 = arith.constant 0 : i32
      %dma_start3A_150 = tpu.memref_slice %arg4[%add3A, %dma_start3A_148, %dma_start3A_149] : memref<32x80x128xi32, #tpu.memory_space<hbm>> -> memref<1x80x128xi32, #tpu.memory_space<hbm>>
      %dma_start3A_151 = tpu.memref_squeeze %dma_start3A_150 : memref<1x80x128xi32, #tpu.memory_space<hbm>> -> memref<80x128xi32, #tpu.memory_space<hbm>>
      %dma_start3A_152 = arith.constant 0 : i32
      %dma_start3A_153 = arith.constant 0 : i32
      %dma_start3A_154 = tpu.memref_slice %arg4[%add3A, %dma_start3A_152, %dma_start3A_153] : memref<32x80x128xi32, #tpu.memory_space<hbm>> -> memref<1x80x128xi32, #tpu.memory_space<hbm>>
      %dma_start3A_155 = tpu.memref_squeeze %dma_start3A_154 : memref<1x80x128xi32, #tpu.memory_space<hbm>> -> memref<80x128xi32, #tpu.memory_space<hbm>>
      tpu.enqueue_dma source(%dma_start3A_155 : memref<80x128xi32, #tpu.memory_space<hbm>>) target(%arg8 : memref<80x128xi32, #tpu.memory_space<vmem>>) target_semaphore(%run_scoped3A : memref<!tpu.dma_semaphore, #tpu.memory_space<semaphore_mem>>)
      %dma_wait3A_156 = arith.constant 0 : i32
      %dma_wait3A_157 = arith.constant 0 : i32
      %dma_wait3A_158 = tpu.memref_slice %arg4[%add3A, %dma_wait3A_156, %dma_wait3A_157] : memref<32x80x128xi32, #tpu.memory_space<hbm>> -> memref<1x80x128xi32, #tpu.memory_space<hbm>>
      %dma_wait3A_159 = tpu.memref_squeeze %dma_wait3A_158 : memref<1x80x128xi32, #tpu.memory_space<hbm>> -> memref<80x128xi32, #tpu.memory_space<hbm>>
      %dma_wait3A_160 = arith.constant 0 : i32
      %dma_wait3A_161 = arith.constant 0 : i32
      %dma_wait3A_162 = tpu.memref_slice %arg4[%add3A, %dma_wait3A_160, %dma_wait3A_161] : memref<32x80x128xi32, #tpu.memory_space<hbm>> -> memref<1x80x128xi32, #tpu.memory_space<hbm>>
      %dma_wait3A_163 = tpu.memref_squeeze %dma_wait3A_162 : memref<1x80x128xi32, #tpu.memory_space<hbm>> -> memref<80x128xi32, #tpu.memory_space<hbm>>
      tpu.wait_dma2 semaphore(%run_scoped3A : memref<!tpu.dma_semaphore, #tpu.memory_space<semaphore_mem>>) src(%dma_wait3A_163 : memref<80x128xi32, #tpu.memory_space<hbm>>) dst(%arg8 : memref<80x128xi32, #tpu.memory_space<vmem>>)
      tpu.yield
    }) : () -> ()
    "tpu.region"() ({
      %run_scoped3A = tpu.sem_alloc : memref<!tpu.dma_semaphore, #tpu.memory_space<semaphore_mem>>
      tpu.enqueue_dma source(%arg5 : memref<128x64xf32, #tpu.memory_space<hbm>>) target(%arg10 : memref<128x64xf32, #tpu.memory_space<vmem>>) target_semaphore(%run_scoped3A : memref<!tpu.dma_semaphore, #tpu.memory_space<semaphore_mem>>)
      tpu.wait_dma2 semaphore(%run_scoped3A : memref<!tpu.dma_semaphore, #tpu.memory_space<semaphore_mem>>) src(%arg5 : memref<128x64xf32, #tpu.memory_space<hbm>>) dst(%arg10 : memref<128x64xf32, #tpu.memory_space<vmem>>)
      tpu.yield
    }) : () -> ()
    %mul3A_1 = arith.constant 640 : i32
    %mul3A_2 = arith.muli %arg1, %mul3A_1 : i32
    %add3A_3 = arith.constant 0 : i32
    %add3A_4 = arith.addi %mul3A_2, %add3A_3 : i32
    "tpu.region"() ({
      %run_scoped3A = tpu.sem_alloc : memref<!tpu.dma_semaphore, #tpu.memory_space<semaphore_mem>>
      %dma_start3A_148 = arith.constant 0 : i32
      %dma_start3A_149 = tpu.memref_slice %arg11[%add3A_4, %dma_start3A_148] : memref<10240x64xf32, #tpu.memory_space<vmem_shared>> -> memref<128x64xf32, #tpu.memory_space<vmem_shared>>
      %dma_start3A_150 = arith.constant 0 : i32
      %dma_start3A_151 = tpu.memref_slice %arg11[%add3A_4, %dma_start3A_150] : memref<10240x64xf32, #tpu.memory_space<vmem_shared>> -> memref<128x64xf32, #tpu.memory_space<vmem_shared>>
      tpu.enqueue_dma source(%arg10 : memref<128x64xf32, #tpu.memory_space<vmem>>) target(%dma_start3A_151 : memref<128x64xf32, #tpu.memory_space<vmem_shared>>) target_semaphore(%run_scoped3A : memref<!tpu.dma_semaphore, #tpu.memory_space<semaphore_mem>>)
      %dma_wait3A_152 = arith.constant 0 : i32
      %dma_wait3A_153 = tpu.memref_slice %arg11[%add3A_4, %dma_wait3A_152] : memref<10240x64xf32, #tpu.memory_space<vmem_shared>> -> memref<128x64xf32, #tpu.memory_space<vmem_shared>>
      %dma_wait3A_154 = arith.constant 0 : i32
      %dma_wait3A_155 = tpu.memref_slice %arg11[%add3A_4, %dma_wait3A_154] : memref<10240x64xf32, #tpu.memory_space<vmem_shared>> -> memref<128x64xf32, #tpu.memory_space<vmem_shared>>
      tpu.wait_dma2 semaphore(%run_scoped3A : memref<!tpu.dma_semaphore, #tpu.memory_space<semaphore_mem>>) src(%arg10 : memref<128x64xf32, #tpu.memory_space<vmem>>) dst(%dma_wait3A_155 : memref<128x64xf32, #tpu.memory_space<vmem_shared>>)
      tpu.yield
    }) : () -> ()
    %mul3A_5 = arith.constant 640 : i32
    %mul3A_6 = arith.muli %arg1, %mul3A_5 : i32
    %add3A_7 = arith.constant 128 : i32
    %add3A_8 = arith.addi %mul3A_6, %add3A_7 : i32
    "tpu.region"() ({
      %run_scoped3A = tpu.sem_alloc : memref<!tpu.dma_semaphore, #tpu.memory_space<semaphore_mem>>
      %dma_start3A_148 = arith.constant 0 : i32
      %dma_start3A_149 = tpu.memref_slice %arg11[%add3A_8, %dma_start3A_148] : memref<10240x64xf32, #tpu.memory_space<vmem_shared>> -> memref<128x64xf32, #tpu.memory_space<vmem_shared>>
      %dma_start3A_150 = arith.constant 0 : i32
      %dma_start3A_151 = tpu.memref_slice %arg11[%add3A_8, %dma_start3A_150] : memref<10240x64xf32, #tpu.memory_space<vmem_shared>> -> memref<128x64xf32, #tpu.memory_space<vmem_shared>>
      tpu.enqueue_dma source(%arg10 : memref<128x64xf32, #tpu.memory_space<vmem>>) target(%dma_start3A_151 : memref<128x64xf32, #tpu.memory_space<vmem_shared>>) target_semaphore(%run_scoped3A : memref<!tpu.dma_semaphore, #tpu.memory_space<semaphore_mem>>)
      %dma_wait3A_152 = arith.constant 0 : i32
      %dma_wait3A_153 = tpu.memref_slice %arg11[%add3A_8, %dma_wait3A_152] : memref<10240x64xf32, #tpu.memory_space<vmem_shared>> -> memref<128x64xf32, #tpu.memory_space<vmem_shared>>
      %dma_wait3A_154 = arith.constant 0 : i32
      %dma_wait3A_155 = tpu.memref_slice %arg11[%add3A_8, %dma_wait3A_154] : memref<10240x64xf32, #tpu.memory_space<vmem_shared>> -> memref<128x64xf32, #tpu.memory_space<vmem_shared>>
      tpu.wait_dma2 semaphore(%run_scoped3A : memref<!tpu.dma_semaphore, #tpu.memory_space<semaphore_mem>>) src(%arg10 : memref<128x64xf32, #tpu.memory_space<vmem>>) dst(%dma_wait3A_155 : memref<128x64xf32, #tpu.memory_space<vmem_shared>>)
      tpu.yield
    }) : () -> ()
    %mul3A_9 = arith.constant 640 : i32
    %mul3A_10 = arith.muli %arg1, %mul3A_9 : i32
    %add3A_11 = arith.constant 256 : i32
    %add3A_12 = arith.addi %mul3A_10, %add3A_11 : i32
    "tpu.region"() ({
      %run_scoped3A = tpu.sem_alloc : memref<!tpu.dma_semaphore, #tpu.memory_space<semaphore_mem>>
      %dma_start3A_148 = arith.constant 0 : i32
      %dma_start3A_149 = tpu.memref_slice %arg11[%add3A_12, %dma_start3A_148] : memref<10240x64xf32, #tpu.memory_space<vmem_shared>> -> memref<128x64xf32, #tpu.memory_space<vmem_shared>>
      %dma_start3A_150 = arith.constant 0 : i32
      %dma_start3A_151 = tpu.memref_slice %arg11[%add3A_12, %dma_start3A_150] : memref<10240x64xf32, #tpu.memory_space<vmem_shared>> -> memref<128x64xf32, #tpu.memory_space<vmem_shared>>
      tpu.enqueue_dma source(%arg10 : memref<128x64xf32, #tpu.memory_space<vmem>>) target(%dma_start3A_151 : memref<128x64xf32, #tpu.memory_space<vmem_shared>>) target_semaphore(%run_scoped3A : memref<!tpu.dma_semaphore, #tpu.memory_space<semaphore_mem>>)
      %dma_wait3A_152 = arith.constant 0 : i32
      %dma_wait3A_153 = tpu.memref_slice %arg11[%add3A_12, %dma_wait3A_152] : memref<10240x64xf32, #tpu.memory_space<vmem_shared>> -> memref<128x64xf32, #tpu.memory_space<vmem_shared>>
      %dma_wait3A_154 = arith.constant 0 : i32
      %dma_wait3A_155 = tpu.memref_slice %arg11[%add3A_12, %dma_wait3A_154] : memref<10240x64xf32, #tpu.memory_space<vmem_shared>> -> memref<128x64xf32, #tpu.memory_space<vmem_shared>>
      tpu.wait_dma2 semaphore(%run_scoped3A : memref<!tpu.dma_semaphore, #tpu.memory_space<semaphore_mem>>) src(%arg10 : memref<128x64xf32, #tpu.memory_space<vmem>>) dst(%dma_wait3A_155 : memref<128x64xf32, #tpu.memory_space<vmem_shared>>)
      tpu.yield
    }) : () -> ()
    %mul3A_13 = arith.constant 640 : i32
    %mul3A_14 = arith.muli %arg1, %mul3A_13 : i32
    %add3A_15 = arith.constant 384 : i32
    %add3A_16 = arith.addi %mul3A_14, %add3A_15 : i32
    "tpu.region"() ({
      %run_scoped3A = tpu.sem_alloc : memref<!tpu.dma_semaphore, #tpu.memory_space<semaphore_mem>>
      %dma_start3A_148 = arith.constant 0 : i32
      %dma_start3A_149 = tpu.memref_slice %arg11[%add3A_16, %dma_start3A_148] : memref<10240x64xf32, #tpu.memory_space<vmem_shared>> -> memref<128x64xf32, #tpu.memory_space<vmem_shared>>
      %dma_start3A_150 = arith.constant 0 : i32
      %dma_start3A_151 = tpu.memref_slice %arg11[%add3A_16, %dma_start3A_150] : memref<10240x64xf32, #tpu.memory_space<vmem_shared>> -> memref<128x64xf32, #tpu.memory_space<vmem_shared>>
      tpu.enqueue_dma source(%arg10 : memref<128x64xf32, #tpu.memory_space<vmem>>) target(%dma_start3A_151 : memref<128x64xf32, #tpu.memory_space<vmem_shared>>) target_semaphore(%run_scoped3A : memref<!tpu.dma_semaphore, #tpu.memory_space<semaphore_mem>>)
      %dma_wait3A_152 = arith.constant 0 : i32
      %dma_wait3A_153 = tpu.memref_slice %arg11[%add3A_16, %dma_wait3A_152] : memref<10240x64xf32, #tpu.memory_space<vmem_shared>> -> memref<128x64xf32, #tpu.memory_space<vmem_shared>>
      %dma_wait3A_154 = arith.constant 0 : i32
      %dma_wait3A_155 = tpu.memref_slice %arg11[%add3A_16, %dma_wait3A_154] : memref<10240x64xf32, #tpu.memory_space<vmem_shared>> -> memref<128x64xf32, #tpu.memory_space<vmem_shared>>
      tpu.wait_dma2 semaphore(%run_scoped3A : memref<!tpu.dma_semaphore, #tpu.memory_space<semaphore_mem>>) src(%arg10 : memref<128x64xf32, #tpu.memory_space<vmem>>) dst(%dma_wait3A_155 : memref<128x64xf32, #tpu.memory_space<vmem_shared>>)
      tpu.yield
    }) : () -> ()
    %mul3A_17 = arith.constant 640 : i32
    %mul3A_18 = arith.muli %arg1, %mul3A_17 : i32
    %add3A_19 = arith.constant 512 : i32
    %add3A_20 = arith.addi %mul3A_18, %add3A_19 : i32
    "tpu.region"() ({
      %run_scoped3A = tpu.sem_alloc : memref<!tpu.dma_semaphore, #tpu.memory_space<semaphore_mem>>
      %dma_start3A_148 = arith.constant 0 : i32
      %dma_start3A_149 = tpu.memref_slice %arg11[%add3A_20, %dma_start3A_148] : memref<10240x64xf32, #tpu.memory_space<vmem_shared>> -> memref<128x64xf32, #tpu.memory_space<vmem_shared>>
      %dma_start3A_150 = arith.constant 0 : i32
      %dma_start3A_151 = tpu.memref_slice %arg11[%add3A_20, %dma_start3A_150] : memref<10240x64xf32, #tpu.memory_space<vmem_shared>> -> memref<128x64xf32, #tpu.memory_space<vmem_shared>>
      tpu.enqueue_dma source(%arg10 : memref<128x64xf32, #tpu.memory_space<vmem>>) target(%dma_start3A_151 : memref<128x64xf32, #tpu.memory_space<vmem_shared>>) target_semaphore(%run_scoped3A : memref<!tpu.dma_semaphore, #tpu.memory_space<semaphore_mem>>)
      %dma_wait3A_152 = arith.constant 0 : i32
      %dma_wait3A_153 = tpu.memref_slice %arg11[%add3A_20, %dma_wait3A_152] : memref<10240x64xf32, #tpu.memory_space<vmem_shared>> -> memref<128x64xf32, #tpu.memory_space<vmem_shared>>
      %dma_wait3A_154 = arith.constant 0 : i32
      %dma_wait3A_155 = tpu.memref_slice %arg11[%add3A_20, %dma_wait3A_154] : memref<10240x64xf32, #tpu.memory_space<vmem_shared>> -> memref<128x64xf32, #tpu.memory_space<vmem_shared>>
      tpu.wait_dma2 semaphore(%run_scoped3A : memref<!tpu.dma_semaphore, #tpu.memory_space<semaphore_mem>>) src(%arg10 : memref<128x64xf32, #tpu.memory_space<vmem>>) dst(%dma_wait3A_155 : memref<128x64xf32, #tpu.memory_space<vmem_shared>>)
      tpu.yield
    }) : () -> ()
    %barrier3A = arith.constant 0 : index
    tpu.barrier barrier_id(%barrier3A)
    %dma_start3A = arith.constant 0 : i32
    %dma_start3A_21 = arith.constant 0 : i32
    %dma_start3A_22 = arith.constant 0 : i32
    %dma_start3A_23 = arith.constant 0 : i32
    %dma_start3A_24 = arith.constant 0 : i32
    %dma_start3A_25 = tpu.memref_slice %arg9[%dma_start3A_21, %dma_start3A_23, %dma_start3A_24] : memref<4x128x64xf32, #tpu.memory_space<vmem>> -> memref<1x128x64xf32, #tpu.memory_space<vmem>>
    %dma_start3A_26 = tpu.memref_squeeze %dma_start3A_25 : memref<1x128x64xf32, #tpu.memory_space<vmem>> -> memref<128x64xf32, #tpu.memory_space<vmem>>
    %dma_start3A_27 = arith.constant 0 : i32
    %dma_start3A_28 = tpu.memref_slice %arg7[%dma_start3A, %dma_start3A_27] : memref<80x128xi32, #tpu.memory_space<vmem>> -> memref<1x128xi32, #tpu.memory_space<vmem>>
    %dma_start3A_29 = tpu.memref_squeeze %dma_start3A_28 : memref<1x128xi32, #tpu.memory_space<vmem>> -> memref<128xi32, #tpu.memory_space<vmem>>
    %dma_start3A_30 = arith.constant 0 : i32
    %dma_start3A_31 = arith.constant 0 : i32
    %dma_start3A_32 = tpu.memref_slice %arg2[%dma_start3A_30, %dma_start3A_31] : memref<10000x64xf32, #tpu.memory_space<hbm>> -> memref<10000x64xf32, #tpu.memory_space<hbm>>
    %dma_start3A_33 = tpu.memref_slice %arg12[%dma_start3A_22] : memref<4x!tpu.dma_semaphore, #tpu.memory_space<semaphore_mem>> -> memref<1x!tpu.dma_semaphore, #tpu.memory_space<semaphore_mem>>
    %dma_start3A_34 = tpu.memref_squeeze %dma_start3A_33 : memref<1x!tpu.dma_semaphore, #tpu.memory_space<semaphore_mem>> -> memref<!tpu.dma_semaphore, #tpu.memory_space<semaphore_mem>>
    tpu.enqueue_indirect_dma source(%dma_start3A_32 : memref<10000x64xf32, #tpu.memory_space<hbm>>) target(%dma_start3A_26 : memref<128x64xf32, #tpu.memory_space<vmem>>) offsets(%dma_start3A_29 : memref<128xi32, #tpu.memory_space<vmem>>) semaphore(%dma_start3A_34 : memref<!tpu.dma_semaphore, #tpu.memory_space<semaphore_mem>>)
    %dma_start3A_35 = arith.constant 1 : i32
    %dma_start3A_36 = arith.constant 1 : i32
    %dma_start3A_37 = arith.constant 1 : i32
    %dma_start3A_38 = arith.constant 0 : i32
    %dma_start3A_39 = arith.constant 0 : i32
    %dma_start3A_40 = tpu.memref_slice %arg9[%dma_start3A_36, %dma_start3A_38, %dma_start3A_39] : memref<4x128x64xf32, #tpu.memory_space<vmem>> -> memref<1x128x64xf32, #tpu.memory_space<vmem>>
    %dma_start3A_41 = tpu.memref_squeeze %dma_start3A_40 : memref<1x128x64xf32, #tpu.memory_space<vmem>> -> memref<128x64xf32, #tpu.memory_space<vmem>>
    %dma_start3A_42 = arith.constant 0 : i32
    %dma_start3A_43 = tpu.memref_slice %arg7[%dma_start3A_35, %dma_start3A_42] : memref<80x128xi32, #tpu.memory_space<vmem>> -> memref<1x128xi32, #tpu.memory_space<vmem>>
    %dma_start3A_44 = tpu.memref_squeeze %dma_start3A_43 : memref<1x128xi32, #tpu.memory_space<vmem>> -> memref<128xi32, #tpu.memory_space<vmem>>
    %dma_start3A_45 = arith.constant 0 : i32
    %dma_start3A_46 = arith.constant 0 : i32
    %dma_start3A_47 = tpu.memref_slice %arg2[%dma_start3A_45, %dma_start3A_46] : memref<10000x64xf32, #tpu.memory_space<hbm>> -> memref<10000x64xf32, #tpu.memory_space<hbm>>
    %dma_start3A_48 = tpu.memref_slice %arg12[%dma_start3A_37] : memref<4x!tpu.dma_semaphore, #tpu.memory_space<semaphore_mem>> -> memref<1x!tpu.dma_semaphore, #tpu.memory_space<semaphore_mem>>
    %dma_start3A_49 = tpu.memref_squeeze %dma_start3A_48 : memref<1x!tpu.dma_semaphore, #tpu.memory_space<semaphore_mem>> -> memref<!tpu.dma_semaphore, #tpu.memory_space<semaphore_mem>>
    tpu.enqueue_indirect_dma source(%dma_start3A_47 : memref<10000x64xf32, #tpu.memory_space<hbm>>) target(%dma_start3A_41 : memref<128x64xf32, #tpu.memory_space<vmem>>) offsets(%dma_start3A_44 : memref<128xi32, #tpu.memory_space<vmem>>) semaphore(%dma_start3A_49 : memref<!tpu.dma_semaphore, #tpu.memory_space<semaphore_mem>>)
    %dma_start3A_50 = arith.constant 2 : i32
    %dma_start3A_51 = arith.constant 2 : i32
    %dma_start3A_52 = arith.constant 2 : i32
    %dma_start3A_53 = arith.constant 0 : i32
    %dma_start3A_54 = arith.constant 0 : i32
    %dma_start3A_55 = tpu.memref_slice %arg9[%dma_start3A_51, %dma_start3A_53, %dma_start3A_54] : memref<4x128x64xf32, #tpu.memory_space<vmem>> -> memref<1x128x64xf32, #tpu.memory_space<vmem>>
    %dma_start3A_56 = tpu.memref_squeeze %dma_start3A_55 : memref<1x128x64xf32, #tpu.memory_space<vmem>> -> memref<128x64xf32, #tpu.memory_space<vmem>>
    %dma_start3A_57 = arith.constant 0 : i32
    %dma_start3A_58 = tpu.memref_slice %arg7[%dma_start3A_50, %dma_start3A_57] : memref<80x128xi32, #tpu.memory_space<vmem>> -> memref<1x128xi32, #tpu.memory_space<vmem>>
    %dma_start3A_59 = tpu.memref_squeeze %dma_start3A_58 : memref<1x128xi32, #tpu.memory_space<vmem>> -> memref<128xi32, #tpu.memory_space<vmem>>
    %dma_start3A_60 = arith.constant 0 : i32
    %dma_start3A_61 = arith.constant 0 : i32
    %dma_start3A_62 = tpu.memref_slice %arg2[%dma_start3A_60, %dma_start3A_61] : memref<10000x64xf32, #tpu.memory_space<hbm>> -> memref<10000x64xf32, #tpu.memory_space<hbm>>
    %dma_start3A_63 = tpu.memref_slice %arg12[%dma_start3A_52] : memref<4x!tpu.dma_semaphore, #tpu.memory_space<semaphore_mem>> -> memref<1x!tpu.dma_semaphore, #tpu.memory_space<semaphore_mem>>
    %dma_start3A_64 = tpu.memref_squeeze %dma_start3A_63 : memref<1x!tpu.dma_semaphore, #tpu.memory_space<semaphore_mem>> -> memref<!tpu.dma_semaphore, #tpu.memory_space<semaphore_mem>>
    tpu.enqueue_indirect_dma source(%dma_start3A_62 : memref<10000x64xf32, #tpu.memory_space<hbm>>) target(%dma_start3A_56 : memref<128x64xf32, #tpu.memory_space<vmem>>) offsets(%dma_start3A_59 : memref<128xi32, #tpu.memory_space<vmem>>) semaphore(%dma_start3A_64 : memref<!tpu.dma_semaphore, #tpu.memory_space<semaphore_mem>>)
    %dma_start3A_65 = arith.constant 3 : i32
    %dma_start3A_66 = arith.constant 3 : i32
    %dma_start3A_67 = arith.constant 3 : i32
    %dma_start3A_68 = arith.constant 0 : i32
    %dma_start3A_69 = arith.constant 0 : i32
    %dma_start3A_70 = tpu.memref_slice %arg9[%dma_start3A_66, %dma_start3A_68, %dma_start3A_69] : memref<4x128x64xf32, #tpu.memory_space<vmem>> -> memref<1x128x64xf32, #tpu.memory_space<vmem>>
    %dma_start3A_71 = tpu.memref_squeeze %dma_start3A_70 : memref<1x128x64xf32, #tpu.memory_space<vmem>> -> memref<128x64xf32, #tpu.memory_space<vmem>>
    %dma_start3A_72 = arith.constant 0 : i32
    %dma_start3A_73 = tpu.memref_slice %arg7[%dma_start3A_65, %dma_start3A_72] : memref<80x128xi32, #tpu.memory_space<vmem>> -> memref<1x128xi32, #tpu.memory_space<vmem>>
    %dma_start3A_74 = tpu.memref_squeeze %dma_start3A_73 : memref<1x128xi32, #tpu.memory_space<vmem>> -> memref<128xi32, #tpu.memory_space<vmem>>
    %dma_start3A_75 = arith.constant 0 : i32
    %dma_start3A_76 = arith.constant 0 : i32
    %dma_start3A_77 = tpu.memref_slice %arg2[%dma_start3A_75, %dma_start3A_76] : memref<10000x64xf32, #tpu.memory_space<hbm>> -> memref<10000x64xf32, #tpu.memory_space<hbm>>
    %dma_start3A_78 = tpu.memref_slice %arg12[%dma_start3A_67] : memref<4x!tpu.dma_semaphore, #tpu.memory_space<semaphore_mem>> -> memref<1x!tpu.dma_semaphore, #tpu.memory_space<semaphore_mem>>
    %dma_start3A_79 = tpu.memref_squeeze %dma_start3A_78 : memref<1x!tpu.dma_semaphore, #tpu.memory_space<semaphore_mem>> -> memref<!tpu.dma_semaphore, #tpu.memory_space<semaphore_mem>>
    tpu.enqueue_indirect_dma source(%dma_start3A_77 : memref<10000x64xf32, #tpu.memory_space<hbm>>) target(%dma_start3A_71 : memref<128x64xf32, #tpu.memory_space<vmem>>) offsets(%dma_start3A_74 : memref<128xi32, #tpu.memory_space<vmem>>) semaphore(%dma_start3A_79 : memref<!tpu.dma_semaphore, #tpu.memory_space<semaphore_mem>>)
    %scan3A = arith.constant 0 : i32
    %scan3A_80 = arith.constant 20 : i32
    %scan3A_81 = arith.addi %scan3A, %scan3A_80 : i32
    %scan3A_82 = arith.constant 1 : i32
    scf.for %scan3A_148 = %scan3A to %scan3A_81 step %scan3A_82  : i32 {
      %mul3A_149 = arith.constant 4 : i32
      %mul3A_150 = arith.muli %scan3A_148, %mul3A_149 : i32
      %add3A_151 = arith.constant 0 : i32
      %add3A_152 = arith.addi %add3A_151, %mul3A_150 : i32
      %add3A_153 = arith.constant 0 : i32
      %add3A_154 = arith.addi %add3A_152, %add3A_153 : i32
      %dma_wait3A_155 = arith.constant 0 : i32
      %dma_wait3A_156 = arith.constant 0 : i32
      %dma_wait3A_157 = arith.constant 0 : i32
      %dma_wait3A_158 = arith.constant 0 : i32
      %dma_wait3A_159 = tpu.memref_slice %arg9[%dma_wait3A_155, %dma_wait3A_157, %dma_wait3A_158] : memref<4x128x64xf32, #tpu.memory_space<vmem>> -> memref<1x128x64xf32, #tpu.memory_space<vmem>>
      %dma_wait3A_160 = tpu.memref_squeeze %dma_wait3A_159 : memref<1x128x64xf32, #tpu.memory_space<vmem>> -> memref<128x64xf32, #tpu.memory_space<vmem>>
      %dma_wait3A_161 = arith.constant 0 : i32
      %dma_wait3A_162 = tpu.memref_slice %arg7[%add3A_154, %dma_wait3A_161] : memref<80x128xi32, #tpu.memory_space<vmem>> -> memref<1x128xi32, #tpu.memory_space<vmem>>
      %dma_wait3A_163 = tpu.memref_squeeze %dma_wait3A_162 : memref<1x128xi32, #tpu.memory_space<vmem>> -> memref<128xi32, #tpu.memory_space<vmem>>
      %dma_wait3A_164 = arith.constant 0 : i32
      %dma_wait3A_165 = arith.constant 0 : i32
      %dma_wait3A_166 = tpu.memref_slice %arg2[%dma_wait3A_164, %dma_wait3A_165] : memref<10000x64xf32, #tpu.memory_space<hbm>> -> memref<10000x64xf32, #tpu.memory_space<hbm>>
      %dma_wait3A_167 = tpu.memref_slice %arg12[%dma_wait3A_156] : memref<4x!tpu.dma_semaphore, #tpu.memory_space<semaphore_mem>> -> memref<1x!tpu.dma_semaphore, #tpu.memory_space<semaphore_mem>>
      %dma_wait3A_168 = tpu.memref_squeeze %dma_wait3A_167 : memref<1x!tpu.dma_semaphore, #tpu.memory_space<semaphore_mem>> -> memref<!tpu.dma_semaphore, #tpu.memory_space<semaphore_mem>>
      tpu.wait_indirect_dma semaphore(%dma_wait3A_168 : memref<!tpu.dma_semaphore, #tpu.memory_space<semaphore_mem>>) src(%dma_wait3A_166 : memref<10000x64xf32, #tpu.memory_space<hbm>>) dst(%dma_wait3A_160 : memref<128x64xf32, #tpu.memory_space<vmem>>)
      %dma_start3A_169 = arith.constant 0 : i32
      %dma_start3A_170 = arith.constant 0 : i32
      %dma_start3A_171 = arith.constant 0 : i32
      %dma_start3A_172 = arith.constant 0 : i32
      %dma_start3A_173 = tpu.memref_slice %arg9[%dma_start3A_169, %dma_start3A_171, %dma_start3A_172] : memref<4x128x64xf32, #tpu.memory_space<vmem>> -> memref<1x128x64xf32, #tpu.memory_space<vmem>>
      %dma_start3A_174 = tpu.memref_squeeze %dma_start3A_173 : memref<1x128x64xf32, #tpu.memory_space<vmem>> -> memref<128x64xf32, #tpu.memory_space<vmem>>
      %dma_start3A_175 = arith.constant 0 : i32
      %dma_start3A_176 = tpu.memref_slice %arg8[%add3A_154, %dma_start3A_175] : memref<80x128xi32, #tpu.memory_space<vmem>> -> memref<1x128xi32, #tpu.memory_space<vmem>>
      %dma_start3A_177 = tpu.memref_squeeze %dma_start3A_176 : memref<1x128xi32, #tpu.memory_space<vmem>> -> memref<128xi32, #tpu.memory_space<vmem>>
      %dma_start3A_178 = arith.constant 0 : i32
      %dma_start3A_179 = arith.constant 0 : i32
      %dma_start3A_180 = tpu.memref_slice %arg11[%dma_start3A_178, %dma_start3A_179] : memref<10240x64xf32, #tpu.memory_space<vmem_shared>> -> memref<10240x64xf32, #tpu.memory_space<vmem_shared>>
      %dma_start3A_181 = tpu.memref_slice %arg13[%dma_start3A_170] : memref<4x!tpu.dma_semaphore, #tpu.memory_space<semaphore_mem>> -> memref<1x!tpu.dma_semaphore, #tpu.memory_space<semaphore_mem>>
      %dma_start3A_182 = tpu.memref_squeeze %dma_start3A_181 : memref<1x!tpu.dma_semaphore, #tpu.memory_space<semaphore_mem>> -> memref<!tpu.dma_semaphore, #tpu.memory_space<semaphore_mem>>
      tpu.enqueue_indirect_dma source(%dma_start3A_174 : memref<128x64xf32, #tpu.memory_space<vmem>>) target(%dma_start3A_180 : memref<10240x64xf32, #tpu.memory_space<vmem_shared>>) offsets(%dma_start3A_177 : memref<128xi32, #tpu.memory_space<vmem>>) semaphore(%dma_start3A_182 : memref<!tpu.dma_semaphore, #tpu.memory_space<semaphore_mem>>) {add = true}
      %add3A_183 = arith.constant 4 : i32
      %add3A_184 = arith.addi %add3A_154, %add3A_183 : i32
      %lt3A = arith.constant 80 : i32
      %lt3A_185 = arith.cmpi slt, %add3A_184, %lt3A : i32
      %convert_element_type3A = arith.extui %lt3A_185 : i1 to i32
      %cond3A = arith.constant 0 : i32
      %cond3A_186 = arith.cmpi ne, %convert_element_type3A, %cond3A : i32
      scf.if %cond3A_186 {
        %dma_wait3A_298 = arith.constant 0 : i32
        %dma_wait3A_299 = arith.constant 0 : i32
        %dma_wait3A_300 = arith.constant 0 : i32
        %dma_wait3A_301 = arith.constant 0 : i32
        %dma_wait3A_302 = tpu.memref_slice %arg9[%dma_wait3A_298, %dma_wait3A_300, %dma_wait3A_301] : memref<4x128x64xf32, #tpu.memory_space<vmem>> -> memref<1x128x64xf32, #tpu.memory_space<vmem>>
        %dma_wait3A_303 = tpu.memref_squeeze %dma_wait3A_302 : memref<1x128x64xf32, #tpu.memory_space<vmem>> -> memref<128x64xf32, #tpu.memory_space<vmem>>
        %dma_wait3A_304 = arith.constant 0 : i32
        %dma_wait3A_305 = tpu.memref_slice %arg8[%add3A_154, %dma_wait3A_304] : memref<80x128xi32, #tpu.memory_space<vmem>> -> memref<1x128xi32, #tpu.memory_space<vmem>>
        %dma_wait3A_306 = tpu.memref_squeeze %dma_wait3A_305 : memref<1x128xi32, #tpu.memory_space<vmem>> -> memref<128xi32, #tpu.memory_space<vmem>>
        %dma_wait3A_307 = arith.constant 0 : i32
        %dma_wait3A_308 = arith.constant 0 : i32
        %dma_wait3A_309 = tpu.memref_slice %arg11[%dma_wait3A_307, %dma_wait3A_308] : memref<10240x64xf32, #tpu.memory_space<vmem_shared>> -> memref<10240x64xf32, #tpu.memory_space<vmem_shared>>
        %dma_wait3A_310 = tpu.memref_slice %arg13[%dma_wait3A_299] : memref<4x!tpu.dma_semaphore, #tpu.memory_space<semaphore_mem>> -> memref<1x!tpu.dma_semaphore, #tpu.memory_space<semaphore_mem>>
        %dma_wait3A_311 = tpu.memref_squeeze %dma_wait3A_310 : memref<1x!tpu.dma_semaphore, #tpu.memory_space<semaphore_mem>> -> memref<!tpu.dma_semaphore, #tpu.memory_space<semaphore_mem>>
        tpu.wait_indirect_dma semaphore(%dma_wait3A_311 : memref<!tpu.dma_semaphore, #tpu.memory_space<semaphore_mem>>) src(%dma_wait3A_303 : memref<128x64xf32, #tpu.memory_space<vmem>>) dst(%dma_wait3A_309 : memref<10240x64xf32, #tpu.memory_space<vmem_shared>>)
        %dma_start3A_312 = arith.constant 0 : i32
        %dma_start3A_313 = arith.constant 0 : i32
        %dma_start3A_314 = arith.constant 0 : i32
        %dma_start3A_315 = arith.constant 0 : i32
        %dma_start3A_316 = tpu.memref_slice %arg9[%dma_start3A_312, %dma_start3A_314, %dma_start3A_315] : memref<4x128x64xf32, #tpu.memory_space<vmem>> -> memref<1x128x64xf32, #tpu.memory_space<vmem>>
        %dma_start3A_317 = tpu.memref_squeeze %dma_start3A_316 : memref<1x128x64xf32, #tpu.memory_space<vmem>> -> memref<128x64xf32, #tpu.memory_space<vmem>>
        %dma_start3A_318 = arith.constant 0 : i32
        %dma_start3A_319 = tpu.memref_slice %arg7[%add3A_184, %dma_start3A_318] : memref<80x128xi32, #tpu.memory_space<vmem>> -> memref<1x128xi32, #tpu.memory_space<vmem>>
        %dma_start3A_320 = tpu.memref_squeeze %dma_start3A_319 : memref<1x128xi32, #tpu.memory_space<vmem>> -> memref<128xi32, #tpu.memory_space<vmem>>
        %dma_start3A_321 = arith.constant 0 : i32
        %dma_start3A_322 = arith.constant 0 : i32
        %dma_start3A_323 = tpu.memref_slice %arg2[%dma_start3A_321, %dma_start3A_322] : memref<10000x64xf32, #tpu.memory_space<hbm>> -> memref<10000x64xf32, #tpu.memory_space<hbm>>
        %dma_start3A_324 = tpu.memref_slice %arg12[%dma_start3A_313] : memref<4x!tpu.dma_semaphore, #tpu.memory_space<semaphore_mem>> -> memref<1x!tpu.dma_semaphore, #tpu.memory_space<semaphore_mem>>
        %dma_start3A_325 = tpu.memref_squeeze %dma_start3A_324 : memref<1x!tpu.dma_semaphore, #tpu.memory_space<semaphore_mem>> -> memref<!tpu.dma_semaphore, #tpu.memory_space<semaphore_mem>>
        tpu.enqueue_indirect_dma source(%dma_start3A_323 : memref<10000x64xf32, #tpu.memory_space<hbm>>) target(%dma_start3A_317 : memref<128x64xf32, #tpu.memory_space<vmem>>) offsets(%dma_start3A_320 : memref<128xi32, #tpu.memory_space<vmem>>) semaphore(%dma_start3A_325 : memref<!tpu.dma_semaphore, #tpu.memory_space<semaphore_mem>>)
      } else {
      }
      %add3A_187 = arith.constant 1 : i32
      %add3A_188 = arith.addi %add3A_152, %add3A_187 : i32
      %dma_wait3A_189 = arith.constant 1 : i32
      %dma_wait3A_190 = arith.constant 1 : i32
      %dma_wait3A_191 = arith.constant 0 : i32
      %dma_wait3A_192 = arith.constant 0 : i32
      %dma_wait3A_193 = tpu.memref_slice %arg9[%dma_wait3A_189, %dma_wait3A_191, %dma_wait3A_192] : memref<4x128x64xf32, #tpu.memory_space<vmem>> -> memref<1x128x64xf32, #tpu.memory_space<vmem>>
      %dma_wait3A_194 = tpu.memref_squeeze %dma_wait3A_193 : memref<1x128x64xf32, #tpu.memory_space<vmem>> -> memref<128x64xf32, #tpu.memory_space<vmem>>
      %dma_wait3A_195 = arith.constant 0 : i32
      %dma_wait3A_196 = tpu.memref_slice %arg7[%add3A_188, %dma_wait3A_195] : memref<80x128xi32, #tpu.memory_space<vmem>> -> memref<1x128xi32, #tpu.memory_space<vmem>>
      %dma_wait3A_197 = tpu.memref_squeeze %dma_wait3A_196 : memref<1x128xi32, #tpu.memory_space<vmem>> -> memref<128xi32, #tpu.memory_space<vmem>>
      %dma_wait3A_198 = arith.constant 0 : i32
      %dma_wait3A_199 = arith.constant 0 : i32
      %dma_wait3A_200 = tpu.memref_slice %arg2[%dma_wait3A_198, %dma_wait3A_199] : memref<10000x64xf32, #tpu.memory_space<hbm>> -> memref<10000x64xf32, #tpu.memory_space<hbm>>
      %dma_wait3A_201 = tpu.memref_slice %arg12[%dma_wait3A_190] : memref<4x!tpu.dma_semaphore, #tpu.memory_space<semaphore_mem>> -> memref<1x!tpu.dma_semaphore, #tpu.memory_space<semaphore_mem>>
      %dma_wait3A_202 = tpu.memref_squeeze %dma_wait3A_201 : memref<1x!tpu.dma_semaphore, #tpu.memory_space<semaphore_mem>> -> memref<!tpu.dma_semaphore, #tpu.memory_space<semaphore_mem>>
      tpu.wait_indirect_dma semaphore(%dma_wait3A_202 : memref<!tpu.dma_semaphore, #tpu.memory_space<semaphore_mem>>) src(%dma_wait3A_200 : memref<10000x64xf32, #tpu.memory_space<hbm>>) dst(%dma_wait3A_194 : memref<128x64xf32, #tpu.memory_space<vmem>>)
      %dma_start3A_203 = arith.constant 1 : i32
      %dma_start3A_204 = arith.constant 1 : i32
      %dma_start3A_205 = arith.constant 0 : i32
      %dma_start3A_206 = arith.constant 0 : i32
      %dma_start3A_207 = tpu.memref_slice %arg9[%dma_start3A_203, %dma_start3A_205, %dma_start3A_206] : memref<4x128x64xf32, #tpu.memory_space<vmem>> -> memref<1x128x64xf32, #tpu.memory_space<vmem>>
      %dma_start3A_208 = tpu.memref_squeeze %dma_start3A_207 : memref<1x128x64xf32, #tpu.memory_space<vmem>> -> memref<128x64xf32, #tpu.memory_space<vmem>>
      %dma_start3A_209 = arith.constant 0 : i32
      %dma_start3A_210 = tpu.memref_slice %arg8[%add3A_188, %dma_start3A_209] : memref<80x128xi32, #tpu.memory_space<vmem>> -> memref<1x128xi32, #tpu.memory_space<vmem>>
      %dma_start3A_211 = tpu.memref_squeeze %dma_start3A_210 : memref<1x128xi32, #tpu.memory_space<vmem>> -> memref<128xi32, #tpu.memory_space<vmem>>
      %dma_start3A_212 = arith.constant 0 : i32
      %dma_start3A_213 = arith.constant 0 : i32
      %dma_start3A_214 = tpu.memref_slice %arg11[%dma_start3A_212, %dma_start3A_213] : memref<10240x64xf32, #tpu.memory_space<vmem_shared>> -> memref<10240x64xf32, #tpu.memory_space<vmem_shared>>
      %dma_start3A_215 = tpu.memref_slice %arg13[%dma_start3A_204] : memref<4x!tpu.dma_semaphore, #tpu.memory_space<semaphore_mem>> -> memref<1x!tpu.dma_semaphore, #tpu.memory_space<semaphore_mem>>
      %dma_start3A_216 = tpu.memref_squeeze %dma_start3A_215 : memref<1x!tpu.dma_semaphore, #tpu.memory_space<semaphore_mem>> -> memref<!tpu.dma_semaphore, #tpu.memory_space<semaphore_mem>>
      tpu.enqueue_indirect_dma source(%dma_start3A_208 : memref<128x64xf32, #tpu.memory_space<vmem>>) target(%dma_start3A_214 : memref<10240x64xf32, #tpu.memory_space<vmem_shared>>) offsets(%dma_start3A_211 : memref<128xi32, #tpu.memory_space<vmem>>) semaphore(%dma_start3A_216 : memref<!tpu.dma_semaphore, #tpu.memory_space<semaphore_mem>>) {add = true}
      %add3A_217 = arith.constant 4 : i32
      %add3A_218 = arith.addi %add3A_188, %add3A_217 : i32
      %lt3A_219 = arith.constant 80 : i32
      %lt3A_220 = arith.cmpi slt, %add3A_218, %lt3A_219 : i32
      %convert_element_type3A_221 = arith.extui %lt3A_220 : i1 to i32
      %cond3A_222 = arith.constant 0 : i32
      %cond3A_223 = arith.cmpi ne, %convert_element_type3A_221, %cond3A_222 : i32
      scf.if %cond3A_223 {
        %dma_wait3A_298 = arith.constant 1 : i32
        %dma_wait3A_299 = arith.constant 1 : i32
        %dma_wait3A_300 = arith.constant 0 : i32
        %dma_wait3A_301 = arith.constant 0 : i32
        %dma_wait3A_302 = tpu.memref_slice %arg9[%dma_wait3A_298, %dma_wait3A_300, %dma_wait3A_301] : memref<4x128x64xf32, #tpu.memory_space<vmem>> -> memref<1x128x64xf32, #tpu.memory_space<vmem>>
        %dma_wait3A_303 = tpu.memref_squeeze %dma_wait3A_302 : memref<1x128x64xf32, #tpu.memory_space<vmem>> -> memref<128x64xf32, #tpu.memory_space<vmem>>
        %dma_wait3A_304 = arith.constant 0 : i32
        %dma_wait3A_305 = tpu.memref_slice %arg8[%add3A_188, %dma_wait3A_304] : memref<80x128xi32, #tpu.memory_space<vmem>> -> memref<1x128xi32, #tpu.memory_space<vmem>>
        %dma_wait3A_306 = tpu.memref_squeeze %dma_wait3A_305 : memref<1x128xi32, #tpu.memory_space<vmem>> -> memref<128xi32, #tpu.memory_space<vmem>>
        %dma_wait3A_307 = arith.constant 0 : i32
        %dma_wait3A_308 = arith.constant 0 : i32
        %dma_wait3A_309 = tpu.memref_slice %arg11[%dma_wait3A_307, %dma_wait3A_308] : memref<10240x64xf32, #tpu.memory_space<vmem_shared>> -> memref<10240x64xf32, #tpu.memory_space<vmem_shared>>
        %dma_wait3A_310 = tpu.memref_slice %arg13[%dma_wait3A_299] : memref<4x!tpu.dma_semaphore, #tpu.memory_space<semaphore_mem>> -> memref<1x!tpu.dma_semaphore, #tpu.memory_space<semaphore_mem>>
        %dma_wait3A_311 = tpu.memref_squeeze %dma_wait3A_310 : memref<1x!tpu.dma_semaphore, #tpu.memory_space<semaphore_mem>> -> memref<!tpu.dma_semaphore, #tpu.memory_space<semaphore_mem>>
        tpu.wait_indirect_dma semaphore(%dma_wait3A_311 : memref<!tpu.dma_semaphore, #tpu.memory_space<semaphore_mem>>) src(%dma_wait3A_303 : memref<128x64xf32, #tpu.memory_space<vmem>>) dst(%dma_wait3A_309 : memref<10240x64xf32, #tpu.memory_space<vmem_shared>>)
        %dma_start3A_312 = arith.constant 1 : i32
        %dma_start3A_313 = arith.constant 1 : i32
        %dma_start3A_314 = arith.constant 0 : i32
        %dma_start3A_315 = arith.constant 0 : i32
        %dma_start3A_316 = tpu.memref_slice %arg9[%dma_start3A_312, %dma_start3A_314, %dma_start3A_315] : memref<4x128x64xf32, #tpu.memory_space<vmem>> -> memref<1x128x64xf32, #tpu.memory_space<vmem>>
        %dma_start3A_317 = tpu.memref_squeeze %dma_start3A_316 : memref<1x128x64xf32, #tpu.memory_space<vmem>> -> memref<128x64xf32, #tpu.memory_space<vmem>>
        %dma_start3A_318 = arith.constant 0 : i32
        %dma_start3A_319 = tpu.memref_slice %arg7[%add3A_218, %dma_start3A_318] : memref<80x128xi32, #tpu.memory_space<vmem>> -> memref<1x128xi32, #tpu.memory_space<vmem>>
        %dma_start3A_320 = tpu.memref_squeeze %dma_start3A_319 : memref<1x128xi32, #tpu.memory_space<vmem>> -> memref<128xi32, #tpu.memory_space<vmem>>
        %dma_start3A_321 = arith.constant 0 : i32
        %dma_start3A_322 = arith.constant 0 : i32
        %dma_start3A_323 = tpu.memref_slice %arg2[%dma_start3A_321, %dma_start3A_322] : memref<10000x64xf32, #tpu.memory_space<hbm>> -> memref<10000x64xf32, #tpu.memory_space<hbm>>
        %dma_start3A_324 = tpu.memref_slice %arg12[%dma_start3A_313] : memref<4x!tpu.dma_semaphore, #tpu.memory_space<semaphore_mem>> -> memref<1x!tpu.dma_semaphore, #tpu.memory_space<semaphore_mem>>
        %dma_start3A_325 = tpu.memref_squeeze %dma_start3A_324 : memref<1x!tpu.dma_semaphore, #tpu.memory_space<semaphore_mem>> -> memref<!tpu.dma_semaphore, #tpu.memory_space<semaphore_mem>>
        tpu.enqueue_indirect_dma source(%dma_start3A_323 : memref<10000x64xf32, #tpu.memory_space<hbm>>) target(%dma_start3A_317 : memref<128x64xf32, #tpu.memory_space<vmem>>) offsets(%dma_start3A_320 : memref<128xi32, #tpu.memory_space<vmem>>) semaphore(%dma_start3A_325 : memref<!tpu.dma_semaphore, #tpu.memory_space<semaphore_mem>>)
      } else {
      }
      %add3A_224 = arith.constant 2 : i32
      %add3A_225 = arith.addi %add3A_152, %add3A_224 : i32
      %dma_wait3A_226 = arith.constant 2 : i32
      %dma_wait3A_227 = arith.constant 2 : i32
      %dma_wait3A_228 = arith.constant 0 : i32
      %dma_wait3A_229 = arith.constant 0 : i32
      %dma_wait3A_230 = tpu.memref_slice %arg9[%dma_wait3A_226, %dma_wait3A_228, %dma_wait3A_229] : memref<4x128x64xf32, #tpu.memory_space<vmem>> -> memref<1x128x64xf32, #tpu.memory_space<vmem>>
      %dma_wait3A_231 = tpu.memref_squeeze %dma_wait3A_230 : memref<1x128x64xf32, #tpu.memory_space<vmem>> -> memref<128x64xf32, #tpu.memory_space<vmem>>
      %dma_wait3A_232 = arith.constant 0 : i32
      %dma_wait3A_233 = tpu.memref_slice %arg7[%add3A_225, %dma_wait3A_232] : memref<80x128xi32, #tpu.memory_space<vmem>> -> memref<1x128xi32, #tpu.memory_space<vmem>>
      %dma_wait3A_234 = tpu.memref_squeeze %dma_wait3A_233 : memref<1x128xi32, #tpu.memory_space<vmem>> -> memref<128xi32, #tpu.memory_space<vmem>>
      %dma_wait3A_235 = arith.constant 0 : i32
      %dma_wait3A_236 = arith.constant 0 : i32
      %dma_wait3A_237 = tpu.memref_slice %arg2[%dma_wait3A_235, %dma_wait3A_236] : memref<10000x64xf32, #tpu.memory_space<hbm>> -> memref<10000x64xf32, #tpu.memory_space<hbm>>
      %dma_wait3A_238 = tpu.memref_slice %arg12[%dma_wait3A_227] : memref<4x!tpu.dma_semaphore, #tpu.memory_space<semaphore_mem>> -> memref<1x!tpu.dma_semaphore, #tpu.memory_space<semaphore_mem>>
      %dma_wait3A_239 = tpu.memref_squeeze %dma_wait3A_238 : memref<1x!tpu.dma_semaphore, #tpu.memory_space<semaphore_mem>> -> memref<!tpu.dma_semaphore, #tpu.memory_space<semaphore_mem>>
      tpu.wait_indirect_dma semaphore(%dma_wait3A_239 : memref<!tpu.dma_semaphore, #tpu.memory_space<semaphore_mem>>) src(%dma_wait3A_237 : memref<10000x64xf32, #tpu.memory_space<hbm>>) dst(%dma_wait3A_231 : memref<128x64xf32, #tpu.memory_space<vmem>>)
      %dma_start3A_240 = arith.constant 2 : i32
      %dma_start3A_241 = arith.constant 2 : i32
      %dma_start3A_242 = arith.constant 0 : i32
      %dma_start3A_243 = arith.constant 0 : i32
      %dma_start3A_244 = tpu.memref_slice %arg9[%dma_start3A_240, %dma_start3A_242, %dma_start3A_243] : memref<4x128x64xf32, #tpu.memory_space<vmem>> -> memref<1x128x64xf32, #tpu.memory_space<vmem>>
      %dma_start3A_245 = tpu.memref_squeeze %dma_start3A_244 : memref<1x128x64xf32, #tpu.memory_space<vmem>> -> memref<128x64xf32, #tpu.memory_space<vmem>>
      %dma_start3A_246 = arith.constant 0 : i32
      %dma_start3A_247 = tpu.memref_slice %arg8[%add3A_225, %dma_start3A_246] : memref<80x128xi32, #tpu.memory_space<vmem>> -> memref<1x128xi32, #tpu.memory_space<vmem>>
      %dma_start3A_248 = tpu.memref_squeeze %dma_start3A_247 : memref<1x128xi32, #tpu.memory_space<vmem>> -> memref<128xi32, #tpu.memory_space<vmem>>
      %dma_start3A_249 = arith.constant 0 : i32
      %dma_start3A_250 = arith.constant 0 : i32
      %dma_start3A_251 = tpu.memref_slice %arg11[%dma_start3A_249, %dma_start3A_250] : memref<10240x64xf32, #tpu.memory_space<vmem_shared>> -> memref<10240x64xf32, #tpu.memory_space<vmem_shared>>
      %dma_start3A_252 = tpu.memref_slice %arg13[%dma_start3A_241] : memref<4x!tpu.dma_semaphore, #tpu.memory_space<semaphore_mem>> -> memref<1x!tpu.dma_semaphore, #tpu.memory_space<semaphore_mem>>
      %dma_start3A_253 = tpu.memref_squeeze %dma_start3A_252 : memref<1x!tpu.dma_semaphore, #tpu.memory_space<semaphore_mem>> -> memref<!tpu.dma_semaphore, #tpu.memory_space<semaphore_mem>>
      tpu.enqueue_indirect_dma source(%dma_start3A_245 : memref<128x64xf32, #tpu.memory_space<vmem>>) target(%dma_start3A_251 : memref<10240x64xf32, #tpu.memory_space<vmem_shared>>) offsets(%dma_start3A_248 : memref<128xi32, #tpu.memory_space<vmem>>) semaphore(%dma_start3A_253 : memref<!tpu.dma_semaphore, #tpu.memory_space<semaphore_mem>>) {add = true}
      %add3A_254 = arith.constant 4 : i32
      %add3A_255 = arith.addi %add3A_225, %add3A_254 : i32
      %lt3A_256 = arith.constant 80 : i32
      %lt3A_257 = arith.cmpi slt, %add3A_255, %lt3A_256 : i32
      %convert_element_type3A_258 = arith.extui %lt3A_257 : i1 to i32
      %cond3A_259 = arith.constant 0 : i32
      %cond3A_260 = arith.cmpi ne, %convert_element_type3A_258, %cond3A_259 : i32
      scf.if %cond3A_260 {
        %dma_wait3A_298 = arith.constant 2 : i32
        %dma_wait3A_299 = arith.constant 2 : i32
        %dma_wait3A_300 = arith.constant 0 : i32
        %dma_wait3A_301 = arith.constant 0 : i32
        %dma_wait3A_302 = tpu.memref_slice %arg9[%dma_wait3A_298, %dma_wait3A_300, %dma_wait3A_301] : memref<4x128x64xf32, #tpu.memory_space<vmem>> -> memref<1x128x64xf32, #tpu.memory_space<vmem>>
        %dma_wait3A_303 = tpu.memref_squeeze %dma_wait3A_302 : memref<1x128x64xf32, #tpu.memory_space<vmem>> -> memref<128x64xf32, #tpu.memory_space<vmem>>
        %dma_wait3A_304 = arith.constant 0 : i32
        %dma_wait3A_305 = tpu.memref_slice %arg8[%add3A_225, %dma_wait3A_304] : memref<80x128xi32, #tpu.memory_space<vmem>> -> memref<1x128xi32, #tpu.memory_space<vmem>>
        %dma_wait3A_306 = tpu.memref_squeeze %dma_wait3A_305 : memref<1x128xi32, #tpu.memory_space<vmem>> -> memref<128xi32, #tpu.memory_space<vmem>>
        %dma_wait3A_307 = arith.constant 0 : i32
        %dma_wait3A_308 = arith.constant 0 : i32
        %dma_wait3A_309 = tpu.memref_slice %arg11[%dma_wait3A_307, %dma_wait3A_308] : memref<10240x64xf32, #tpu.memory_space<vmem_shared>> -> memref<10240x64xf32, #tpu.memory_space<vmem_shared>>
        %dma_wait3A_310 = tpu.memref_slice %arg13[%dma_wait3A_299] : memref<4x!tpu.dma_semaphore, #tpu.memory_space<semaphore_mem>> -> memref<1x!tpu.dma_semaphore, #tpu.memory_space<semaphore_mem>>
        %dma_wait3A_311 = tpu.memref_squeeze %dma_wait3A_310 : memref<1x!tpu.dma_semaphore, #tpu.memory_space<semaphore_mem>> -> memref<!tpu.dma_semaphore, #tpu.memory_space<semaphore_mem>>
        tpu.wait_indirect_dma semaphore(%dma_wait3A_311 : memref<!tpu.dma_semaphore, #tpu.memory_space<semaphore_mem>>) src(%dma_wait3A_303 : memref<128x64xf32, #tpu.memory_space<vmem>>) dst(%dma_wait3A_309 : memref<10240x64xf32, #tpu.memory_space<vmem_shared>>)
        %dma_start3A_312 = arith.constant 2 : i32
        %dma_start3A_313 = arith.constant 2 : i32
        %dma_start3A_314 = arith.constant 0 : i32
        %dma_start3A_315 = arith.constant 0 : i32
        %dma_start3A_316 = tpu.memref_slice %arg9[%dma_start3A_312, %dma_start3A_314, %dma_start3A_315] : memref<4x128x64xf32, #tpu.memory_space<vmem>> -> memref<1x128x64xf32, #tpu.memory_space<vmem>>
        %dma_start3A_317 = tpu.memref_squeeze %dma_start3A_316 : memref<1x128x64xf32, #tpu.memory_space<vmem>> -> memref<128x64xf32, #tpu.memory_space<vmem>>
        %dma_start3A_318 = arith.constant 0 : i32
        %dma_start3A_319 = tpu.memref_slice %arg7[%add3A_255, %dma_start3A_318] : memref<80x128xi32, #tpu.memory_space<vmem>> -> memref<1x128xi32, #tpu.memory_space<vmem>>
        %dma_start3A_320 = tpu.memref_squeeze %dma_start3A_319 : memref<1x128xi32, #tpu.memory_space<vmem>> -> memref<128xi32, #tpu.memory_space<vmem>>
        %dma_start3A_321 = arith.constant 0 : i32
        %dma_start3A_322 = arith.constant 0 : i32
        %dma_start3A_323 = tpu.memref_slice %arg2[%dma_start3A_321, %dma_start3A_322] : memref<10000x64xf32, #tpu.memory_space<hbm>> -> memref<10000x64xf32, #tpu.memory_space<hbm>>
        %dma_start3A_324 = tpu.memref_slice %arg12[%dma_start3A_313] : memref<4x!tpu.dma_semaphore, #tpu.memory_space<semaphore_mem>> -> memref<1x!tpu.dma_semaphore, #tpu.memory_space<semaphore_mem>>
        %dma_start3A_325 = tpu.memref_squeeze %dma_start3A_324 : memref<1x!tpu.dma_semaphore, #tpu.memory_space<semaphore_mem>> -> memref<!tpu.dma_semaphore, #tpu.memory_space<semaphore_mem>>
        tpu.enqueue_indirect_dma source(%dma_start3A_323 : memref<10000x64xf32, #tpu.memory_space<hbm>>) target(%dma_start3A_317 : memref<128x64xf32, #tpu.memory_space<vmem>>) offsets(%dma_start3A_320 : memref<128xi32, #tpu.memory_space<vmem>>) semaphore(%dma_start3A_325 : memref<!tpu.dma_semaphore, #tpu.memory_space<semaphore_mem>>)
      } else {
      }
      %add3A_261 = arith.constant 3 : i32
      %add3A_262 = arith.addi %add3A_152, %add3A_261 : i32
      %dma_wait3A_263 = arith.constant 3 : i32
      %dma_wait3A_264 = arith.constant 3 : i32
      %dma_wait3A_265 = arith.constant 0 : i32
      %dma_wait3A_266 = arith.constant 0 : i32
      %dma_wait3A_267 = tpu.memref_slice %arg9[%dma_wait3A_263, %dma_wait3A_265, %dma_wait3A_266] : memref<4x128x64xf32, #tpu.memory_space<vmem>> -> memref<1x128x64xf32, #tpu.memory_space<vmem>>
      %dma_wait3A_268 = tpu.memref_squeeze %dma_wait3A_267 : memref<1x128x64xf32, #tpu.memory_space<vmem>> -> memref<128x64xf32, #tpu.memory_space<vmem>>
      %dma_wait3A_269 = arith.constant 0 : i32
      %dma_wait3A_270 = tpu.memref_slice %arg7[%add3A_262, %dma_wait3A_269] : memref<80x128xi32, #tpu.memory_space<vmem>> -> memref<1x128xi32, #tpu.memory_space<vmem>>
      %dma_wait3A_271 = tpu.memref_squeeze %dma_wait3A_270 : memref<1x128xi32, #tpu.memory_space<vmem>> -> memref<128xi32, #tpu.memory_space<vmem>>
      %dma_wait3A_272 = arith.constant 0 : i32
      %dma_wait3A_273 = arith.constant 0 : i32
      %dma_wait3A_274 = tpu.memref_slice %arg2[%dma_wait3A_272, %dma_wait3A_273] : memref<10000x64xf32, #tpu.memory_space<hbm>> -> memref<10000x64xf32, #tpu.memory_space<hbm>>
      %dma_wait3A_275 = tpu.memref_slice %arg12[%dma_wait3A_264] : memref<4x!tpu.dma_semaphore, #tpu.memory_space<semaphore_mem>> -> memref<1x!tpu.dma_semaphore, #tpu.memory_space<semaphore_mem>>
      %dma_wait3A_276 = tpu.memref_squeeze %dma_wait3A_275 : memref<1x!tpu.dma_semaphore, #tpu.memory_space<semaphore_mem>> -> memref<!tpu.dma_semaphore, #tpu.memory_space<semaphore_mem>>
      tpu.wait_indirect_dma semaphore(%dma_wait3A_276 : memref<!tpu.dma_semaphore, #tpu.memory_space<semaphore_mem>>) src(%dma_wait3A_274 : memref<10000x64xf32, #tpu.memory_space<hbm>>) dst(%dma_wait3A_268 : memref<128x64xf32, #tpu.memory_space<vmem>>)
      %dma_start3A_277 = arith.constant 3 : i32
      %dma_start3A_278 = arith.constant 3 : i32
      %dma_start3A_279 = arith.constant 0 : i32
      %dma_start3A_280 = arith.constant 0 : i32
      %dma_start3A_281 = tpu.memref_slice %arg9[%dma_start3A_277, %dma_start3A_279, %dma_start3A_280] : memref<4x128x64xf32, #tpu.memory_space<vmem>> -> memref<1x128x64xf32, #tpu.memory_space<vmem>>
      %dma_start3A_282 = tpu.memref_squeeze %dma_start3A_281 : memref<1x128x64xf32, #tpu.memory_space<vmem>> -> memref<128x64xf32, #tpu.memory_space<vmem>>
      %dma_start3A_283 = arith.constant 0 : i32
      %dma_start3A_284 = tpu.memref_slice %arg8[%add3A_262, %dma_start3A_283] : memref<80x128xi32, #tpu.memory_space<vmem>> -> memref<1x128xi32, #tpu.memory_space<vmem>>
      %dma_start3A_285 = tpu.memref_squeeze %dma_start3A_284 : memref<1x128xi32, #tpu.memory_space<vmem>> -> memref<128xi32, #tpu.memory_space<vmem>>
      %dma_start3A_286 = arith.constant 0 : i32
      %dma_start3A_287 = arith.constant 0 : i32
      %dma_start3A_288 = tpu.memref_slice %arg11[%dma_start3A_286, %dma_start3A_287] : memref<10240x64xf32, #tpu.memory_space<vmem_shared>> -> memref<10240x64xf32, #tpu.memory_space<vmem_shared>>
      %dma_start3A_289 = tpu.memref_slice %arg13[%dma_start3A_278] : memref<4x!tpu.dma_semaphore, #tpu.memory_space<semaphore_mem>> -> memref<1x!tpu.dma_semaphore, #tpu.memory_space<semaphore_mem>>
      %dma_start3A_290 = tpu.memref_squeeze %dma_start3A_289 : memref<1x!tpu.dma_semaphore, #tpu.memory_space<semaphore_mem>> -> memref<!tpu.dma_semaphore, #tpu.memory_space<semaphore_mem>>
      tpu.enqueue_indirect_dma source(%dma_start3A_282 : memref<128x64xf32, #tpu.memory_space<vmem>>) target(%dma_start3A_288 : memref<10240x64xf32, #tpu.memory_space<vmem_shared>>) offsets(%dma_start3A_285 : memref<128xi32, #tpu.memory_space<vmem>>) semaphore(%dma_start3A_290 : memref<!tpu.dma_semaphore, #tpu.memory_space<semaphore_mem>>) {add = true}
      %add3A_291 = arith.constant 4 : i32
      %add3A_292 = arith.addi %add3A_262, %add3A_291 : i32
      %lt3A_293 = arith.constant 80 : i32
      %lt3A_294 = arith.cmpi slt, %add3A_292, %lt3A_293 : i32
      %convert_element_type3A_295 = arith.extui %lt3A_294 : i1 to i32
      %cond3A_296 = arith.constant 0 : i32
      %cond3A_297 = arith.cmpi ne, %convert_element_type3A_295, %cond3A_296 : i32
      scf.if %cond3A_297 {
        %dma_wait3A_298 = arith.constant 3 : i32
        %dma_wait3A_299 = arith.constant 3 : i32
        %dma_wait3A_300 = arith.constant 0 : i32
        %dma_wait3A_301 = arith.constant 0 : i32
        %dma_wait3A_302 = tpu.memref_slice %arg9[%dma_wait3A_298, %dma_wait3A_300, %dma_wait3A_301] : memref<4x128x64xf32, #tpu.memory_space<vmem>> -> memref<1x128x64xf32, #tpu.memory_space<vmem>>
        %dma_wait3A_303 = tpu.memref_squeeze %dma_wait3A_302 : memref<1x128x64xf32, #tpu.memory_space<vmem>> -> memref<128x64xf32, #tpu.memory_space<vmem>>
        %dma_wait3A_304 = arith.constant 0 : i32
        %dma_wait3A_305 = tpu.memref_slice %arg8[%add3A_262, %dma_wait3A_304] : memref<80x128xi32, #tpu.memory_space<vmem>> -> memref<1x128xi32, #tpu.memory_space<vmem>>
        %dma_wait3A_306 = tpu.memref_squeeze %dma_wait3A_305 : memref<1x128xi32, #tpu.memory_space<vmem>> -> memref<128xi32, #tpu.memory_space<vmem>>
        %dma_wait3A_307 = arith.constant 0 : i32
        %dma_wait3A_308 = arith.constant 0 : i32
        %dma_wait3A_309 = tpu.memref_slice %arg11[%dma_wait3A_307, %dma_wait3A_308] : memref<10240x64xf32, #tpu.memory_space<vmem_shared>> -> memref<10240x64xf32, #tpu.memory_space<vmem_shared>>
        %dma_wait3A_310 = tpu.memref_slice %arg13[%dma_wait3A_299] : memref<4x!tpu.dma_semaphore, #tpu.memory_space<semaphore_mem>> -> memref<1x!tpu.dma_semaphore, #tpu.memory_space<semaphore_mem>>
        %dma_wait3A_311 = tpu.memref_squeeze %dma_wait3A_310 : memref<1x!tpu.dma_semaphore, #tpu.memory_space<semaphore_mem>> -> memref<!tpu.dma_semaphore, #tpu.memory_space<semaphore_mem>>
        tpu.wait_indirect_dma semaphore(%dma_wait3A_311 : memref<!tpu.dma_semaphore, #tpu.memory_space<semaphore_mem>>) src(%dma_wait3A_303 : memref<128x64xf32, #tpu.memory_space<vmem>>) dst(%dma_wait3A_309 : memref<10240x64xf32, #tpu.memory_space<vmem_shared>>)
        %dma_start3A_312 = arith.constant 3 : i32
        %dma_start3A_313 = arith.constant 3 : i32
        %dma_start3A_314 = arith.constant 0 : i32
        %dma_start3A_315 = arith.constant 0 : i32
        %dma_start3A_316 = tpu.memref_slice %arg9[%dma_start3A_312, %dma_start3A_314, %dma_start3A_315] : memref<4x128x64xf32, #tpu.memory_space<vmem>> -> memref<1x128x64xf32, #tpu.memory_space<vmem>>
        %dma_start3A_317 = tpu.memref_squeeze %dma_start3A_316 : memref<1x128x64xf32, #tpu.memory_space<vmem>> -> memref<128x64xf32, #tpu.memory_space<vmem>>
        %dma_start3A_318 = arith.constant 0 : i32
        %dma_start3A_319 = tpu.memref_slice %arg7[%add3A_292, %dma_start3A_318] : memref<80x128xi32, #tpu.memory_space<vmem>> -> memref<1x128xi32, #tpu.memory_space<vmem>>
        %dma_start3A_320 = tpu.memref_squeeze %dma_start3A_319 : memref<1x128xi32, #tpu.memory_space<vmem>> -> memref<128xi32, #tpu.memory_space<vmem>>
        %dma_start3A_321 = arith.constant 0 : i32
        %dma_start3A_322 = arith.constant 0 : i32
        %dma_start3A_323 = tpu.memref_slice %arg2[%dma_start3A_321, %dma_start3A_322] : memref<10000x64xf32, #tpu.memory_space<hbm>> -> memref<10000x64xf32, #tpu.memory_space<hbm>>
        %dma_start3A_324 = tpu.memref_slice %arg12[%dma_start3A_313] : memref<4x!tpu.dma_semaphore, #tpu.memory_space<semaphore_mem>> -> memref<1x!tpu.dma_semaphore, #tpu.memory_space<semaphore_mem>>
        %dma_start3A_325 = tpu.memref_squeeze %dma_start3A_324 : memref<1x!tpu.dma_semaphore, #tpu.memory_space<semaphore_mem>> -> memref<!tpu.dma_semaphore, #tpu.memory_space<semaphore_mem>>
        tpu.enqueue_indirect_dma source(%dma_start3A_323 : memref<10000x64xf32, #tpu.memory_space<hbm>>) target(%dma_start3A_317 : memref<128x64xf32, #tpu.memory_space<vmem>>) offsets(%dma_start3A_320 : memref<128xi32, #tpu.memory_space<vmem>>) semaphore(%dma_start3A_325 : memref<!tpu.dma_semaphore, #tpu.memory_space<semaphore_mem>>)
      } else {
      }
    }
    %scan3A_83 = arith.constant 20 : i32
    %dma_wait3A = arith.constant 0 : i32
    %dma_wait3A_84 = arith.constant 0 : i32
    %dma_wait3A_85 = arith.constant 0 : i32
    %dma_wait3A_86 = arith.constant 0 : i32
    %dma_wait3A_87 = arith.constant 0 : i32
    %dma_wait3A_88 = tpu.memref_slice %arg9[%dma_wait3A, %dma_wait3A_86, %dma_wait3A_87] : memref<4x128x64xf32, #tpu.memory_space<vmem>> -> memref<1x128x64xf32, #tpu.memory_space<vmem>>
    %dma_wait3A_89 = tpu.memref_squeeze %dma_wait3A_88 : memref<1x128x64xf32, #tpu.memory_space<vmem>> -> memref<128x64xf32, #tpu.memory_space<vmem>>
    %dma_wait3A_90 = arith.constant 0 : i32
    %dma_wait3A_91 = tpu.memref_slice %arg8[%dma_wait3A_84, %dma_wait3A_90] : memref<80x128xi32, #tpu.memory_space<vmem>> -> memref<1x128xi32, #tpu.memory_space<vmem>>
    %dma_wait3A_92 = tpu.memref_squeeze %dma_wait3A_91 : memref<1x128xi32, #tpu.memory_space<vmem>> -> memref<128xi32, #tpu.memory_space<vmem>>
    %dma_wait3A_93 = arith.constant 0 : i32
    %dma_wait3A_94 = arith.constant 0 : i32
    %dma_wait3A_95 = tpu.memref_slice %arg11[%dma_wait3A_93, %dma_wait3A_94] : memref<10240x64xf32, #tpu.memory_space<vmem_shared>> -> memref<10240x64xf32, #tpu.memory_space<vmem_shared>>
    %dma_wait3A_96 = tpu.memref_slice %arg13[%dma_wait3A_85] : memref<4x!tpu.dma_semaphore, #tpu.memory_space<semaphore_mem>> -> memref<1x!tpu.dma_semaphore, #tpu.memory_space<semaphore_mem>>
    %dma_wait3A_97 = tpu.memref_squeeze %dma_wait3A_96 : memref<1x!tpu.dma_semaphore, #tpu.memory_space<semaphore_mem>> -> memref<!tpu.dma_semaphore, #tpu.memory_space<semaphore_mem>>
    tpu.wait_indirect_dma semaphore(%dma_wait3A_97 : memref<!tpu.dma_semaphore, #tpu.memory_space<semaphore_mem>>) src(%dma_wait3A_89 : memref<128x64xf32, #tpu.memory_space<vmem>>) dst(%dma_wait3A_95 : memref<10240x64xf32, #tpu.memory_space<vmem_shared>>)
    %dma_wait3A_98 = arith.constant 1 : i32
    %dma_wait3A_99 = arith.constant 1 : i32
    %dma_wait3A_100 = arith.constant 1 : i32
    %dma_wait3A_101 = arith.constant 0 : i32
    %dma_wait3A_102 = arith.constant 0 : i32
    %dma_wait3A_103 = tpu.memref_slice %arg9[%dma_wait3A_98, %dma_wait3A_101, %dma_wait3A_102] : memref<4x128x64xf32, #tpu.memory_space<vmem>> -> memref<1x128x64xf32, #tpu.memory_space<vmem>>
    %dma_wait3A_104 = tpu.memref_squeeze %dma_wait3A_103 : memref<1x128x64xf32, #tpu.memory_space<vmem>> -> memref<128x64xf32, #tpu.memory_space<vmem>>
    %dma_wait3A_105 = arith.constant 0 : i32
    %dma_wait3A_106 = tpu.memref_slice %arg8[%dma_wait3A_99, %dma_wait3A_105] : memref<80x128xi32, #tpu.memory_space<vmem>> -> memref<1x128xi32, #tpu.memory_space<vmem>>
    %dma_wait3A_107 = tpu.memref_squeeze %dma_wait3A_106 : memref<1x128xi32, #tpu.memory_space<vmem>> -> memref<128xi32, #tpu.memory_space<vmem>>
    %dma_wait3A_108 = arith.constant 0 : i32
    %dma_wait3A_109 = arith.constant 0 : i32
    %dma_wait3A_110 = tpu.memref_slice %arg11[%dma_wait3A_108, %dma_wait3A_109] : memref<10240x64xf32, #tpu.memory_space<vmem_shared>> -> memref<10240x64xf32, #tpu.memory_space<vmem_shared>>
    %dma_wait3A_111 = tpu.memref_slice %arg13[%dma_wait3A_100] : memref<4x!tpu.dma_semaphore, #tpu.memory_space<semaphore_mem>> -> memref<1x!tpu.dma_semaphore, #tpu.memory_space<semaphore_mem>>
    %dma_wait3A_112 = tpu.memref_squeeze %dma_wait3A_111 : memref<1x!tpu.dma_semaphore, #tpu.memory_space<semaphore_mem>> -> memref<!tpu.dma_semaphore, #tpu.memory_space<semaphore_mem>>
    tpu.wait_indirect_dma semaphore(%dma_wait3A_112 : memref<!tpu.dma_semaphore, #tpu.memory_space<semaphore_mem>>) src(%dma_wait3A_104 : memref<128x64xf32, #tpu.memory_space<vmem>>) dst(%dma_wait3A_110 : memref<10240x64xf32, #tpu.memory_space<vmem_shared>>)
    %dma_wait3A_113 = arith.constant 2 : i32
    %dma_wait3A_114 = arith.constant 2 : i32
    %dma_wait3A_115 = arith.constant 2 : i32
    %dma_wait3A_116 = arith.constant 0 : i32
    %dma_wait3A_117 = arith.constant 0 : i32
    %dma_wait3A_118 = tpu.memref_slice %arg9[%dma_wait3A_113, %dma_wait3A_116, %dma_wait3A_117] : memref<4x128x64xf32, #tpu.memory_space<vmem>> -> memref<1x128x64xf32, #tpu.memory_space<vmem>>
    %dma_wait3A_119 = tpu.memref_squeeze %dma_wait3A_118 : memref<1x128x64xf32, #tpu.memory_space<vmem>> -> memref<128x64xf32, #tpu.memory_space<vmem>>
    %dma_wait3A_120 = arith.constant 0 : i32
    %dma_wait3A_121 = tpu.memref_slice %arg8[%dma_wait3A_114, %dma_wait3A_120] : memref<80x128xi32, #tpu.memory_space<vmem>> -> memref<1x128xi32, #tpu.memory_space<vmem>>
    %dma_wait3A_122 = tpu.memref_squeeze %dma_wait3A_121 : memref<1x128xi32, #tpu.memory_space<vmem>> -> memref<128xi32, #tpu.memory_space<vmem>>
    %dma_wait3A_123 = arith.constant 0 : i32
    %dma_wait3A_124 = arith.constant 0 : i32
    %dma_wait3A_125 = tpu.memref_slice %arg11[%dma_wait3A_123, %dma_wait3A_124] : memref<10240x64xf32, #tpu.memory_space<vmem_shared>> -> memref<10240x64xf32, #tpu.memory_space<vmem_shared>>
    %dma_wait3A_126 = tpu.memref_slice %arg13[%dma_wait3A_115] : memref<4x!tpu.dma_semaphore, #tpu.memory_space<semaphore_mem>> -> memref<1x!tpu.dma_semaphore, #tpu.memory_space<semaphore_mem>>
    %dma_wait3A_127 = tpu.memref_squeeze %dma_wait3A_126 : memref<1x!tpu.dma_semaphore, #tpu.memory_space<semaphore_mem>> -> memref<!tpu.dma_semaphore, #tpu.memory_space<semaphore_mem>>
    tpu.wait_indirect_dma semaphore(%dma_wait3A_127 : memref<!tpu.dma_semaphore, #tpu.memory_space<semaphore_mem>>) src(%dma_wait3A_119 : memref<128x64xf32, #tpu.memory_space<vmem>>) dst(%dma_wait3A_125 : memref<10240x64xf32, #tpu.memory_space<vmem_shared>>)
    %dma_wait3A_128 = arith.constant 3 : i32
    %dma_wait3A_129 = arith.constant 3 : i32
    %dma_wait3A_130 = arith.constant 3 : i32
    %dma_wait3A_131 = arith.constant 0 : i32
    %dma_wait3A_132 = arith.constant 0 : i32
    %dma_wait3A_133 = tpu.memref_slice %arg9[%dma_wait3A_128, %dma_wait3A_131, %dma_wait3A_132] : memref<4x128x64xf32, #tpu.memory_space<vmem>> -> memref<1x128x64xf32, #tpu.memory_space<vmem>>
    %dma_wait3A_134 = tpu.memref_squeeze %dma_wait3A_133 : memref<1x128x64xf32, #tpu.memory_space<vmem>> -> memref<128x64xf32, #tpu.memory_space<vmem>>
    %dma_wait3A_135 = arith.constant 0 : i32
    %dma_wait3A_136 = tpu.memref_slice %arg8[%dma_wait3A_129, %dma_wait3A_135] : memref<80x128xi32, #tpu.memory_space<vmem>> -> memref<1x128xi32, #tpu.memory_space<vmem>>
    %dma_wait3A_137 = tpu.memref_squeeze %dma_wait3A_136 : memref<1x128xi32, #tpu.memory_space<vmem>> -> memref<128xi32, #tpu.memory_space<vmem>>
    %dma_wait3A_138 = arith.constant 0 : i32
    %dma_wait3A_139 = arith.constant 0 : i32
    %dma_wait3A_140 = tpu.memref_slice %arg11[%dma_wait3A_138, %dma_wait3A_139] : memref<10240x64xf32, #tpu.memory_space<vmem_shared>> -> memref<10240x64xf32, #tpu.memory_space<vmem_shared>>
    %dma_wait3A_141 = tpu.memref_slice %arg13[%dma_wait3A_130] : memref<4x!tpu.dma_semaphore, #tpu.memory_space<semaphore_mem>> -> memref<1x!tpu.dma_semaphore, #tpu.memory_space<semaphore_mem>>
    %dma_wait3A_142 = tpu.memref_squeeze %dma_wait3A_141 : memref<1x!tpu.dma_semaphore, #tpu.memory_space<semaphore_mem>> -> memref<!tpu.dma_semaphore, #tpu.memory_space<semaphore_mem>>
    tpu.wait_indirect_dma semaphore(%dma_wait3A_142 : memref<!tpu.dma_semaphore, #tpu.memory_space<semaphore_mem>>) src(%dma_wait3A_134 : memref<128x64xf32, #tpu.memory_space<vmem>>) dst(%dma_wait3A_140 : memref<10240x64xf32, #tpu.memory_space<vmem_shared>>)
    %barrier3A_143 = arith.constant 0 : index
    tpu.barrier barrier_id(%barrier3A_143)
    %mul3A_144 = arith.constant 640 : i32
    %mul3A_145 = arith.muli %arg1, %mul3A_144 : i32
    %mul3A_146 = arith.constant 640 : i32
    %mul3A_147 = arith.muli %arg1, %mul3A_146 : i32
    "tpu.region"() ({
      %run_scoped3A = tpu.sem_alloc : memref<!tpu.dma_semaphore, #tpu.memory_space<semaphore_mem>>
      %dma_start3A_148 = arith.constant 0 : i32
      %dma_start3A_149 = tpu.memref_slice %arg6[%arg0, %mul3A_147, %dma_start3A_148] : memref<2x10240x64xf32, #tpu.memory_space<hbm>> -> memref<1x640x64xf32, #tpu.memory_space<hbm>>
      %dma_start3A_150 = tpu.memref_squeeze %dma_start3A_149 : memref<1x640x64xf32, #tpu.memory_space<hbm>> -> memref<640x64xf32, #tpu.memory_space<hbm>>
      %dma_start3A_151 = arith.constant 0 : i32
      %dma_start3A_152 = tpu.memref_slice %arg11[%mul3A_145, %dma_start3A_151] : memref<10240x64xf32, #tpu.memory_space<vmem_shared>> -> memref<640x64xf32, #tpu.memory_space<vmem_shared>>
      tpu.enqueue_dma source(%dma_start3A_152 : memref<640x64xf32, #tpu.memory_space<vmem_shared>>) target(%dma_start3A_150 : memref<640x64xf32, #tpu.memory_space<hbm>>) target_semaphore(%run_scoped3A : memref<!tpu.dma_semaphore, #tpu.memory_space<semaphore_mem>>)
      %dma_wait3A_153 = arith.constant 0 : i32
      %dma_wait3A_154 = tpu.memref_slice %arg6[%arg0, %mul3A_147, %dma_wait3A_153] : memref<2x10240x64xf32, #tpu.memory_space<hbm>> -> memref<1x640x64xf32, #tpu.memory_space<hbm>>
      %dma_wait3A_155 = tpu.memref_squeeze %dma_wait3A_154 : memref<1x640x64xf32, #tpu.memory_space<hbm>> -> memref<640x64xf32, #tpu.memory_space<hbm>>
      %dma_wait3A_156 = arith.constant 0 : i32
      %dma_wait3A_157 = tpu.memref_slice %arg11[%mul3A_145, %dma_wait3A_156] : memref<10240x64xf32, #tpu.memory_space<vmem_shared>> -> memref<640x64xf32, #tpu.memory_space<vmem_shared>>
      tpu.wait_dma2 semaphore(%run_scoped3A : memref<!tpu.dma_semaphore, #tpu.memory_space<semaphore_mem>>) src(%dma_wait3A_157 : memref<640x64xf32, #tpu.memory_space<vmem_shared>>) dst(%dma_wait3A_155 : memref<640x64xf32, #tpu.memory_space<hbm>>)
      tpu.yield
    }) : () -> ()
    return
  }
}

#map = affine_map<(d0, d1) -> (0, 0)>
#map1 = affine_map<(d0, d1) -> (0, 0, 0)>
module attributes {stable_mosaic.version = 14 : i64} {
  func.func @sc_agg_cnt(%arg0: i32, %arg1: i32, %arg2: memref<10000x64xf32, #tpu.memory_space<hbm>>, %arg3: memref<32x80x128xi32, #tpu.memory_space<hbm>>, %arg4: memref<32x80x128xi32, #tpu.memory_space<hbm>>, %arg5: memref<128x64xf32, #tpu.memory_space<hbm>>, %arg6: memref<128x16xf32, #tpu.memory_space<hbm>>, %arg7: memref<128x16xf32, #tpu.memory_space<hbm>>, %arg8: memref<2x10240x64xf32, #tpu.memory_space<hbm>>, %arg9: memref<2x10240x16xf32, #tpu.memory_space<hbm>>, %arg10: memref<80x128xi32, #tpu.memory_space<vmem>>, %arg11: memref<80x128xi32, #tpu.memory_space<vmem>>, %arg12: memref<4x128x64xf32, #tpu.memory_space<vmem>>, %arg13: memref<128x64xf32, #tpu.memory_space<vmem>>, %arg14: memref<10240x64xf32, #tpu.memory_space<vmem_shared>>, %arg15: memref<4x!tpu.dma_semaphore, #tpu.memory_space<semaphore_mem>>, %arg16: memref<4x!tpu.dma_semaphore, #tpu.memory_space<semaphore_mem>>, %arg17: memref<128x16xf32, #tpu.memory_space<vmem>>, %arg18: memref<128x16xf32, #tpu.memory_space<vmem>>, %arg19: memref<10240x16xf32, #tpu.memory_space<vmem_shared>>, %arg20: memref<!tpu.dma_semaphore, #tpu.memory_space<semaphore_mem>>) attributes {dimension_semantics = [#tpu.dimension_semantics<core_parallel>, #tpu.dimension_semantics<subcore_parallel>], iteration_bounds = array<i64: 2, 16>, scalar_prefetch = 0 : i64, scratch_operands = 11 : i64, tpu.core_type = #tpu.core_type<sc_vector_subcore>, window_params = [{transform_indices = #map}, {transform_indices = #map1}, {transform_indices = #map1}, {transform_indices = #map}, {transform_indices = #map}, {transform_indices = #map}, {transform_indices = #map1}, {transform_indices = #map1}]} {
    %mul3A = arith.constant 16 : i32
    %mul3A_0 = arith.muli %arg0, %mul3A : i32
    %add3A = arith.addi %mul3A_0, %arg1 : i32
    "tpu.region"() ({
      %run_scoped3A = tpu.sem_alloc : memref<!tpu.dma_semaphore, #tpu.memory_space<semaphore_mem>>
      %dma_start3A_166 = arith.constant 0 : i32
      %dma_start3A_167 = arith.constant 0 : i32
      %dma_start3A_168 = tpu.memref_slice %arg3[%add3A, %dma_start3A_166, %dma_start3A_167] : memref<32x80x128xi32, #tpu.memory_space<hbm>> -> memref<1x80x128xi32, #tpu.memory_space<hbm>>
      %dma_start3A_169 = tpu.memref_squeeze %dma_start3A_168 : memref<1x80x128xi32, #tpu.memory_space<hbm>> -> memref<80x128xi32, #tpu.memory_space<hbm>>
      %dma_start3A_170 = arith.constant 0 : i32
      %dma_start3A_171 = arith.constant 0 : i32
      %dma_start3A_172 = tpu.memref_slice %arg3[%add3A, %dma_start3A_170, %dma_start3A_171] : memref<32x80x128xi32, #tpu.memory_space<hbm>> -> memref<1x80x128xi32, #tpu.memory_space<hbm>>
      %dma_start3A_173 = tpu.memref_squeeze %dma_start3A_172 : memref<1x80x128xi32, #tpu.memory_space<hbm>> -> memref<80x128xi32, #tpu.memory_space<hbm>>
      tpu.enqueue_dma source(%dma_start3A_173 : memref<80x128xi32, #tpu.memory_space<hbm>>) target(%arg10 : memref<80x128xi32, #tpu.memory_space<vmem>>) target_semaphore(%run_scoped3A : memref<!tpu.dma_semaphore, #tpu.memory_space<semaphore_mem>>)
      %dma_wait3A_174 = arith.constant 0 : i32
      %dma_wait3A_175 = arith.constant 0 : i32
      %dma_wait3A_176 = tpu.memref_slice %arg3[%add3A, %dma_wait3A_174, %dma_wait3A_175] : memref<32x80x128xi32, #tpu.memory_space<hbm>> -> memref<1x80x128xi32, #tpu.memory_space<hbm>>
      %dma_wait3A_177 = tpu.memref_squeeze %dma_wait3A_176 : memref<1x80x128xi32, #tpu.memory_space<hbm>> -> memref<80x128xi32, #tpu.memory_space<hbm>>
      %dma_wait3A_178 = arith.constant 0 : i32
      %dma_wait3A_179 = arith.constant 0 : i32
      %dma_wait3A_180 = tpu.memref_slice %arg3[%add3A, %dma_wait3A_178, %dma_wait3A_179] : memref<32x80x128xi32, #tpu.memory_space<hbm>> -> memref<1x80x128xi32, #tpu.memory_space<hbm>>
      %dma_wait3A_181 = tpu.memref_squeeze %dma_wait3A_180 : memref<1x80x128xi32, #tpu.memory_space<hbm>> -> memref<80x128xi32, #tpu.memory_space<hbm>>
      tpu.wait_dma2 semaphore(%run_scoped3A : memref<!tpu.dma_semaphore, #tpu.memory_space<semaphore_mem>>) src(%dma_wait3A_181 : memref<80x128xi32, #tpu.memory_space<hbm>>) dst(%arg10 : memref<80x128xi32, #tpu.memory_space<vmem>>)
      tpu.yield
    }) : () -> ()
    "tpu.region"() ({
      %run_scoped3A = tpu.sem_alloc : memref<!tpu.dma_semaphore, #tpu.memory_space<semaphore_mem>>
      %dma_start3A_166 = arith.constant 0 : i32
      %dma_start3A_167 = arith.constant 0 : i32
      %dma_start3A_168 = tpu.memref_slice %arg4[%add3A, %dma_start3A_166, %dma_start3A_167] : memref<32x80x128xi32, #tpu.memory_space<hbm>> -> memref<1x80x128xi32, #tpu.memory_space<hbm>>
      %dma_start3A_169 = tpu.memref_squeeze %dma_start3A_168 : memref<1x80x128xi32, #tpu.memory_space<hbm>> -> memref<80x128xi32, #tpu.memory_space<hbm>>
      %dma_start3A_170 = arith.constant 0 : i32
      %dma_start3A_171 = arith.constant 0 : i32
      %dma_start3A_172 = tpu.memref_slice %arg4[%add3A, %dma_start3A_170, %dma_start3A_171] : memref<32x80x128xi32, #tpu.memory_space<hbm>> -> memref<1x80x128xi32, #tpu.memory_space<hbm>>
      %dma_start3A_173 = tpu.memref_squeeze %dma_start3A_172 : memref<1x80x128xi32, #tpu.memory_space<hbm>> -> memref<80x128xi32, #tpu.memory_space<hbm>>
      tpu.enqueue_dma source(%dma_start3A_173 : memref<80x128xi32, #tpu.memory_space<hbm>>) target(%arg11 : memref<80x128xi32, #tpu.memory_space<vmem>>) target_semaphore(%run_scoped3A : memref<!tpu.dma_semaphore, #tpu.memory_space<semaphore_mem>>)
      %dma_wait3A_174 = arith.constant 0 : i32
      %dma_wait3A_175 = arith.constant 0 : i32
      %dma_wait3A_176 = tpu.memref_slice %arg4[%add3A, %dma_wait3A_174, %dma_wait3A_175] : memref<32x80x128xi32, #tpu.memory_space<hbm>> -> memref<1x80x128xi32, #tpu.memory_space<hbm>>
      %dma_wait3A_177 = tpu.memref_squeeze %dma_wait3A_176 : memref<1x80x128xi32, #tpu.memory_space<hbm>> -> memref<80x128xi32, #tpu.memory_space<hbm>>
      %dma_wait3A_178 = arith.constant 0 : i32
      %dma_wait3A_179 = arith.constant 0 : i32
      %dma_wait3A_180 = tpu.memref_slice %arg4[%add3A, %dma_wait3A_178, %dma_wait3A_179] : memref<32x80x128xi32, #tpu.memory_space<hbm>> -> memref<1x80x128xi32, #tpu.memory_space<hbm>>
      %dma_wait3A_181 = tpu.memref_squeeze %dma_wait3A_180 : memref<1x80x128xi32, #tpu.memory_space<hbm>> -> memref<80x128xi32, #tpu.memory_space<hbm>>
      tpu.wait_dma2 semaphore(%run_scoped3A : memref<!tpu.dma_semaphore, #tpu.memory_space<semaphore_mem>>) src(%dma_wait3A_181 : memref<80x128xi32, #tpu.memory_space<hbm>>) dst(%arg11 : memref<80x128xi32, #tpu.memory_space<vmem>>)
      tpu.yield
    }) : () -> ()
    "tpu.region"() ({
      %run_scoped3A = tpu.sem_alloc : memref<!tpu.dma_semaphore, #tpu.memory_space<semaphore_mem>>
      tpu.enqueue_dma source(%arg5 : memref<128x64xf32, #tpu.memory_space<hbm>>) target(%arg13 : memref<128x64xf32, #tpu.memory_space<vmem>>) target_semaphore(%run_scoped3A : memref<!tpu.dma_semaphore, #tpu.memory_space<semaphore_mem>>)
      tpu.wait_dma2 semaphore(%run_scoped3A : memref<!tpu.dma_semaphore, #tpu.memory_space<semaphore_mem>>) src(%arg5 : memref<128x64xf32, #tpu.memory_space<hbm>>) dst(%arg13 : memref<128x64xf32, #tpu.memory_space<vmem>>)
      tpu.yield
    }) : () -> ()
    "tpu.region"() ({
      %run_scoped3A = tpu.sem_alloc : memref<!tpu.dma_semaphore, #tpu.memory_space<semaphore_mem>>
      tpu.enqueue_dma source(%arg6 : memref<128x16xf32, #tpu.memory_space<hbm>>) target(%arg17 : memref<128x16xf32, #tpu.memory_space<vmem>>) target_semaphore(%run_scoped3A : memref<!tpu.dma_semaphore, #tpu.memory_space<semaphore_mem>>)
      tpu.wait_dma2 semaphore(%run_scoped3A : memref<!tpu.dma_semaphore, #tpu.memory_space<semaphore_mem>>) src(%arg6 : memref<128x16xf32, #tpu.memory_space<hbm>>) dst(%arg17 : memref<128x16xf32, #tpu.memory_space<vmem>>)
      tpu.yield
    }) : () -> ()
    "tpu.region"() ({
      %run_scoped3A = tpu.sem_alloc : memref<!tpu.dma_semaphore, #tpu.memory_space<semaphore_mem>>
      tpu.enqueue_dma source(%arg7 : memref<128x16xf32, #tpu.memory_space<hbm>>) target(%arg18 : memref<128x16xf32, #tpu.memory_space<vmem>>) target_semaphore(%run_scoped3A : memref<!tpu.dma_semaphore, #tpu.memory_space<semaphore_mem>>)
      tpu.wait_dma2 semaphore(%run_scoped3A : memref<!tpu.dma_semaphore, #tpu.memory_space<semaphore_mem>>) src(%arg7 : memref<128x16xf32, #tpu.memory_space<hbm>>) dst(%arg18 : memref<128x16xf32, #tpu.memory_space<vmem>>)
      tpu.yield
    }) : () -> ()
    %mul3A_1 = arith.constant 640 : i32
    %mul3A_2 = arith.muli %arg1, %mul3A_1 : i32
    %add3A_3 = arith.constant 0 : i32
    %add3A_4 = arith.addi %mul3A_2, %add3A_3 : i32
    "tpu.region"() ({
      %run_scoped3A = tpu.sem_alloc : memref<!tpu.dma_semaphore, #tpu.memory_space<semaphore_mem>>
      %dma_start3A_166 = arith.constant 0 : i32
      %dma_start3A_167 = tpu.memref_slice %arg14[%add3A_4, %dma_start3A_166] : memref<10240x64xf32, #tpu.memory_space<vmem_shared>> -> memref<128x64xf32, #tpu.memory_space<vmem_shared>>
      %dma_start3A_168 = arith.constant 0 : i32
      %dma_start3A_169 = tpu.memref_slice %arg14[%add3A_4, %dma_start3A_168] : memref<10240x64xf32, #tpu.memory_space<vmem_shared>> -> memref<128x64xf32, #tpu.memory_space<vmem_shared>>
      tpu.enqueue_dma source(%arg13 : memref<128x64xf32, #tpu.memory_space<vmem>>) target(%dma_start3A_169 : memref<128x64xf32, #tpu.memory_space<vmem_shared>>) target_semaphore(%run_scoped3A : memref<!tpu.dma_semaphore, #tpu.memory_space<semaphore_mem>>)
      %dma_wait3A_170 = arith.constant 0 : i32
      %dma_wait3A_171 = tpu.memref_slice %arg14[%add3A_4, %dma_wait3A_170] : memref<10240x64xf32, #tpu.memory_space<vmem_shared>> -> memref<128x64xf32, #tpu.memory_space<vmem_shared>>
      %dma_wait3A_172 = arith.constant 0 : i32
      %dma_wait3A_173 = tpu.memref_slice %arg14[%add3A_4, %dma_wait3A_172] : memref<10240x64xf32, #tpu.memory_space<vmem_shared>> -> memref<128x64xf32, #tpu.memory_space<vmem_shared>>
      tpu.wait_dma2 semaphore(%run_scoped3A : memref<!tpu.dma_semaphore, #tpu.memory_space<semaphore_mem>>) src(%arg13 : memref<128x64xf32, #tpu.memory_space<vmem>>) dst(%dma_wait3A_173 : memref<128x64xf32, #tpu.memory_space<vmem_shared>>)
      tpu.yield
    }) : () -> ()
    "tpu.region"() ({
      %run_scoped3A = tpu.sem_alloc : memref<!tpu.dma_semaphore, #tpu.memory_space<semaphore_mem>>
      %dma_start3A_166 = arith.constant 0 : i32
      %dma_start3A_167 = tpu.memref_slice %arg19[%add3A_4, %dma_start3A_166] : memref<10240x16xf32, #tpu.memory_space<vmem_shared>> -> memref<128x16xf32, #tpu.memory_space<vmem_shared>>
      %dma_start3A_168 = arith.constant 0 : i32
      %dma_start3A_169 = tpu.memref_slice %arg19[%add3A_4, %dma_start3A_168] : memref<10240x16xf32, #tpu.memory_space<vmem_shared>> -> memref<128x16xf32, #tpu.memory_space<vmem_shared>>
      tpu.enqueue_dma source(%arg18 : memref<128x16xf32, #tpu.memory_space<vmem>>) target(%dma_start3A_169 : memref<128x16xf32, #tpu.memory_space<vmem_shared>>) target_semaphore(%run_scoped3A : memref<!tpu.dma_semaphore, #tpu.memory_space<semaphore_mem>>)
      %dma_wait3A_170 = arith.constant 0 : i32
      %dma_wait3A_171 = tpu.memref_slice %arg19[%add3A_4, %dma_wait3A_170] : memref<10240x16xf32, #tpu.memory_space<vmem_shared>> -> memref<128x16xf32, #tpu.memory_space<vmem_shared>>
      %dma_wait3A_172 = arith.constant 0 : i32
      %dma_wait3A_173 = tpu.memref_slice %arg19[%add3A_4, %dma_wait3A_172] : memref<10240x16xf32, #tpu.memory_space<vmem_shared>> -> memref<128x16xf32, #tpu.memory_space<vmem_shared>>
      tpu.wait_dma2 semaphore(%run_scoped3A : memref<!tpu.dma_semaphore, #tpu.memory_space<semaphore_mem>>) src(%arg18 : memref<128x16xf32, #tpu.memory_space<vmem>>) dst(%dma_wait3A_173 : memref<128x16xf32, #tpu.memory_space<vmem_shared>>)
      tpu.yield
    }) : () -> ()
    %mul3A_5 = arith.constant 640 : i32
    %mul3A_6 = arith.muli %arg1, %mul3A_5 : i32
    %add3A_7 = arith.constant 128 : i32
    %add3A_8 = arith.addi %mul3A_6, %add3A_7 : i32
    "tpu.region"() ({
      %run_scoped3A = tpu.sem_alloc : memref<!tpu.dma_semaphore, #tpu.memory_space<semaphore_mem>>
      %dma_start3A_166 = arith.constant 0 : i32
      %dma_start3A_167 = tpu.memref_slice %arg14[%add3A_8, %dma_start3A_166] : memref<10240x64xf32, #tpu.memory_space<vmem_shared>> -> memref<128x64xf32, #tpu.memory_space<vmem_shared>>
      %dma_start3A_168 = arith.constant 0 : i32
      %dma_start3A_169 = tpu.memref_slice %arg14[%add3A_8, %dma_start3A_168] : memref<10240x64xf32, #tpu.memory_space<vmem_shared>> -> memref<128x64xf32, #tpu.memory_space<vmem_shared>>
      tpu.enqueue_dma source(%arg13 : memref<128x64xf32, #tpu.memory_space<vmem>>) target(%dma_start3A_169 : memref<128x64xf32, #tpu.memory_space<vmem_shared>>) target_semaphore(%run_scoped3A : memref<!tpu.dma_semaphore, #tpu.memory_space<semaphore_mem>>)
      %dma_wait3A_170 = arith.constant 0 : i32
      %dma_wait3A_171 = tpu.memref_slice %arg14[%add3A_8, %dma_wait3A_170] : memref<10240x64xf32, #tpu.memory_space<vmem_shared>> -> memref<128x64xf32, #tpu.memory_space<vmem_shared>>
      %dma_wait3A_172 = arith.constant 0 : i32
      %dma_wait3A_173 = tpu.memref_slice %arg14[%add3A_8, %dma_wait3A_172] : memref<10240x64xf32, #tpu.memory_space<vmem_shared>> -> memref<128x64xf32, #tpu.memory_space<vmem_shared>>
      tpu.wait_dma2 semaphore(%run_scoped3A : memref<!tpu.dma_semaphore, #tpu.memory_space<semaphore_mem>>) src(%arg13 : memref<128x64xf32, #tpu.memory_space<vmem>>) dst(%dma_wait3A_173 : memref<128x64xf32, #tpu.memory_space<vmem_shared>>)
      tpu.yield
    }) : () -> ()
    "tpu.region"() ({
      %run_scoped3A = tpu.sem_alloc : memref<!tpu.dma_semaphore, #tpu.memory_space<semaphore_mem>>
      %dma_start3A_166 = arith.constant 0 : i32
      %dma_start3A_167 = tpu.memref_slice %arg19[%add3A_8, %dma_start3A_166] : memref<10240x16xf32, #tpu.memory_space<vmem_shared>> -> memref<128x16xf32, #tpu.memory_space<vmem_shared>>
      %dma_start3A_168 = arith.constant 0 : i32
      %dma_start3A_169 = tpu.memref_slice %arg19[%add3A_8, %dma_start3A_168] : memref<10240x16xf32, #tpu.memory_space<vmem_shared>> -> memref<128x16xf32, #tpu.memory_space<vmem_shared>>
      tpu.enqueue_dma source(%arg18 : memref<128x16xf32, #tpu.memory_space<vmem>>) target(%dma_start3A_169 : memref<128x16xf32, #tpu.memory_space<vmem_shared>>) target_semaphore(%run_scoped3A : memref<!tpu.dma_semaphore, #tpu.memory_space<semaphore_mem>>)
      %dma_wait3A_170 = arith.constant 0 : i32
      %dma_wait3A_171 = tpu.memref_slice %arg19[%add3A_8, %dma_wait3A_170] : memref<10240x16xf32, #tpu.memory_space<vmem_shared>> -> memref<128x16xf32, #tpu.memory_space<vmem_shared>>
      %dma_wait3A_172 = arith.constant 0 : i32
      %dma_wait3A_173 = tpu.memref_slice %arg19[%add3A_8, %dma_wait3A_172] : memref<10240x16xf32, #tpu.memory_space<vmem_shared>> -> memref<128x16xf32, #tpu.memory_space<vmem_shared>>
      tpu.wait_dma2 semaphore(%run_scoped3A : memref<!tpu.dma_semaphore, #tpu.memory_space<semaphore_mem>>) src(%arg18 : memref<128x16xf32, #tpu.memory_space<vmem>>) dst(%dma_wait3A_173 : memref<128x16xf32, #tpu.memory_space<vmem_shared>>)
      tpu.yield
    }) : () -> ()
    %mul3A_9 = arith.constant 640 : i32
    %mul3A_10 = arith.muli %arg1, %mul3A_9 : i32
    %add3A_11 = arith.constant 256 : i32
    %add3A_12 = arith.addi %mul3A_10, %add3A_11 : i32
    "tpu.region"() ({
      %run_scoped3A = tpu.sem_alloc : memref<!tpu.dma_semaphore, #tpu.memory_space<semaphore_mem>>
      %dma_start3A_166 = arith.constant 0 : i32
      %dma_start3A_167 = tpu.memref_slice %arg14[%add3A_12, %dma_start3A_166] : memref<10240x64xf32, #tpu.memory_space<vmem_shared>> -> memref<128x64xf32, #tpu.memory_space<vmem_shared>>
      %dma_start3A_168 = arith.constant 0 : i32
      %dma_start3A_169 = tpu.memref_slice %arg14[%add3A_12, %dma_start3A_168] : memref<10240x64xf32, #tpu.memory_space<vmem_shared>> -> memref<128x64xf32, #tpu.memory_space<vmem_shared>>
      tpu.enqueue_dma source(%arg13 : memref<128x64xf32, #tpu.memory_space<vmem>>) target(%dma_start3A_169 : memref<128x64xf32, #tpu.memory_space<vmem_shared>>) target_semaphore(%run_scoped3A : memref<!tpu.dma_semaphore, #tpu.memory_space<semaphore_mem>>)
      %dma_wait3A_170 = arith.constant 0 : i32
      %dma_wait3A_171 = tpu.memref_slice %arg14[%add3A_12, %dma_wait3A_170] : memref<10240x64xf32, #tpu.memory_space<vmem_shared>> -> memref<128x64xf32, #tpu.memory_space<vmem_shared>>
      %dma_wait3A_172 = arith.constant 0 : i32
      %dma_wait3A_173 = tpu.memref_slice %arg14[%add3A_12, %dma_wait3A_172] : memref<10240x64xf32, #tpu.memory_space<vmem_shared>> -> memref<128x64xf32, #tpu.memory_space<vmem_shared>>
      tpu.wait_dma2 semaphore(%run_scoped3A : memref<!tpu.dma_semaphore, #tpu.memory_space<semaphore_mem>>) src(%arg13 : memref<128x64xf32, #tpu.memory_space<vmem>>) dst(%dma_wait3A_173 : memref<128x64xf32, #tpu.memory_space<vmem_shared>>)
      tpu.yield
    }) : () -> ()
    "tpu.region"() ({
      %run_scoped3A = tpu.sem_alloc : memref<!tpu.dma_semaphore, #tpu.memory_space<semaphore_mem>>
      %dma_start3A_166 = arith.constant 0 : i32
      %dma_start3A_167 = tpu.memref_slice %arg19[%add3A_12, %dma_start3A_166] : memref<10240x16xf32, #tpu.memory_space<vmem_shared>> -> memref<128x16xf32, #tpu.memory_space<vmem_shared>>
      %dma_start3A_168 = arith.constant 0 : i32
      %dma_start3A_169 = tpu.memref_slice %arg19[%add3A_12, %dma_start3A_168] : memref<10240x16xf32, #tpu.memory_space<vmem_shared>> -> memref<128x16xf32, #tpu.memory_space<vmem_shared>>
      tpu.enqueue_dma source(%arg18 : memref<128x16xf32, #tpu.memory_space<vmem>>) target(%dma_start3A_169 : memref<128x16xf32, #tpu.memory_space<vmem_shared>>) target_semaphore(%run_scoped3A : memref<!tpu.dma_semaphore, #tpu.memory_space<semaphore_mem>>)
      %dma_wait3A_170 = arith.constant 0 : i32
      %dma_wait3A_171 = tpu.memref_slice %arg19[%add3A_12, %dma_wait3A_170] : memref<10240x16xf32, #tpu.memory_space<vmem_shared>> -> memref<128x16xf32, #tpu.memory_space<vmem_shared>>
      %dma_wait3A_172 = arith.constant 0 : i32
      %dma_wait3A_173 = tpu.memref_slice %arg19[%add3A_12, %dma_wait3A_172] : memref<10240x16xf32, #tpu.memory_space<vmem_shared>> -> memref<128x16xf32, #tpu.memory_space<vmem_shared>>
      tpu.wait_dma2 semaphore(%run_scoped3A : memref<!tpu.dma_semaphore, #tpu.memory_space<semaphore_mem>>) src(%arg18 : memref<128x16xf32, #tpu.memory_space<vmem>>) dst(%dma_wait3A_173 : memref<128x16xf32, #tpu.memory_space<vmem_shared>>)
      tpu.yield
    }) : () -> ()
    %mul3A_13 = arith.constant 640 : i32
    %mul3A_14 = arith.muli %arg1, %mul3A_13 : i32
    %add3A_15 = arith.constant 384 : i32
    %add3A_16 = arith.addi %mul3A_14, %add3A_15 : i32
    "tpu.region"() ({
      %run_scoped3A = tpu.sem_alloc : memref<!tpu.dma_semaphore, #tpu.memory_space<semaphore_mem>>
      %dma_start3A_166 = arith.constant 0 : i32
      %dma_start3A_167 = tpu.memref_slice %arg14[%add3A_16, %dma_start3A_166] : memref<10240x64xf32, #tpu.memory_space<vmem_shared>> -> memref<128x64xf32, #tpu.memory_space<vmem_shared>>
      %dma_start3A_168 = arith.constant 0 : i32
      %dma_start3A_169 = tpu.memref_slice %arg14[%add3A_16, %dma_start3A_168] : memref<10240x64xf32, #tpu.memory_space<vmem_shared>> -> memref<128x64xf32, #tpu.memory_space<vmem_shared>>
      tpu.enqueue_dma source(%arg13 : memref<128x64xf32, #tpu.memory_space<vmem>>) target(%dma_start3A_169 : memref<128x64xf32, #tpu.memory_space<vmem_shared>>) target_semaphore(%run_scoped3A : memref<!tpu.dma_semaphore, #tpu.memory_space<semaphore_mem>>)
      %dma_wait3A_170 = arith.constant 0 : i32
      %dma_wait3A_171 = tpu.memref_slice %arg14[%add3A_16, %dma_wait3A_170] : memref<10240x64xf32, #tpu.memory_space<vmem_shared>> -> memref<128x64xf32, #tpu.memory_space<vmem_shared>>
      %dma_wait3A_172 = arith.constant 0 : i32
      %dma_wait3A_173 = tpu.memref_slice %arg14[%add3A_16, %dma_wait3A_172] : memref<10240x64xf32, #tpu.memory_space<vmem_shared>> -> memref<128x64xf32, #tpu.memory_space<vmem_shared>>
      tpu.wait_dma2 semaphore(%run_scoped3A : memref<!tpu.dma_semaphore, #tpu.memory_space<semaphore_mem>>) src(%arg13 : memref<128x64xf32, #tpu.memory_space<vmem>>) dst(%dma_wait3A_173 : memref<128x64xf32, #tpu.memory_space<vmem_shared>>)
      tpu.yield
    }) : () -> ()
    "tpu.region"() ({
      %run_scoped3A = tpu.sem_alloc : memref<!tpu.dma_semaphore, #tpu.memory_space<semaphore_mem>>
      %dma_start3A_166 = arith.constant 0 : i32
      %dma_start3A_167 = tpu.memref_slice %arg19[%add3A_16, %dma_start3A_166] : memref<10240x16xf32, #tpu.memory_space<vmem_shared>> -> memref<128x16xf32, #tpu.memory_space<vmem_shared>>
      %dma_start3A_168 = arith.constant 0 : i32
      %dma_start3A_169 = tpu.memref_slice %arg19[%add3A_16, %dma_start3A_168] : memref<10240x16xf32, #tpu.memory_space<vmem_shared>> -> memref<128x16xf32, #tpu.memory_space<vmem_shared>>
      tpu.enqueue_dma source(%arg18 : memref<128x16xf32, #tpu.memory_space<vmem>>) target(%dma_start3A_169 : memref<128x16xf32, #tpu.memory_space<vmem_shared>>) target_semaphore(%run_scoped3A : memref<!tpu.dma_semaphore, #tpu.memory_space<semaphore_mem>>)
      %dma_wait3A_170 = arith.constant 0 : i32
      %dma_wait3A_171 = tpu.memref_slice %arg19[%add3A_16, %dma_wait3A_170] : memref<10240x16xf32, #tpu.memory_space<vmem_shared>> -> memref<128x16xf32, #tpu.memory_space<vmem_shared>>
      %dma_wait3A_172 = arith.constant 0 : i32
      %dma_wait3A_173 = tpu.memref_slice %arg19[%add3A_16, %dma_wait3A_172] : memref<10240x16xf32, #tpu.memory_space<vmem_shared>> -> memref<128x16xf32, #tpu.memory_space<vmem_shared>>
      tpu.wait_dma2 semaphore(%run_scoped3A : memref<!tpu.dma_semaphore, #tpu.memory_space<semaphore_mem>>) src(%arg18 : memref<128x16xf32, #tpu.memory_space<vmem>>) dst(%dma_wait3A_173 : memref<128x16xf32, #tpu.memory_space<vmem_shared>>)
      tpu.yield
    }) : () -> ()
    %mul3A_17 = arith.constant 640 : i32
    %mul3A_18 = arith.muli %arg1, %mul3A_17 : i32
    %add3A_19 = arith.constant 512 : i32
    %add3A_20 = arith.addi %mul3A_18, %add3A_19 : i32
    "tpu.region"() ({
      %run_scoped3A = tpu.sem_alloc : memref<!tpu.dma_semaphore, #tpu.memory_space<semaphore_mem>>
      %dma_start3A_166 = arith.constant 0 : i32
      %dma_start3A_167 = tpu.memref_slice %arg14[%add3A_20, %dma_start3A_166] : memref<10240x64xf32, #tpu.memory_space<vmem_shared>> -> memref<128x64xf32, #tpu.memory_space<vmem_shared>>
      %dma_start3A_168 = arith.constant 0 : i32
      %dma_start3A_169 = tpu.memref_slice %arg14[%add3A_20, %dma_start3A_168] : memref<10240x64xf32, #tpu.memory_space<vmem_shared>> -> memref<128x64xf32, #tpu.memory_space<vmem_shared>>
      tpu.enqueue_dma source(%arg13 : memref<128x64xf32, #tpu.memory_space<vmem>>) target(%dma_start3A_169 : memref<128x64xf32, #tpu.memory_space<vmem_shared>>) target_semaphore(%run_scoped3A : memref<!tpu.dma_semaphore, #tpu.memory_space<semaphore_mem>>)
      %dma_wait3A_170 = arith.constant 0 : i32
      %dma_wait3A_171 = tpu.memref_slice %arg14[%add3A_20, %dma_wait3A_170] : memref<10240x64xf32, #tpu.memory_space<vmem_shared>> -> memref<128x64xf32, #tpu.memory_space<vmem_shared>>
      %dma_wait3A_172 = arith.constant 0 : i32
      %dma_wait3A_173 = tpu.memref_slice %arg14[%add3A_20, %dma_wait3A_172] : memref<10240x64xf32, #tpu.memory_space<vmem_shared>> -> memref<128x64xf32, #tpu.memory_space<vmem_shared>>
      tpu.wait_dma2 semaphore(%run_scoped3A : memref<!tpu.dma_semaphore, #tpu.memory_space<semaphore_mem>>) src(%arg13 : memref<128x64xf32, #tpu.memory_space<vmem>>) dst(%dma_wait3A_173 : memref<128x64xf32, #tpu.memory_space<vmem_shared>>)
      tpu.yield
    }) : () -> ()
    "tpu.region"() ({
      %run_scoped3A = tpu.sem_alloc : memref<!tpu.dma_semaphore, #tpu.memory_space<semaphore_mem>>
      %dma_start3A_166 = arith.constant 0 : i32
      %dma_start3A_167 = tpu.memref_slice %arg19[%add3A_20, %dma_start3A_166] : memref<10240x16xf32, #tpu.memory_space<vmem_shared>> -> memref<128x16xf32, #tpu.memory_space<vmem_shared>>
      %dma_start3A_168 = arith.constant 0 : i32
      %dma_start3A_169 = tpu.memref_slice %arg19[%add3A_20, %dma_start3A_168] : memref<10240x16xf32, #tpu.memory_space<vmem_shared>> -> memref<128x16xf32, #tpu.memory_space<vmem_shared>>
      tpu.enqueue_dma source(%arg18 : memref<128x16xf32, #tpu.memory_space<vmem>>) target(%dma_start3A_169 : memref<128x16xf32, #tpu.memory_space<vmem_shared>>) target_semaphore(%run_scoped3A : memref<!tpu.dma_semaphore, #tpu.memory_space<semaphore_mem>>)
      %dma_wait3A_170 = arith.constant 0 : i32
      %dma_wait3A_171 = tpu.memref_slice %arg19[%add3A_20, %dma_wait3A_170] : memref<10240x16xf32, #tpu.memory_space<vmem_shared>> -> memref<128x16xf32, #tpu.memory_space<vmem_shared>>
      %dma_wait3A_172 = arith.constant 0 : i32
      %dma_wait3A_173 = tpu.memref_slice %arg19[%add3A_20, %dma_wait3A_172] : memref<10240x16xf32, #tpu.memory_space<vmem_shared>> -> memref<128x16xf32, #tpu.memory_space<vmem_shared>>
      tpu.wait_dma2 semaphore(%run_scoped3A : memref<!tpu.dma_semaphore, #tpu.memory_space<semaphore_mem>>) src(%arg18 : memref<128x16xf32, #tpu.memory_space<vmem>>) dst(%dma_wait3A_173 : memref<128x16xf32, #tpu.memory_space<vmem_shared>>)
      tpu.yield
    }) : () -> ()
    %barrier3A = arith.constant 0 : index
    tpu.barrier barrier_id(%barrier3A)
    %dma_start3A = arith.constant 0 : i32
    %dma_start3A_21 = arith.constant 0 : i32
    %dma_start3A_22 = arith.constant 0 : i32
    %dma_start3A_23 = arith.constant 0 : i32
    %dma_start3A_24 = arith.constant 0 : i32
    %dma_start3A_25 = tpu.memref_slice %arg12[%dma_start3A_21, %dma_start3A_23, %dma_start3A_24] : memref<4x128x64xf32, #tpu.memory_space<vmem>> -> memref<1x128x64xf32, #tpu.memory_space<vmem>>
    %dma_start3A_26 = tpu.memref_squeeze %dma_start3A_25 : memref<1x128x64xf32, #tpu.memory_space<vmem>> -> memref<128x64xf32, #tpu.memory_space<vmem>>
    %dma_start3A_27 = arith.constant 0 : i32
    %dma_start3A_28 = tpu.memref_slice %arg10[%dma_start3A, %dma_start3A_27] : memref<80x128xi32, #tpu.memory_space<vmem>> -> memref<1x128xi32, #tpu.memory_space<vmem>>
    %dma_start3A_29 = tpu.memref_squeeze %dma_start3A_28 : memref<1x128xi32, #tpu.memory_space<vmem>> -> memref<128xi32, #tpu.memory_space<vmem>>
    %dma_start3A_30 = arith.constant 0 : i32
    %dma_start3A_31 = arith.constant 0 : i32
    %dma_start3A_32 = tpu.memref_slice %arg2[%dma_start3A_30, %dma_start3A_31] : memref<10000x64xf32, #tpu.memory_space<hbm>> -> memref<10000x64xf32, #tpu.memory_space<hbm>>
    %dma_start3A_33 = tpu.memref_slice %arg15[%dma_start3A_22] : memref<4x!tpu.dma_semaphore, #tpu.memory_space<semaphore_mem>> -> memref<1x!tpu.dma_semaphore, #tpu.memory_space<semaphore_mem>>
    %dma_start3A_34 = tpu.memref_squeeze %dma_start3A_33 : memref<1x!tpu.dma_semaphore, #tpu.memory_space<semaphore_mem>> -> memref<!tpu.dma_semaphore, #tpu.memory_space<semaphore_mem>>
    tpu.enqueue_indirect_dma source(%dma_start3A_32 : memref<10000x64xf32, #tpu.memory_space<hbm>>) target(%dma_start3A_26 : memref<128x64xf32, #tpu.memory_space<vmem>>) offsets(%dma_start3A_29 : memref<128xi32, #tpu.memory_space<vmem>>) semaphore(%dma_start3A_34 : memref<!tpu.dma_semaphore, #tpu.memory_space<semaphore_mem>>)
    %dma_start3A_35 = arith.constant 1 : i32
    %dma_start3A_36 = arith.constant 1 : i32
    %dma_start3A_37 = arith.constant 1 : i32
    %dma_start3A_38 = arith.constant 0 : i32
    %dma_start3A_39 = arith.constant 0 : i32
    %dma_start3A_40 = tpu.memref_slice %arg12[%dma_start3A_36, %dma_start3A_38, %dma_start3A_39] : memref<4x128x64xf32, #tpu.memory_space<vmem>> -> memref<1x128x64xf32, #tpu.memory_space<vmem>>
    %dma_start3A_41 = tpu.memref_squeeze %dma_start3A_40 : memref<1x128x64xf32, #tpu.memory_space<vmem>> -> memref<128x64xf32, #tpu.memory_space<vmem>>
    %dma_start3A_42 = arith.constant 0 : i32
    %dma_start3A_43 = tpu.memref_slice %arg10[%dma_start3A_35, %dma_start3A_42] : memref<80x128xi32, #tpu.memory_space<vmem>> -> memref<1x128xi32, #tpu.memory_space<vmem>>
    %dma_start3A_44 = tpu.memref_squeeze %dma_start3A_43 : memref<1x128xi32, #tpu.memory_space<vmem>> -> memref<128xi32, #tpu.memory_space<vmem>>
    %dma_start3A_45 = arith.constant 0 : i32
    %dma_start3A_46 = arith.constant 0 : i32
    %dma_start3A_47 = tpu.memref_slice %arg2[%dma_start3A_45, %dma_start3A_46] : memref<10000x64xf32, #tpu.memory_space<hbm>> -> memref<10000x64xf32, #tpu.memory_space<hbm>>
    %dma_start3A_48 = tpu.memref_slice %arg15[%dma_start3A_37] : memref<4x!tpu.dma_semaphore, #tpu.memory_space<semaphore_mem>> -> memref<1x!tpu.dma_semaphore, #tpu.memory_space<semaphore_mem>>
    %dma_start3A_49 = tpu.memref_squeeze %dma_start3A_48 : memref<1x!tpu.dma_semaphore, #tpu.memory_space<semaphore_mem>> -> memref<!tpu.dma_semaphore, #tpu.memory_space<semaphore_mem>>
    tpu.enqueue_indirect_dma source(%dma_start3A_47 : memref<10000x64xf32, #tpu.memory_space<hbm>>) target(%dma_start3A_41 : memref<128x64xf32, #tpu.memory_space<vmem>>) offsets(%dma_start3A_44 : memref<128xi32, #tpu.memory_space<vmem>>) semaphore(%dma_start3A_49 : memref<!tpu.dma_semaphore, #tpu.memory_space<semaphore_mem>>)
    %dma_start3A_50 = arith.constant 2 : i32
    %dma_start3A_51 = arith.constant 2 : i32
    %dma_start3A_52 = arith.constant 2 : i32
    %dma_start3A_53 = arith.constant 0 : i32
    %dma_start3A_54 = arith.constant 0 : i32
    %dma_start3A_55 = tpu.memref_slice %arg12[%dma_start3A_51, %dma_start3A_53, %dma_start3A_54] : memref<4x128x64xf32, #tpu.memory_space<vmem>> -> memref<1x128x64xf32, #tpu.memory_space<vmem>>
    %dma_start3A_56 = tpu.memref_squeeze %dma_start3A_55 : memref<1x128x64xf32, #tpu.memory_space<vmem>> -> memref<128x64xf32, #tpu.memory_space<vmem>>
    %dma_start3A_57 = arith.constant 0 : i32
    %dma_start3A_58 = tpu.memref_slice %arg10[%dma_start3A_50, %dma_start3A_57] : memref<80x128xi32, #tpu.memory_space<vmem>> -> memref<1x128xi32, #tpu.memory_space<vmem>>
    %dma_start3A_59 = tpu.memref_squeeze %dma_start3A_58 : memref<1x128xi32, #tpu.memory_space<vmem>> -> memref<128xi32, #tpu.memory_space<vmem>>
    %dma_start3A_60 = arith.constant 0 : i32
    %dma_start3A_61 = arith.constant 0 : i32
    %dma_start3A_62 = tpu.memref_slice %arg2[%dma_start3A_60, %dma_start3A_61] : memref<10000x64xf32, #tpu.memory_space<hbm>> -> memref<10000x64xf32, #tpu.memory_space<hbm>>
    %dma_start3A_63 = tpu.memref_slice %arg15[%dma_start3A_52] : memref<4x!tpu.dma_semaphore, #tpu.memory_space<semaphore_mem>> -> memref<1x!tpu.dma_semaphore, #tpu.memory_space<semaphore_mem>>
    %dma_start3A_64 = tpu.memref_squeeze %dma_start3A_63 : memref<1x!tpu.dma_semaphore, #tpu.memory_space<semaphore_mem>> -> memref<!tpu.dma_semaphore, #tpu.memory_space<semaphore_mem>>
    tpu.enqueue_indirect_dma source(%dma_start3A_62 : memref<10000x64xf32, #tpu.memory_space<hbm>>) target(%dma_start3A_56 : memref<128x64xf32, #tpu.memory_space<vmem>>) offsets(%dma_start3A_59 : memref<128xi32, #tpu.memory_space<vmem>>) semaphore(%dma_start3A_64 : memref<!tpu.dma_semaphore, #tpu.memory_space<semaphore_mem>>)
    %dma_start3A_65 = arith.constant 3 : i32
    %dma_start3A_66 = arith.constant 3 : i32
    %dma_start3A_67 = arith.constant 3 : i32
    %dma_start3A_68 = arith.constant 0 : i32
    %dma_start3A_69 = arith.constant 0 : i32
    %dma_start3A_70 = tpu.memref_slice %arg12[%dma_start3A_66, %dma_start3A_68, %dma_start3A_69] : memref<4x128x64xf32, #tpu.memory_space<vmem>> -> memref<1x128x64xf32, #tpu.memory_space<vmem>>
    %dma_start3A_71 = tpu.memref_squeeze %dma_start3A_70 : memref<1x128x64xf32, #tpu.memory_space<vmem>> -> memref<128x64xf32, #tpu.memory_space<vmem>>
    %dma_start3A_72 = arith.constant 0 : i32
    %dma_start3A_73 = tpu.memref_slice %arg10[%dma_start3A_65, %dma_start3A_72] : memref<80x128xi32, #tpu.memory_space<vmem>> -> memref<1x128xi32, #tpu.memory_space<vmem>>
    %dma_start3A_74 = tpu.memref_squeeze %dma_start3A_73 : memref<1x128xi32, #tpu.memory_space<vmem>> -> memref<128xi32, #tpu.memory_space<vmem>>
    %dma_start3A_75 = arith.constant 0 : i32
    %dma_start3A_76 = arith.constant 0 : i32
    %dma_start3A_77 = tpu.memref_slice %arg2[%dma_start3A_75, %dma_start3A_76] : memref<10000x64xf32, #tpu.memory_space<hbm>> -> memref<10000x64xf32, #tpu.memory_space<hbm>>
    %dma_start3A_78 = tpu.memref_slice %arg15[%dma_start3A_67] : memref<4x!tpu.dma_semaphore, #tpu.memory_space<semaphore_mem>> -> memref<1x!tpu.dma_semaphore, #tpu.memory_space<semaphore_mem>>
    %dma_start3A_79 = tpu.memref_squeeze %dma_start3A_78 : memref<1x!tpu.dma_semaphore, #tpu.memory_space<semaphore_mem>> -> memref<!tpu.dma_semaphore, #tpu.memory_space<semaphore_mem>>
    tpu.enqueue_indirect_dma source(%dma_start3A_77 : memref<10000x64xf32, #tpu.memory_space<hbm>>) target(%dma_start3A_71 : memref<128x64xf32, #tpu.memory_space<vmem>>) offsets(%dma_start3A_74 : memref<128xi32, #tpu.memory_space<vmem>>) semaphore(%dma_start3A_79 : memref<!tpu.dma_semaphore, #tpu.memory_space<semaphore_mem>>)
    %scan3A = arith.constant 0 : i32
    %scan3A_80 = arith.constant 20 : i32
    %scan3A_81 = arith.addi %scan3A, %scan3A_80 : i32
    %scan3A_82 = arith.constant 1 : i32
    scf.for %scan3A_166 = %scan3A to %scan3A_81 step %scan3A_82  : i32 {
      %mul3A_167 = arith.constant 4 : i32
      %mul3A_168 = arith.muli %scan3A_166, %mul3A_167 : i32
      %add3A_169 = arith.constant 0 : i32
      %add3A_170 = arith.addi %add3A_169, %mul3A_168 : i32
      %add3A_171 = arith.constant 0 : i32
      %add3A_172 = arith.addi %add3A_170, %add3A_171 : i32
      %dma_wait3A_173 = arith.constant 0 : i32
      %dma_wait3A_174 = arith.constant 0 : i32
      %dma_wait3A_175 = arith.constant 0 : i32
      %dma_wait3A_176 = arith.constant 0 : i32
      %dma_wait3A_177 = tpu.memref_slice %arg12[%dma_wait3A_173, %dma_wait3A_175, %dma_wait3A_176] : memref<4x128x64xf32, #tpu.memory_space<vmem>> -> memref<1x128x64xf32, #tpu.memory_space<vmem>>
      %dma_wait3A_178 = tpu.memref_squeeze %dma_wait3A_177 : memref<1x128x64xf32, #tpu.memory_space<vmem>> -> memref<128x64xf32, #tpu.memory_space<vmem>>
      %dma_wait3A_179 = arith.constant 0 : i32
      %dma_wait3A_180 = tpu.memref_slice %arg10[%add3A_172, %dma_wait3A_179] : memref<80x128xi32, #tpu.memory_space<vmem>> -> memref<1x128xi32, #tpu.memory_space<vmem>>
      %dma_wait3A_181 = tpu.memref_squeeze %dma_wait3A_180 : memref<1x128xi32, #tpu.memory_space<vmem>> -> memref<128xi32, #tpu.memory_space<vmem>>
      %dma_wait3A_182 = arith.constant 0 : i32
      %dma_wait3A_183 = arith.constant 0 : i32
      %dma_wait3A_184 = tpu.memref_slice %arg2[%dma_wait3A_182, %dma_wait3A_183] : memref<10000x64xf32, #tpu.memory_space<hbm>> -> memref<10000x64xf32, #tpu.memory_space<hbm>>
      %dma_wait3A_185 = tpu.memref_slice %arg15[%dma_wait3A_174] : memref<4x!tpu.dma_semaphore, #tpu.memory_space<semaphore_mem>> -> memref<1x!tpu.dma_semaphore, #tpu.memory_space<semaphore_mem>>
      %dma_wait3A_186 = tpu.memref_squeeze %dma_wait3A_185 : memref<1x!tpu.dma_semaphore, #tpu.memory_space<semaphore_mem>> -> memref<!tpu.dma_semaphore, #tpu.memory_space<semaphore_mem>>
      tpu.wait_indirect_dma semaphore(%dma_wait3A_186 : memref<!tpu.dma_semaphore, #tpu.memory_space<semaphore_mem>>) src(%dma_wait3A_184 : memref<10000x64xf32, #tpu.memory_space<hbm>>) dst(%dma_wait3A_178 : memref<128x64xf32, #tpu.memory_space<vmem>>)
      %dma_start3A_187 = arith.constant 0 : i32
      %dma_start3A_188 = arith.constant 0 : i32
      %dma_start3A_189 = arith.constant 0 : i32
      %dma_start3A_190 = arith.constant 0 : i32
      %dma_start3A_191 = tpu.memref_slice %arg12[%dma_start3A_187, %dma_start3A_189, %dma_start3A_190] : memref<4x128x64xf32, #tpu.memory_space<vmem>> -> memref<1x128x64xf32, #tpu.memory_space<vmem>>
      %dma_start3A_192 = tpu.memref_squeeze %dma_start3A_191 : memref<1x128x64xf32, #tpu.memory_space<vmem>> -> memref<128x64xf32, #tpu.memory_space<vmem>>
      %dma_start3A_193 = arith.constant 0 : i32
      %dma_start3A_194 = tpu.memref_slice %arg11[%add3A_172, %dma_start3A_193] : memref<80x128xi32, #tpu.memory_space<vmem>> -> memref<1x128xi32, #tpu.memory_space<vmem>>
      %dma_start3A_195 = tpu.memref_squeeze %dma_start3A_194 : memref<1x128xi32, #tpu.memory_space<vmem>> -> memref<128xi32, #tpu.memory_space<vmem>>
      %dma_start3A_196 = arith.constant 0 : i32
      %dma_start3A_197 = arith.constant 0 : i32
      %dma_start3A_198 = tpu.memref_slice %arg14[%dma_start3A_196, %dma_start3A_197] : memref<10240x64xf32, #tpu.memory_space<vmem_shared>> -> memref<10240x64xf32, #tpu.memory_space<vmem_shared>>
      %dma_start3A_199 = tpu.memref_slice %arg16[%dma_start3A_188] : memref<4x!tpu.dma_semaphore, #tpu.memory_space<semaphore_mem>> -> memref<1x!tpu.dma_semaphore, #tpu.memory_space<semaphore_mem>>
      %dma_start3A_200 = tpu.memref_squeeze %dma_start3A_199 : memref<1x!tpu.dma_semaphore, #tpu.memory_space<semaphore_mem>> -> memref<!tpu.dma_semaphore, #tpu.memory_space<semaphore_mem>>
      tpu.enqueue_indirect_dma source(%dma_start3A_192 : memref<128x64xf32, #tpu.memory_space<vmem>>) target(%dma_start3A_198 : memref<10240x64xf32, #tpu.memory_space<vmem_shared>>) offsets(%dma_start3A_195 : memref<128xi32, #tpu.memory_space<vmem>>) semaphore(%dma_start3A_200 : memref<!tpu.dma_semaphore, #tpu.memory_space<semaphore_mem>>) {add = true}
      %dma_start3A_201 = arith.constant 0 : i32
      %dma_start3A_202 = tpu.memref_slice %arg11[%add3A_172, %dma_start3A_201] : memref<80x128xi32, #tpu.memory_space<vmem>> -> memref<1x128xi32, #tpu.memory_space<vmem>>
      %dma_start3A_203 = tpu.memref_squeeze %dma_start3A_202 : memref<1x128xi32, #tpu.memory_space<vmem>> -> memref<128xi32, #tpu.memory_space<vmem>>
      %dma_start3A_204 = arith.constant 0 : i32
      %dma_start3A_205 = arith.constant 0 : i32
      %dma_start3A_206 = tpu.memref_slice %arg19[%dma_start3A_204, %dma_start3A_205] : memref<10240x16xf32, #tpu.memory_space<vmem_shared>> -> memref<10240x16xf32, #tpu.memory_space<vmem_shared>>
      tpu.enqueue_indirect_dma source(%arg17 : memref<128x16xf32, #tpu.memory_space<vmem>>) target(%dma_start3A_206 : memref<10240x16xf32, #tpu.memory_space<vmem_shared>>) offsets(%dma_start3A_203 : memref<128xi32, #tpu.memory_space<vmem>>) semaphore(%arg20 : memref<!tpu.dma_semaphore, #tpu.memory_space<semaphore_mem>>) {add = true}
      %ge3A = arith.constant 2 : i32
      %ge3A_207 = arith.cmpi sge, %add3A_172, %ge3A : i32
      %convert_element_type3A = arith.extui %ge3A_207 : i1 to i32
      %cond3A = arith.constant 0 : i32
      %cond3A_208 = arith.cmpi ne, %convert_element_type3A, %cond3A : i32
      scf.if %cond3A_208 {
        %dma_wait3A_359 = arith.constant 0 : i32
        %dma_wait3A_360 = tpu.memref_slice %arg11[%add3A_172, %dma_wait3A_359] : memref<80x128xi32, #tpu.memory_space<vmem>> -> memref<1x128xi32, #tpu.memory_space<vmem>>
        %dma_wait3A_361 = tpu.memref_squeeze %dma_wait3A_360 : memref<1x128xi32, #tpu.memory_space<vmem>> -> memref<128xi32, #tpu.memory_space<vmem>>
        %dma_wait3A_362 = arith.constant 0 : i32
        %dma_wait3A_363 = arith.constant 0 : i32
        %dma_wait3A_364 = tpu.memref_slice %arg19[%dma_wait3A_362, %dma_wait3A_363] : memref<10240x16xf32, #tpu.memory_space<vmem_shared>> -> memref<10240x16xf32, #tpu.memory_space<vmem_shared>>
        tpu.wait_indirect_dma semaphore(%arg20 : memref<!tpu.dma_semaphore, #tpu.memory_space<semaphore_mem>>) src(%arg17 : memref<128x16xf32, #tpu.memory_space<vmem>>) dst(%dma_wait3A_364 : memref<10240x16xf32, #tpu.memory_space<vmem_shared>>)
      } else {
      }
      %add3A_209 = arith.constant 4 : i32
      %add3A_210 = arith.addi %add3A_172, %add3A_209 : i32
      %lt3A = arith.constant 80 : i32
      %lt3A_211 = arith.cmpi slt, %add3A_210, %lt3A : i32
      %convert_element_type3A_212 = arith.extui %lt3A_211 : i1 to i32
      %cond3A_213 = arith.constant 0 : i32
      %cond3A_214 = arith.cmpi ne, %convert_element_type3A_212, %cond3A_213 : i32
      scf.if %cond3A_214 {
        %dma_wait3A_359 = arith.constant 0 : i32
        %dma_wait3A_360 = arith.constant 0 : i32
        %dma_wait3A_361 = arith.constant 0 : i32
        %dma_wait3A_362 = arith.constant 0 : i32
        %dma_wait3A_363 = tpu.memref_slice %arg12[%dma_wait3A_359, %dma_wait3A_361, %dma_wait3A_362] : memref<4x128x64xf32, #tpu.memory_space<vmem>> -> memref<1x128x64xf32, #tpu.memory_space<vmem>>
        %dma_wait3A_364 = tpu.memref_squeeze %dma_wait3A_363 : memref<1x128x64xf32, #tpu.memory_space<vmem>> -> memref<128x64xf32, #tpu.memory_space<vmem>>
        %dma_wait3A_365 = arith.constant 0 : i32
        %dma_wait3A_366 = tpu.memref_slice %arg11[%add3A_172, %dma_wait3A_365] : memref<80x128xi32, #tpu.memory_space<vmem>> -> memref<1x128xi32, #tpu.memory_space<vmem>>
        %dma_wait3A_367 = tpu.memref_squeeze %dma_wait3A_366 : memref<1x128xi32, #tpu.memory_space<vmem>> -> memref<128xi32, #tpu.memory_space<vmem>>
        %dma_wait3A_368 = arith.constant 0 : i32
        %dma_wait3A_369 = arith.constant 0 : i32
        %dma_wait3A_370 = tpu.memref_slice %arg14[%dma_wait3A_368, %dma_wait3A_369] : memref<10240x64xf32, #tpu.memory_space<vmem_shared>> -> memref<10240x64xf32, #tpu.memory_space<vmem_shared>>
        %dma_wait3A_371 = tpu.memref_slice %arg16[%dma_wait3A_360] : memref<4x!tpu.dma_semaphore, #tpu.memory_space<semaphore_mem>> -> memref<1x!tpu.dma_semaphore, #tpu.memory_space<semaphore_mem>>
        %dma_wait3A_372 = tpu.memref_squeeze %dma_wait3A_371 : memref<1x!tpu.dma_semaphore, #tpu.memory_space<semaphore_mem>> -> memref<!tpu.dma_semaphore, #tpu.memory_space<semaphore_mem>>
        tpu.wait_indirect_dma semaphore(%dma_wait3A_372 : memref<!tpu.dma_semaphore, #tpu.memory_space<semaphore_mem>>) src(%dma_wait3A_364 : memref<128x64xf32, #tpu.memory_space<vmem>>) dst(%dma_wait3A_370 : memref<10240x64xf32, #tpu.memory_space<vmem_shared>>)
        %dma_start3A_373 = arith.constant 0 : i32
        %dma_start3A_374 = arith.constant 0 : i32
        %dma_start3A_375 = arith.constant 0 : i32
        %dma_start3A_376 = arith.constant 0 : i32
        %dma_start3A_377 = tpu.memref_slice %arg12[%dma_start3A_373, %dma_start3A_375, %dma_start3A_376] : memref<4x128x64xf32, #tpu.memory_space<vmem>> -> memref<1x128x64xf32, #tpu.memory_space<vmem>>
        %dma_start3A_378 = tpu.memref_squeeze %dma_start3A_377 : memref<1x128x64xf32, #tpu.memory_space<vmem>> -> memref<128x64xf32, #tpu.memory_space<vmem>>
        %dma_start3A_379 = arith.constant 0 : i32
        %dma_start3A_380 = tpu.memref_slice %arg10[%add3A_210, %dma_start3A_379] : memref<80x128xi32, #tpu.memory_space<vmem>> -> memref<1x128xi32, #tpu.memory_space<vmem>>
        %dma_start3A_381 = tpu.memref_squeeze %dma_start3A_380 : memref<1x128xi32, #tpu.memory_space<vmem>> -> memref<128xi32, #tpu.memory_space<vmem>>
        %dma_start3A_382 = arith.constant 0 : i32
        %dma_start3A_383 = arith.constant 0 : i32
        %dma_start3A_384 = tpu.memref_slice %arg2[%dma_start3A_382, %dma_start3A_383] : memref<10000x64xf32, #tpu.memory_space<hbm>> -> memref<10000x64xf32, #tpu.memory_space<hbm>>
        %dma_start3A_385 = tpu.memref_slice %arg15[%dma_start3A_374] : memref<4x!tpu.dma_semaphore, #tpu.memory_space<semaphore_mem>> -> memref<1x!tpu.dma_semaphore, #tpu.memory_space<semaphore_mem>>
        %dma_start3A_386 = tpu.memref_squeeze %dma_start3A_385 : memref<1x!tpu.dma_semaphore, #tpu.memory_space<semaphore_mem>> -> memref<!tpu.dma_semaphore, #tpu.memory_space<semaphore_mem>>
        tpu.enqueue_indirect_dma source(%dma_start3A_384 : memref<10000x64xf32, #tpu.memory_space<hbm>>) target(%dma_start3A_378 : memref<128x64xf32, #tpu.memory_space<vmem>>) offsets(%dma_start3A_381 : memref<128xi32, #tpu.memory_space<vmem>>) semaphore(%dma_start3A_386 : memref<!tpu.dma_semaphore, #tpu.memory_space<semaphore_mem>>)
      } else {
      }
      %add3A_215 = arith.constant 1 : i32
      %add3A_216 = arith.addi %add3A_170, %add3A_215 : i32
      %dma_wait3A_217 = arith.constant 1 : i32
      %dma_wait3A_218 = arith.constant 1 : i32
      %dma_wait3A_219 = arith.constant 0 : i32
      %dma_wait3A_220 = arith.constant 0 : i32
      %dma_wait3A_221 = tpu.memref_slice %arg12[%dma_wait3A_217, %dma_wait3A_219, %dma_wait3A_220] : memref<4x128x64xf32, #tpu.memory_space<vmem>> -> memref<1x128x64xf32, #tpu.memory_space<vmem>>
      %dma_wait3A_222 = tpu.memref_squeeze %dma_wait3A_221 : memref<1x128x64xf32, #tpu.memory_space<vmem>> -> memref<128x64xf32, #tpu.memory_space<vmem>>
      %dma_wait3A_223 = arith.constant 0 : i32
      %dma_wait3A_224 = tpu.memref_slice %arg10[%add3A_216, %dma_wait3A_223] : memref<80x128xi32, #tpu.memory_space<vmem>> -> memref<1x128xi32, #tpu.memory_space<vmem>>
      %dma_wait3A_225 = tpu.memref_squeeze %dma_wait3A_224 : memref<1x128xi32, #tpu.memory_space<vmem>> -> memref<128xi32, #tpu.memory_space<vmem>>
      %dma_wait3A_226 = arith.constant 0 : i32
      %dma_wait3A_227 = arith.constant 0 : i32
      %dma_wait3A_228 = tpu.memref_slice %arg2[%dma_wait3A_226, %dma_wait3A_227] : memref<10000x64xf32, #tpu.memory_space<hbm>> -> memref<10000x64xf32, #tpu.memory_space<hbm>>
      %dma_wait3A_229 = tpu.memref_slice %arg15[%dma_wait3A_218] : memref<4x!tpu.dma_semaphore, #tpu.memory_space<semaphore_mem>> -> memref<1x!tpu.dma_semaphore, #tpu.memory_space<semaphore_mem>>
      %dma_wait3A_230 = tpu.memref_squeeze %dma_wait3A_229 : memref<1x!tpu.dma_semaphore, #tpu.memory_space<semaphore_mem>> -> memref<!tpu.dma_semaphore, #tpu.memory_space<semaphore_mem>>
      tpu.wait_indirect_dma semaphore(%dma_wait3A_230 : memref<!tpu.dma_semaphore, #tpu.memory_space<semaphore_mem>>) src(%dma_wait3A_228 : memref<10000x64xf32, #tpu.memory_space<hbm>>) dst(%dma_wait3A_222 : memref<128x64xf32, #tpu.memory_space<vmem>>)
      %dma_start3A_231 = arith.constant 1 : i32
      %dma_start3A_232 = arith.constant 1 : i32
      %dma_start3A_233 = arith.constant 0 : i32
      %dma_start3A_234 = arith.constant 0 : i32
      %dma_start3A_235 = tpu.memref_slice %arg12[%dma_start3A_231, %dma_start3A_233, %dma_start3A_234] : memref<4x128x64xf32, #tpu.memory_space<vmem>> -> memref<1x128x64xf32, #tpu.memory_space<vmem>>
      %dma_start3A_236 = tpu.memref_squeeze %dma_start3A_235 : memref<1x128x64xf32, #tpu.memory_space<vmem>> -> memref<128x64xf32, #tpu.memory_space<vmem>>
      %dma_start3A_237 = arith.constant 0 : i32
      %dma_start3A_238 = tpu.memref_slice %arg11[%add3A_216, %dma_start3A_237] : memref<80x128xi32, #tpu.memory_space<vmem>> -> memref<1x128xi32, #tpu.memory_space<vmem>>
      %dma_start3A_239 = tpu.memref_squeeze %dma_start3A_238 : memref<1x128xi32, #tpu.memory_space<vmem>> -> memref<128xi32, #tpu.memory_space<vmem>>
      %dma_start3A_240 = arith.constant 0 : i32
      %dma_start3A_241 = arith.constant 0 : i32
      %dma_start3A_242 = tpu.memref_slice %arg14[%dma_start3A_240, %dma_start3A_241] : memref<10240x64xf32, #tpu.memory_space<vmem_shared>> -> memref<10240x64xf32, #tpu.memory_space<vmem_shared>>
      %dma_start3A_243 = tpu.memref_slice %arg16[%dma_start3A_232] : memref<4x!tpu.dma_semaphore, #tpu.memory_space<semaphore_mem>> -> memref<1x!tpu.dma_semaphore, #tpu.memory_space<semaphore_mem>>
      %dma_start3A_244 = tpu.memref_squeeze %dma_start3A_243 : memref<1x!tpu.dma_semaphore, #tpu.memory_space<semaphore_mem>> -> memref<!tpu.dma_semaphore, #tpu.memory_space<semaphore_mem>>
      tpu.enqueue_indirect_dma source(%dma_start3A_236 : memref<128x64xf32, #tpu.memory_space<vmem>>) target(%dma_start3A_242 : memref<10240x64xf32, #tpu.memory_space<vmem_shared>>) offsets(%dma_start3A_239 : memref<128xi32, #tpu.memory_space<vmem>>) semaphore(%dma_start3A_244 : memref<!tpu.dma_semaphore, #tpu.memory_space<semaphore_mem>>) {add = true}
      %dma_start3A_245 = arith.constant 0 : i32
      %dma_start3A_246 = tpu.memref_slice %arg11[%add3A_216, %dma_start3A_245] : memref<80x128xi32, #tpu.memory_space<vmem>> -> memref<1x128xi32, #tpu.memory_space<vmem>>
      %dma_start3A_247 = tpu.memref_squeeze %dma_start3A_246 : memref<1x128xi32, #tpu.memory_space<vmem>> -> memref<128xi32, #tpu.memory_space<vmem>>
      %dma_start3A_248 = arith.constant 0 : i32
      %dma_start3A_249 = arith.constant 0 : i32
      %dma_start3A_250 = tpu.memref_slice %arg19[%dma_start3A_248, %dma_start3A_249] : memref<10240x16xf32, #tpu.memory_space<vmem_shared>> -> memref<10240x16xf32, #tpu.memory_space<vmem_shared>>
      tpu.enqueue_indirect_dma source(%arg17 : memref<128x16xf32, #tpu.memory_space<vmem>>) target(%dma_start3A_250 : memref<10240x16xf32, #tpu.memory_space<vmem_shared>>) offsets(%dma_start3A_247 : memref<128xi32, #tpu.memory_space<vmem>>) semaphore(%arg20 : memref<!tpu.dma_semaphore, #tpu.memory_space<semaphore_mem>>) {add = true}
      %ge3A_251 = arith.constant 2 : i32
      %ge3A_252 = arith.cmpi sge, %add3A_216, %ge3A_251 : i32
      %convert_element_type3A_253 = arith.extui %ge3A_252 : i1 to i32
      %cond3A_254 = arith.constant 0 : i32
      %cond3A_255 = arith.cmpi ne, %convert_element_type3A_253, %cond3A_254 : i32
      scf.if %cond3A_255 {
        %dma_wait3A_359 = arith.constant 0 : i32
        %dma_wait3A_360 = tpu.memref_slice %arg11[%add3A_216, %dma_wait3A_359] : memref<80x128xi32, #tpu.memory_space<vmem>> -> memref<1x128xi32, #tpu.memory_space<vmem>>
        %dma_wait3A_361 = tpu.memref_squeeze %dma_wait3A_360 : memref<1x128xi32, #tpu.memory_space<vmem>> -> memref<128xi32, #tpu.memory_space<vmem>>
        %dma_wait3A_362 = arith.constant 0 : i32
        %dma_wait3A_363 = arith.constant 0 : i32
        %dma_wait3A_364 = tpu.memref_slice %arg19[%dma_wait3A_362, %dma_wait3A_363] : memref<10240x16xf32, #tpu.memory_space<vmem_shared>> -> memref<10240x16xf32, #tpu.memory_space<vmem_shared>>
        tpu.wait_indirect_dma semaphore(%arg20 : memref<!tpu.dma_semaphore, #tpu.memory_space<semaphore_mem>>) src(%arg17 : memref<128x16xf32, #tpu.memory_space<vmem>>) dst(%dma_wait3A_364 : memref<10240x16xf32, #tpu.memory_space<vmem_shared>>)
      } else {
      }
      %add3A_256 = arith.constant 4 : i32
      %add3A_257 = arith.addi %add3A_216, %add3A_256 : i32
      %lt3A_258 = arith.constant 80 : i32
      %lt3A_259 = arith.cmpi slt, %add3A_257, %lt3A_258 : i32
      %convert_element_type3A_260 = arith.extui %lt3A_259 : i1 to i32
      %cond3A_261 = arith.constant 0 : i32
      %cond3A_262 = arith.cmpi ne, %convert_element_type3A_260, %cond3A_261 : i32
      scf.if %cond3A_262 {
        %dma_wait3A_359 = arith.constant 1 : i32
        %dma_wait3A_360 = arith.constant 1 : i32
        %dma_wait3A_361 = arith.constant 0 : i32
        %dma_wait3A_362 = arith.constant 0 : i32
        %dma_wait3A_363 = tpu.memref_slice %arg12[%dma_wait3A_359, %dma_wait3A_361, %dma_wait3A_362] : memref<4x128x64xf32, #tpu.memory_space<vmem>> -> memref<1x128x64xf32, #tpu.memory_space<vmem>>
        %dma_wait3A_364 = tpu.memref_squeeze %dma_wait3A_363 : memref<1x128x64xf32, #tpu.memory_space<vmem>> -> memref<128x64xf32, #tpu.memory_space<vmem>>
        %dma_wait3A_365 = arith.constant 0 : i32
        %dma_wait3A_366 = tpu.memref_slice %arg11[%add3A_216, %dma_wait3A_365] : memref<80x128xi32, #tpu.memory_space<vmem>> -> memref<1x128xi32, #tpu.memory_space<vmem>>
        %dma_wait3A_367 = tpu.memref_squeeze %dma_wait3A_366 : memref<1x128xi32, #tpu.memory_space<vmem>> -> memref<128xi32, #tpu.memory_space<vmem>>
        %dma_wait3A_368 = arith.constant 0 : i32
        %dma_wait3A_369 = arith.constant 0 : i32
        %dma_wait3A_370 = tpu.memref_slice %arg14[%dma_wait3A_368, %dma_wait3A_369] : memref<10240x64xf32, #tpu.memory_space<vmem_shared>> -> memref<10240x64xf32, #tpu.memory_space<vmem_shared>>
        %dma_wait3A_371 = tpu.memref_slice %arg16[%dma_wait3A_360] : memref<4x!tpu.dma_semaphore, #tpu.memory_space<semaphore_mem>> -> memref<1x!tpu.dma_semaphore, #tpu.memory_space<semaphore_mem>>
        %dma_wait3A_372 = tpu.memref_squeeze %dma_wait3A_371 : memref<1x!tpu.dma_semaphore, #tpu.memory_space<semaphore_mem>> -> memref<!tpu.dma_semaphore, #tpu.memory_space<semaphore_mem>>
        tpu.wait_indirect_dma semaphore(%dma_wait3A_372 : memref<!tpu.dma_semaphore, #tpu.memory_space<semaphore_mem>>) src(%dma_wait3A_364 : memref<128x64xf32, #tpu.memory_space<vmem>>) dst(%dma_wait3A_370 : memref<10240x64xf32, #tpu.memory_space<vmem_shared>>)
        %dma_start3A_373 = arith.constant 1 : i32
        %dma_start3A_374 = arith.constant 1 : i32
        %dma_start3A_375 = arith.constant 0 : i32
        %dma_start3A_376 = arith.constant 0 : i32
        %dma_start3A_377 = tpu.memref_slice %arg12[%dma_start3A_373, %dma_start3A_375, %dma_start3A_376] : memref<4x128x64xf32, #tpu.memory_space<vmem>> -> memref<1x128x64xf32, #tpu.memory_space<vmem>>
        %dma_start3A_378 = tpu.memref_squeeze %dma_start3A_377 : memref<1x128x64xf32, #tpu.memory_space<vmem>> -> memref<128x64xf32, #tpu.memory_space<vmem>>
        %dma_start3A_379 = arith.constant 0 : i32
        %dma_start3A_380 = tpu.memref_slice %arg10[%add3A_257, %dma_start3A_379] : memref<80x128xi32, #tpu.memory_space<vmem>> -> memref<1x128xi32, #tpu.memory_space<vmem>>
        %dma_start3A_381 = tpu.memref_squeeze %dma_start3A_380 : memref<1x128xi32, #tpu.memory_space<vmem>> -> memref<128xi32, #tpu.memory_space<vmem>>
        %dma_start3A_382 = arith.constant 0 : i32
        %dma_start3A_383 = arith.constant 0 : i32
        %dma_start3A_384 = tpu.memref_slice %arg2[%dma_start3A_382, %dma_start3A_383] : memref<10000x64xf32, #tpu.memory_space<hbm>> -> memref<10000x64xf32, #tpu.memory_space<hbm>>
        %dma_start3A_385 = tpu.memref_slice %arg15[%dma_start3A_374] : memref<4x!tpu.dma_semaphore, #tpu.memory_space<semaphore_mem>> -> memref<1x!tpu.dma_semaphore, #tpu.memory_space<semaphore_mem>>
        %dma_start3A_386 = tpu.memref_squeeze %dma_start3A_385 : memref<1x!tpu.dma_semaphore, #tpu.memory_space<semaphore_mem>> -> memref<!tpu.dma_semaphore, #tpu.memory_space<semaphore_mem>>
        tpu.enqueue_indirect_dma source(%dma_start3A_384 : memref<10000x64xf32, #tpu.memory_space<hbm>>) target(%dma_start3A_378 : memref<128x64xf32, #tpu.memory_space<vmem>>) offsets(%dma_start3A_381 : memref<128xi32, #tpu.memory_space<vmem>>) semaphore(%dma_start3A_386 : memref<!tpu.dma_semaphore, #tpu.memory_space<semaphore_mem>>)
      } else {
      }
      %add3A_263 = arith.constant 2 : i32
      %add3A_264 = arith.addi %add3A_170, %add3A_263 : i32
      %dma_wait3A_265 = arith.constant 2 : i32
      %dma_wait3A_266 = arith.constant 2 : i32
      %dma_wait3A_267 = arith.constant 0 : i32
      %dma_wait3A_268 = arith.constant 0 : i32
      %dma_wait3A_269 = tpu.memref_slice %arg12[%dma_wait3A_265, %dma_wait3A_267, %dma_wait3A_268] : memref<4x128x64xf32, #tpu.memory_space<vmem>> -> memref<1x128x64xf32, #tpu.memory_space<vmem>>
      %dma_wait3A_270 = tpu.memref_squeeze %dma_wait3A_269 : memref<1x128x64xf32, #tpu.memory_space<vmem>> -> memref<128x64xf32, #tpu.memory_space<vmem>>
      %dma_wait3A_271 = arith.constant 0 : i32
      %dma_wait3A_272 = tpu.memref_slice %arg10[%add3A_264, %dma_wait3A_271] : memref<80x128xi32, #tpu.memory_space<vmem>> -> memref<1x128xi32, #tpu.memory_space<vmem>>
      %dma_wait3A_273 = tpu.memref_squeeze %dma_wait3A_272 : memref<1x128xi32, #tpu.memory_space<vmem>> -> memref<128xi32, #tpu.memory_space<vmem>>
      %dma_wait3A_274 = arith.constant 0 : i32
      %dma_wait3A_275 = arith.constant 0 : i32
      %dma_wait3A_276 = tpu.memref_slice %arg2[%dma_wait3A_274, %dma_wait3A_275] : memref<10000x64xf32, #tpu.memory_space<hbm>> -> memref<10000x64xf32, #tpu.memory_space<hbm>>
      %dma_wait3A_277 = tpu.memref_slice %arg15[%dma_wait3A_266] : memref<4x!tpu.dma_semaphore, #tpu.memory_space<semaphore_mem>> -> memref<1x!tpu.dma_semaphore, #tpu.memory_space<semaphore_mem>>
      %dma_wait3A_278 = tpu.memref_squeeze %dma_wait3A_277 : memref<1x!tpu.dma_semaphore, #tpu.memory_space<semaphore_mem>> -> memref<!tpu.dma_semaphore, #tpu.memory_space<semaphore_mem>>
      tpu.wait_indirect_dma semaphore(%dma_wait3A_278 : memref<!tpu.dma_semaphore, #tpu.memory_space<semaphore_mem>>) src(%dma_wait3A_276 : memref<10000x64xf32, #tpu.memory_space<hbm>>) dst(%dma_wait3A_270 : memref<128x64xf32, #tpu.memory_space<vmem>>)
      %dma_start3A_279 = arith.constant 2 : i32
      %dma_start3A_280 = arith.constant 2 : i32
      %dma_start3A_281 = arith.constant 0 : i32
      %dma_start3A_282 = arith.constant 0 : i32
      %dma_start3A_283 = tpu.memref_slice %arg12[%dma_start3A_279, %dma_start3A_281, %dma_start3A_282] : memref<4x128x64xf32, #tpu.memory_space<vmem>> -> memref<1x128x64xf32, #tpu.memory_space<vmem>>
      %dma_start3A_284 = tpu.memref_squeeze %dma_start3A_283 : memref<1x128x64xf32, #tpu.memory_space<vmem>> -> memref<128x64xf32, #tpu.memory_space<vmem>>
      %dma_start3A_285 = arith.constant 0 : i32
      %dma_start3A_286 = tpu.memref_slice %arg11[%add3A_264, %dma_start3A_285] : memref<80x128xi32, #tpu.memory_space<vmem>> -> memref<1x128xi32, #tpu.memory_space<vmem>>
      %dma_start3A_287 = tpu.memref_squeeze %dma_start3A_286 : memref<1x128xi32, #tpu.memory_space<vmem>> -> memref<128xi32, #tpu.memory_space<vmem>>
      %dma_start3A_288 = arith.constant 0 : i32
      %dma_start3A_289 = arith.constant 0 : i32
      %dma_start3A_290 = tpu.memref_slice %arg14[%dma_start3A_288, %dma_start3A_289] : memref<10240x64xf32, #tpu.memory_space<vmem_shared>> -> memref<10240x64xf32, #tpu.memory_space<vmem_shared>>
      %dma_start3A_291 = tpu.memref_slice %arg16[%dma_start3A_280] : memref<4x!tpu.dma_semaphore, #tpu.memory_space<semaphore_mem>> -> memref<1x!tpu.dma_semaphore, #tpu.memory_space<semaphore_mem>>
      %dma_start3A_292 = tpu.memref_squeeze %dma_start3A_291 : memref<1x!tpu.dma_semaphore, #tpu.memory_space<semaphore_mem>> -> memref<!tpu.dma_semaphore, #tpu.memory_space<semaphore_mem>>
      tpu.enqueue_indirect_dma source(%dma_start3A_284 : memref<128x64xf32, #tpu.memory_space<vmem>>) target(%dma_start3A_290 : memref<10240x64xf32, #tpu.memory_space<vmem_shared>>) offsets(%dma_start3A_287 : memref<128xi32, #tpu.memory_space<vmem>>) semaphore(%dma_start3A_292 : memref<!tpu.dma_semaphore, #tpu.memory_space<semaphore_mem>>) {add = true}
      %dma_start3A_293 = arith.constant 0 : i32
      %dma_start3A_294 = tpu.memref_slice %arg11[%add3A_264, %dma_start3A_293] : memref<80x128xi32, #tpu.memory_space<vmem>> -> memref<1x128xi32, #tpu.memory_space<vmem>>
      %dma_start3A_295 = tpu.memref_squeeze %dma_start3A_294 : memref<1x128xi32, #tpu.memory_space<vmem>> -> memref<128xi32, #tpu.memory_space<vmem>>
      %dma_start3A_296 = arith.constant 0 : i32
      %dma_start3A_297 = arith.constant 0 : i32
      %dma_start3A_298 = tpu.memref_slice %arg19[%dma_start3A_296, %dma_start3A_297] : memref<10240x16xf32, #tpu.memory_space<vmem_shared>> -> memref<10240x16xf32, #tpu.memory_space<vmem_shared>>
      tpu.enqueue_indirect_dma source(%arg17 : memref<128x16xf32, #tpu.memory_space<vmem>>) target(%dma_start3A_298 : memref<10240x16xf32, #tpu.memory_space<vmem_shared>>) offsets(%dma_start3A_295 : memref<128xi32, #tpu.memory_space<vmem>>) semaphore(%arg20 : memref<!tpu.dma_semaphore, #tpu.memory_space<semaphore_mem>>) {add = true}
      %ge3A_299 = arith.constant 2 : i32
      %ge3A_300 = arith.cmpi sge, %add3A_264, %ge3A_299 : i32
      %convert_element_type3A_301 = arith.extui %ge3A_300 : i1 to i32
      %cond3A_302 = arith.constant 0 : i32
      %cond3A_303 = arith.cmpi ne, %convert_element_type3A_301, %cond3A_302 : i32
      scf.if %cond3A_303 {
        %dma_wait3A_359 = arith.constant 0 : i32
        %dma_wait3A_360 = tpu.memref_slice %arg11[%add3A_264, %dma_wait3A_359] : memref<80x128xi32, #tpu.memory_space<vmem>> -> memref<1x128xi32, #tpu.memory_space<vmem>>
        %dma_wait3A_361 = tpu.memref_squeeze %dma_wait3A_360 : memref<1x128xi32, #tpu.memory_space<vmem>> -> memref<128xi32, #tpu.memory_space<vmem>>
        %dma_wait3A_362 = arith.constant 0 : i32
        %dma_wait3A_363 = arith.constant 0 : i32
        %dma_wait3A_364 = tpu.memref_slice %arg19[%dma_wait3A_362, %dma_wait3A_363] : memref<10240x16xf32, #tpu.memory_space<vmem_shared>> -> memref<10240x16xf32, #tpu.memory_space<vmem_shared>>
        tpu.wait_indirect_dma semaphore(%arg20 : memref<!tpu.dma_semaphore, #tpu.memory_space<semaphore_mem>>) src(%arg17 : memref<128x16xf32, #tpu.memory_space<vmem>>) dst(%dma_wait3A_364 : memref<10240x16xf32, #tpu.memory_space<vmem_shared>>)
      } else {
      }
      %add3A_304 = arith.constant 4 : i32
      %add3A_305 = arith.addi %add3A_264, %add3A_304 : i32
      %lt3A_306 = arith.constant 80 : i32
      %lt3A_307 = arith.cmpi slt, %add3A_305, %lt3A_306 : i32
      %convert_element_type3A_308 = arith.extui %lt3A_307 : i1 to i32
      %cond3A_309 = arith.constant 0 : i32
      %cond3A_310 = arith.cmpi ne, %convert_element_type3A_308, %cond3A_309 : i32
      scf.if %cond3A_310 {
        %dma_wait3A_359 = arith.constant 2 : i32
        %dma_wait3A_360 = arith.constant 2 : i32
        %dma_wait3A_361 = arith.constant 0 : i32
        %dma_wait3A_362 = arith.constant 0 : i32
        %dma_wait3A_363 = tpu.memref_slice %arg12[%dma_wait3A_359, %dma_wait3A_361, %dma_wait3A_362] : memref<4x128x64xf32, #tpu.memory_space<vmem>> -> memref<1x128x64xf32, #tpu.memory_space<vmem>>
        %dma_wait3A_364 = tpu.memref_squeeze %dma_wait3A_363 : memref<1x128x64xf32, #tpu.memory_space<vmem>> -> memref<128x64xf32, #tpu.memory_space<vmem>>
        %dma_wait3A_365 = arith.constant 0 : i32
        %dma_wait3A_366 = tpu.memref_slice %arg11[%add3A_264, %dma_wait3A_365] : memref<80x128xi32, #tpu.memory_space<vmem>> -> memref<1x128xi32, #tpu.memory_space<vmem>>
        %dma_wait3A_367 = tpu.memref_squeeze %dma_wait3A_366 : memref<1x128xi32, #tpu.memory_space<vmem>> -> memref<128xi32, #tpu.memory_space<vmem>>
        %dma_wait3A_368 = arith.constant 0 : i32
        %dma_wait3A_369 = arith.constant 0 : i32
        %dma_wait3A_370 = tpu.memref_slice %arg14[%dma_wait3A_368, %dma_wait3A_369] : memref<10240x64xf32, #tpu.memory_space<vmem_shared>> -> memref<10240x64xf32, #tpu.memory_space<vmem_shared>>
        %dma_wait3A_371 = tpu.memref_slice %arg16[%dma_wait3A_360] : memref<4x!tpu.dma_semaphore, #tpu.memory_space<semaphore_mem>> -> memref<1x!tpu.dma_semaphore, #tpu.memory_space<semaphore_mem>>
        %dma_wait3A_372 = tpu.memref_squeeze %dma_wait3A_371 : memref<1x!tpu.dma_semaphore, #tpu.memory_space<semaphore_mem>> -> memref<!tpu.dma_semaphore, #tpu.memory_space<semaphore_mem>>
        tpu.wait_indirect_dma semaphore(%dma_wait3A_372 : memref<!tpu.dma_semaphore, #tpu.memory_space<semaphore_mem>>) src(%dma_wait3A_364 : memref<128x64xf32, #tpu.memory_space<vmem>>) dst(%dma_wait3A_370 : memref<10240x64xf32, #tpu.memory_space<vmem_shared>>)
        %dma_start3A_373 = arith.constant 2 : i32
        %dma_start3A_374 = arith.constant 2 : i32
        %dma_start3A_375 = arith.constant 0 : i32
        %dma_start3A_376 = arith.constant 0 : i32
        %dma_start3A_377 = tpu.memref_slice %arg12[%dma_start3A_373, %dma_start3A_375, %dma_start3A_376] : memref<4x128x64xf32, #tpu.memory_space<vmem>> -> memref<1x128x64xf32, #tpu.memory_space<vmem>>
        %dma_start3A_378 = tpu.memref_squeeze %dma_start3A_377 : memref<1x128x64xf32, #tpu.memory_space<vmem>> -> memref<128x64xf32, #tpu.memory_space<vmem>>
        %dma_start3A_379 = arith.constant 0 : i32
        %dma_start3A_380 = tpu.memref_slice %arg10[%add3A_305, %dma_start3A_379] : memref<80x128xi32, #tpu.memory_space<vmem>> -> memref<1x128xi32, #tpu.memory_space<vmem>>
        %dma_start3A_381 = tpu.memref_squeeze %dma_start3A_380 : memref<1x128xi32, #tpu.memory_space<vmem>> -> memref<128xi32, #tpu.memory_space<vmem>>
        %dma_start3A_382 = arith.constant 0 : i32
        %dma_start3A_383 = arith.constant 0 : i32
        %dma_start3A_384 = tpu.memref_slice %arg2[%dma_start3A_382, %dma_start3A_383] : memref<10000x64xf32, #tpu.memory_space<hbm>> -> memref<10000x64xf32, #tpu.memory_space<hbm>>
        %dma_start3A_385 = tpu.memref_slice %arg15[%dma_start3A_374] : memref<4x!tpu.dma_semaphore, #tpu.memory_space<semaphore_mem>> -> memref<1x!tpu.dma_semaphore, #tpu.memory_space<semaphore_mem>>
        %dma_start3A_386 = tpu.memref_squeeze %dma_start3A_385 : memref<1x!tpu.dma_semaphore, #tpu.memory_space<semaphore_mem>> -> memref<!tpu.dma_semaphore, #tpu.memory_space<semaphore_mem>>
        tpu.enqueue_indirect_dma source(%dma_start3A_384 : memref<10000x64xf32, #tpu.memory_space<hbm>>) target(%dma_start3A_378 : memref<128x64xf32, #tpu.memory_space<vmem>>) offsets(%dma_start3A_381 : memref<128xi32, #tpu.memory_space<vmem>>) semaphore(%dma_start3A_386 : memref<!tpu.dma_semaphore, #tpu.memory_space<semaphore_mem>>)
      } else {
      }
      %add3A_311 = arith.constant 3 : i32
      %add3A_312 = arith.addi %add3A_170, %add3A_311 : i32
      %dma_wait3A_313 = arith.constant 3 : i32
      %dma_wait3A_314 = arith.constant 3 : i32
      %dma_wait3A_315 = arith.constant 0 : i32
      %dma_wait3A_316 = arith.constant 0 : i32
      %dma_wait3A_317 = tpu.memref_slice %arg12[%dma_wait3A_313, %dma_wait3A_315, %dma_wait3A_316] : memref<4x128x64xf32, #tpu.memory_space<vmem>> -> memref<1x128x64xf32, #tpu.memory_space<vmem>>
      %dma_wait3A_318 = tpu.memref_squeeze %dma_wait3A_317 : memref<1x128x64xf32, #tpu.memory_space<vmem>> -> memref<128x64xf32, #tpu.memory_space<vmem>>
      %dma_wait3A_319 = arith.constant 0 : i32
      %dma_wait3A_320 = tpu.memref_slice %arg10[%add3A_312, %dma_wait3A_319] : memref<80x128xi32, #tpu.memory_space<vmem>> -> memref<1x128xi32, #tpu.memory_space<vmem>>
      %dma_wait3A_321 = tpu.memref_squeeze %dma_wait3A_320 : memref<1x128xi32, #tpu.memory_space<vmem>> -> memref<128xi32, #tpu.memory_space<vmem>>
      %dma_wait3A_322 = arith.constant 0 : i32
      %dma_wait3A_323 = arith.constant 0 : i32
      %dma_wait3A_324 = tpu.memref_slice %arg2[%dma_wait3A_322, %dma_wait3A_323] : memref<10000x64xf32, #tpu.memory_space<hbm>> -> memref<10000x64xf32, #tpu.memory_space<hbm>>
      %dma_wait3A_325 = tpu.memref_slice %arg15[%dma_wait3A_314] : memref<4x!tpu.dma_semaphore, #tpu.memory_space<semaphore_mem>> -> memref<1x!tpu.dma_semaphore, #tpu.memory_space<semaphore_mem>>
      %dma_wait3A_326 = tpu.memref_squeeze %dma_wait3A_325 : memref<1x!tpu.dma_semaphore, #tpu.memory_space<semaphore_mem>> -> memref<!tpu.dma_semaphore, #tpu.memory_space<semaphore_mem>>
      tpu.wait_indirect_dma semaphore(%dma_wait3A_326 : memref<!tpu.dma_semaphore, #tpu.memory_space<semaphore_mem>>) src(%dma_wait3A_324 : memref<10000x64xf32, #tpu.memory_space<hbm>>) dst(%dma_wait3A_318 : memref<128x64xf32, #tpu.memory_space<vmem>>)
      %dma_start3A_327 = arith.constant 3 : i32
      %dma_start3A_328 = arith.constant 3 : i32
      %dma_start3A_329 = arith.constant 0 : i32
      %dma_start3A_330 = arith.constant 0 : i32
      %dma_start3A_331 = tpu.memref_slice %arg12[%dma_start3A_327, %dma_start3A_329, %dma_start3A_330] : memref<4x128x64xf32, #tpu.memory_space<vmem>> -> memref<1x128x64xf32, #tpu.memory_space<vmem>>
      %dma_start3A_332 = tpu.memref_squeeze %dma_start3A_331 : memref<1x128x64xf32, #tpu.memory_space<vmem>> -> memref<128x64xf32, #tpu.memory_space<vmem>>
      %dma_start3A_333 = arith.constant 0 : i32
      %dma_start3A_334 = tpu.memref_slice %arg11[%add3A_312, %dma_start3A_333] : memref<80x128xi32, #tpu.memory_space<vmem>> -> memref<1x128xi32, #tpu.memory_space<vmem>>
      %dma_start3A_335 = tpu.memref_squeeze %dma_start3A_334 : memref<1x128xi32, #tpu.memory_space<vmem>> -> memref<128xi32, #tpu.memory_space<vmem>>
      %dma_start3A_336 = arith.constant 0 : i32
      %dma_start3A_337 = arith.constant 0 : i32
      %dma_start3A_338 = tpu.memref_slice %arg14[%dma_start3A_336, %dma_start3A_337] : memref<10240x64xf32, #tpu.memory_space<vmem_shared>> -> memref<10240x64xf32, #tpu.memory_space<vmem_shared>>
      %dma_start3A_339 = tpu.memref_slice %arg16[%dma_start3A_328] : memref<4x!tpu.dma_semaphore, #tpu.memory_space<semaphore_mem>> -> memref<1x!tpu.dma_semaphore, #tpu.memory_space<semaphore_mem>>
      %dma_start3A_340 = tpu.memref_squeeze %dma_start3A_339 : memref<1x!tpu.dma_semaphore, #tpu.memory_space<semaphore_mem>> -> memref<!tpu.dma_semaphore, #tpu.memory_space<semaphore_mem>>
      tpu.enqueue_indirect_dma source(%dma_start3A_332 : memref<128x64xf32, #tpu.memory_space<vmem>>) target(%dma_start3A_338 : memref<10240x64xf32, #tpu.memory_space<vmem_shared>>) offsets(%dma_start3A_335 : memref<128xi32, #tpu.memory_space<vmem>>) semaphore(%dma_start3A_340 : memref<!tpu.dma_semaphore, #tpu.memory_space<semaphore_mem>>) {add = true}
      %dma_start3A_341 = arith.constant 0 : i32
      %dma_start3A_342 = tpu.memref_slice %arg11[%add3A_312, %dma_start3A_341] : memref<80x128xi32, #tpu.memory_space<vmem>> -> memref<1x128xi32, #tpu.memory_space<vmem>>
      %dma_start3A_343 = tpu.memref_squeeze %dma_start3A_342 : memref<1x128xi32, #tpu.memory_space<vmem>> -> memref<128xi32, #tpu.memory_space<vmem>>
      %dma_start3A_344 = arith.constant 0 : i32
      %dma_start3A_345 = arith.constant 0 : i32
      %dma_start3A_346 = tpu.memref_slice %arg19[%dma_start3A_344, %dma_start3A_345] : memref<10240x16xf32, #tpu.memory_space<vmem_shared>> -> memref<10240x16xf32, #tpu.memory_space<vmem_shared>>
      tpu.enqueue_indirect_dma source(%arg17 : memref<128x16xf32, #tpu.memory_space<vmem>>) target(%dma_start3A_346 : memref<10240x16xf32, #tpu.memory_space<vmem_shared>>) offsets(%dma_start3A_343 : memref<128xi32, #tpu.memory_space<vmem>>) semaphore(%arg20 : memref<!tpu.dma_semaphore, #tpu.memory_space<semaphore_mem>>) {add = true}
      %ge3A_347 = arith.constant 2 : i32
      %ge3A_348 = arith.cmpi sge, %add3A_312, %ge3A_347 : i32
      %convert_element_type3A_349 = arith.extui %ge3A_348 : i1 to i32
      %cond3A_350 = arith.constant 0 : i32
      %cond3A_351 = arith.cmpi ne, %convert_element_type3A_349, %cond3A_350 : i32
      scf.if %cond3A_351 {
        %dma_wait3A_359 = arith.constant 0 : i32
        %dma_wait3A_360 = tpu.memref_slice %arg11[%add3A_312, %dma_wait3A_359] : memref<80x128xi32, #tpu.memory_space<vmem>> -> memref<1x128xi32, #tpu.memory_space<vmem>>
        %dma_wait3A_361 = tpu.memref_squeeze %dma_wait3A_360 : memref<1x128xi32, #tpu.memory_space<vmem>> -> memref<128xi32, #tpu.memory_space<vmem>>
        %dma_wait3A_362 = arith.constant 0 : i32
        %dma_wait3A_363 = arith.constant 0 : i32
        %dma_wait3A_364 = tpu.memref_slice %arg19[%dma_wait3A_362, %dma_wait3A_363] : memref<10240x16xf32, #tpu.memory_space<vmem_shared>> -> memref<10240x16xf32, #tpu.memory_space<vmem_shared>>
        tpu.wait_indirect_dma semaphore(%arg20 : memref<!tpu.dma_semaphore, #tpu.memory_space<semaphore_mem>>) src(%arg17 : memref<128x16xf32, #tpu.memory_space<vmem>>) dst(%dma_wait3A_364 : memref<10240x16xf32, #tpu.memory_space<vmem_shared>>)
      } else {
      }
      %add3A_352 = arith.constant 4 : i32
      %add3A_353 = arith.addi %add3A_312, %add3A_352 : i32
      %lt3A_354 = arith.constant 80 : i32
      %lt3A_355 = arith.cmpi slt, %add3A_353, %lt3A_354 : i32
      %convert_element_type3A_356 = arith.extui %lt3A_355 : i1 to i32
      %cond3A_357 = arith.constant 0 : i32
      %cond3A_358 = arith.cmpi ne, %convert_element_type3A_356, %cond3A_357 : i32
      scf.if %cond3A_358 {
        %dma_wait3A_359 = arith.constant 3 : i32
        %dma_wait3A_360 = arith.constant 3 : i32
        %dma_wait3A_361 = arith.constant 0 : i32
        %dma_wait3A_362 = arith.constant 0 : i32
        %dma_wait3A_363 = tpu.memref_slice %arg12[%dma_wait3A_359, %dma_wait3A_361, %dma_wait3A_362] : memref<4x128x64xf32, #tpu.memory_space<vmem>> -> memref<1x128x64xf32, #tpu.memory_space<vmem>>
        %dma_wait3A_364 = tpu.memref_squeeze %dma_wait3A_363 : memref<1x128x64xf32, #tpu.memory_space<vmem>> -> memref<128x64xf32, #tpu.memory_space<vmem>>
        %dma_wait3A_365 = arith.constant 0 : i32
        %dma_wait3A_366 = tpu.memref_slice %arg11[%add3A_312, %dma_wait3A_365] : memref<80x128xi32, #tpu.memory_space<vmem>> -> memref<1x128xi32, #tpu.memory_space<vmem>>
        %dma_wait3A_367 = tpu.memref_squeeze %dma_wait3A_366 : memref<1x128xi32, #tpu.memory_space<vmem>> -> memref<128xi32, #tpu.memory_space<vmem>>
        %dma_wait3A_368 = arith.constant 0 : i32
        %dma_wait3A_369 = arith.constant 0 : i32
        %dma_wait3A_370 = tpu.memref_slice %arg14[%dma_wait3A_368, %dma_wait3A_369] : memref<10240x64xf32, #tpu.memory_space<vmem_shared>> -> memref<10240x64xf32, #tpu.memory_space<vmem_shared>>
        %dma_wait3A_371 = tpu.memref_slice %arg16[%dma_wait3A_360] : memref<4x!tpu.dma_semaphore, #tpu.memory_space<semaphore_mem>> -> memref<1x!tpu.dma_semaphore, #tpu.memory_space<semaphore_mem>>
        %dma_wait3A_372 = tpu.memref_squeeze %dma_wait3A_371 : memref<1x!tpu.dma_semaphore, #tpu.memory_space<semaphore_mem>> -> memref<!tpu.dma_semaphore, #tpu.memory_space<semaphore_mem>>
        tpu.wait_indirect_dma semaphore(%dma_wait3A_372 : memref<!tpu.dma_semaphore, #tpu.memory_space<semaphore_mem>>) src(%dma_wait3A_364 : memref<128x64xf32, #tpu.memory_space<vmem>>) dst(%dma_wait3A_370 : memref<10240x64xf32, #tpu.memory_space<vmem_shared>>)
        %dma_start3A_373 = arith.constant 3 : i32
        %dma_start3A_374 = arith.constant 3 : i32
        %dma_start3A_375 = arith.constant 0 : i32
        %dma_start3A_376 = arith.constant 0 : i32
        %dma_start3A_377 = tpu.memref_slice %arg12[%dma_start3A_373, %dma_start3A_375, %dma_start3A_376] : memref<4x128x64xf32, #tpu.memory_space<vmem>> -> memref<1x128x64xf32, #tpu.memory_space<vmem>>
        %dma_start3A_378 = tpu.memref_squeeze %dma_start3A_377 : memref<1x128x64xf32, #tpu.memory_space<vmem>> -> memref<128x64xf32, #tpu.memory_space<vmem>>
        %dma_start3A_379 = arith.constant 0 : i32
        %dma_start3A_380 = tpu.memref_slice %arg10[%add3A_353, %dma_start3A_379] : memref<80x128xi32, #tpu.memory_space<vmem>> -> memref<1x128xi32, #tpu.memory_space<vmem>>
        %dma_start3A_381 = tpu.memref_squeeze %dma_start3A_380 : memref<1x128xi32, #tpu.memory_space<vmem>> -> memref<128xi32, #tpu.memory_space<vmem>>
        %dma_start3A_382 = arith.constant 0 : i32
        %dma_start3A_383 = arith.constant 0 : i32
        %dma_start3A_384 = tpu.memref_slice %arg2[%dma_start3A_382, %dma_start3A_383] : memref<10000x64xf32, #tpu.memory_space<hbm>> -> memref<10000x64xf32, #tpu.memory_space<hbm>>
        %dma_start3A_385 = tpu.memref_slice %arg15[%dma_start3A_374] : memref<4x!tpu.dma_semaphore, #tpu.memory_space<semaphore_mem>> -> memref<1x!tpu.dma_semaphore, #tpu.memory_space<semaphore_mem>>
        %dma_start3A_386 = tpu.memref_squeeze %dma_start3A_385 : memref<1x!tpu.dma_semaphore, #tpu.memory_space<semaphore_mem>> -> memref<!tpu.dma_semaphore, #tpu.memory_space<semaphore_mem>>
        tpu.enqueue_indirect_dma source(%dma_start3A_384 : memref<10000x64xf32, #tpu.memory_space<hbm>>) target(%dma_start3A_378 : memref<128x64xf32, #tpu.memory_space<vmem>>) offsets(%dma_start3A_381 : memref<128xi32, #tpu.memory_space<vmem>>) semaphore(%dma_start3A_386 : memref<!tpu.dma_semaphore, #tpu.memory_space<semaphore_mem>>)
      } else {
      }
    }
    %scan3A_83 = arith.constant 20 : i32
    %dma_wait3A = arith.constant 0 : i32
    %dma_wait3A_84 = arith.constant 0 : i32
    %dma_wait3A_85 = arith.constant 0 : i32
    %dma_wait3A_86 = arith.constant 0 : i32
    %dma_wait3A_87 = arith.constant 0 : i32
    %dma_wait3A_88 = tpu.memref_slice %arg12[%dma_wait3A, %dma_wait3A_86, %dma_wait3A_87] : memref<4x128x64xf32, #tpu.memory_space<vmem>> -> memref<1x128x64xf32, #tpu.memory_space<vmem>>
    %dma_wait3A_89 = tpu.memref_squeeze %dma_wait3A_88 : memref<1x128x64xf32, #tpu.memory_space<vmem>> -> memref<128x64xf32, #tpu.memory_space<vmem>>
    %dma_wait3A_90 = arith.constant 0 : i32
    %dma_wait3A_91 = tpu.memref_slice %arg11[%dma_wait3A_84, %dma_wait3A_90] : memref<80x128xi32, #tpu.memory_space<vmem>> -> memref<1x128xi32, #tpu.memory_space<vmem>>
    %dma_wait3A_92 = tpu.memref_squeeze %dma_wait3A_91 : memref<1x128xi32, #tpu.memory_space<vmem>> -> memref<128xi32, #tpu.memory_space<vmem>>
    %dma_wait3A_93 = arith.constant 0 : i32
    %dma_wait3A_94 = arith.constant 0 : i32
    %dma_wait3A_95 = tpu.memref_slice %arg14[%dma_wait3A_93, %dma_wait3A_94] : memref<10240x64xf32, #tpu.memory_space<vmem_shared>> -> memref<10240x64xf32, #tpu.memory_space<vmem_shared>>
    %dma_wait3A_96 = tpu.memref_slice %arg16[%dma_wait3A_85] : memref<4x!tpu.dma_semaphore, #tpu.memory_space<semaphore_mem>> -> memref<1x!tpu.dma_semaphore, #tpu.memory_space<semaphore_mem>>
    %dma_wait3A_97 = tpu.memref_squeeze %dma_wait3A_96 : memref<1x!tpu.dma_semaphore, #tpu.memory_space<semaphore_mem>> -> memref<!tpu.dma_semaphore, #tpu.memory_space<semaphore_mem>>
    tpu.wait_indirect_dma semaphore(%dma_wait3A_97 : memref<!tpu.dma_semaphore, #tpu.memory_space<semaphore_mem>>) src(%dma_wait3A_89 : memref<128x64xf32, #tpu.memory_space<vmem>>) dst(%dma_wait3A_95 : memref<10240x64xf32, #tpu.memory_space<vmem_shared>>)
    %dma_wait3A_98 = arith.constant 1 : i32
    %dma_wait3A_99 = arith.constant 1 : i32
    %dma_wait3A_100 = arith.constant 1 : i32
    %dma_wait3A_101 = arith.constant 0 : i32
    %dma_wait3A_102 = arith.constant 0 : i32
    %dma_wait3A_103 = tpu.memref_slice %arg12[%dma_wait3A_98, %dma_wait3A_101, %dma_wait3A_102] : memref<4x128x64xf32, #tpu.memory_space<vmem>> -> memref<1x128x64xf32, #tpu.memory_space<vmem>>
    %dma_wait3A_104 = tpu.memref_squeeze %dma_wait3A_103 : memref<1x128x64xf32, #tpu.memory_space<vmem>> -> memref<128x64xf32, #tpu.memory_space<vmem>>
    %dma_wait3A_105 = arith.constant 0 : i32
    %dma_wait3A_106 = tpu.memref_slice %arg11[%dma_wait3A_99, %dma_wait3A_105] : memref<80x128xi32, #tpu.memory_space<vmem>> -> memref<1x128xi32, #tpu.memory_space<vmem>>
    %dma_wait3A_107 = tpu.memref_squeeze %dma_wait3A_106 : memref<1x128xi32, #tpu.memory_space<vmem>> -> memref<128xi32, #tpu.memory_space<vmem>>
    %dma_wait3A_108 = arith.constant 0 : i32
    %dma_wait3A_109 = arith.constant 0 : i32
    %dma_wait3A_110 = tpu.memref_slice %arg14[%dma_wait3A_108, %dma_wait3A_109] : memref<10240x64xf32, #tpu.memory_space<vmem_shared>> -> memref<10240x64xf32, #tpu.memory_space<vmem_shared>>
    %dma_wait3A_111 = tpu.memref_slice %arg16[%dma_wait3A_100] : memref<4x!tpu.dma_semaphore, #tpu.memory_space<semaphore_mem>> -> memref<1x!tpu.dma_semaphore, #tpu.memory_space<semaphore_mem>>
    %dma_wait3A_112 = tpu.memref_squeeze %dma_wait3A_111 : memref<1x!tpu.dma_semaphore, #tpu.memory_space<semaphore_mem>> -> memref<!tpu.dma_semaphore, #tpu.memory_space<semaphore_mem>>
    tpu.wait_indirect_dma semaphore(%dma_wait3A_112 : memref<!tpu.dma_semaphore, #tpu.memory_space<semaphore_mem>>) src(%dma_wait3A_104 : memref<128x64xf32, #tpu.memory_space<vmem>>) dst(%dma_wait3A_110 : memref<10240x64xf32, #tpu.memory_space<vmem_shared>>)
    %dma_wait3A_113 = arith.constant 2 : i32
    %dma_wait3A_114 = arith.constant 2 : i32
    %dma_wait3A_115 = arith.constant 2 : i32
    %dma_wait3A_116 = arith.constant 0 : i32
    %dma_wait3A_117 = arith.constant 0 : i32
    %dma_wait3A_118 = tpu.memref_slice %arg12[%dma_wait3A_113, %dma_wait3A_116, %dma_wait3A_117] : memref<4x128x64xf32, #tpu.memory_space<vmem>> -> memref<1x128x64xf32, #tpu.memory_space<vmem>>
    %dma_wait3A_119 = tpu.memref_squeeze %dma_wait3A_118 : memref<1x128x64xf32, #tpu.memory_space<vmem>> -> memref<128x64xf32, #tpu.memory_space<vmem>>
    %dma_wait3A_120 = arith.constant 0 : i32
    %dma_wait3A_121 = tpu.memref_slice %arg11[%dma_wait3A_114, %dma_wait3A_120] : memref<80x128xi32, #tpu.memory_space<vmem>> -> memref<1x128xi32, #tpu.memory_space<vmem>>
    %dma_wait3A_122 = tpu.memref_squeeze %dma_wait3A_121 : memref<1x128xi32, #tpu.memory_space<vmem>> -> memref<128xi32, #tpu.memory_space<vmem>>
    %dma_wait3A_123 = arith.constant 0 : i32
    %dma_wait3A_124 = arith.constant 0 : i32
    %dma_wait3A_125 = tpu.memref_slice %arg14[%dma_wait3A_123, %dma_wait3A_124] : memref<10240x64xf32, #tpu.memory_space<vmem_shared>> -> memref<10240x64xf32, #tpu.memory_space<vmem_shared>>
    %dma_wait3A_126 = tpu.memref_slice %arg16[%dma_wait3A_115] : memref<4x!tpu.dma_semaphore, #tpu.memory_space<semaphore_mem>> -> memref<1x!tpu.dma_semaphore, #tpu.memory_space<semaphore_mem>>
    %dma_wait3A_127 = tpu.memref_squeeze %dma_wait3A_126 : memref<1x!tpu.dma_semaphore, #tpu.memory_space<semaphore_mem>> -> memref<!tpu.dma_semaphore, #tpu.memory_space<semaphore_mem>>
    tpu.wait_indirect_dma semaphore(%dma_wait3A_127 : memref<!tpu.dma_semaphore, #tpu.memory_space<semaphore_mem>>) src(%dma_wait3A_119 : memref<128x64xf32, #tpu.memory_space<vmem>>) dst(%dma_wait3A_125 : memref<10240x64xf32, #tpu.memory_space<vmem_shared>>)
    %dma_wait3A_128 = arith.constant 3 : i32
    %dma_wait3A_129 = arith.constant 3 : i32
    %dma_wait3A_130 = arith.constant 3 : i32
    %dma_wait3A_131 = arith.constant 0 : i32
    %dma_wait3A_132 = arith.constant 0 : i32
    %dma_wait3A_133 = tpu.memref_slice %arg12[%dma_wait3A_128, %dma_wait3A_131, %dma_wait3A_132] : memref<4x128x64xf32, #tpu.memory_space<vmem>> -> memref<1x128x64xf32, #tpu.memory_space<vmem>>
    %dma_wait3A_134 = tpu.memref_squeeze %dma_wait3A_133 : memref<1x128x64xf32, #tpu.memory_space<vmem>> -> memref<128x64xf32, #tpu.memory_space<vmem>>
    %dma_wait3A_135 = arith.constant 0 : i32
    %dma_wait3A_136 = tpu.memref_slice %arg11[%dma_wait3A_129, %dma_wait3A_135] : memref<80x128xi32, #tpu.memory_space<vmem>> -> memref<1x128xi32, #tpu.memory_space<vmem>>
    %dma_wait3A_137 = tpu.memref_squeeze %dma_wait3A_136 : memref<1x128xi32, #tpu.memory_space<vmem>> -> memref<128xi32, #tpu.memory_space<vmem>>
    %dma_wait3A_138 = arith.constant 0 : i32
    %dma_wait3A_139 = arith.constant 0 : i32
    %dma_wait3A_140 = tpu.memref_slice %arg14[%dma_wait3A_138, %dma_wait3A_139] : memref<10240x64xf32, #tpu.memory_space<vmem_shared>> -> memref<10240x64xf32, #tpu.memory_space<vmem_shared>>
    %dma_wait3A_141 = tpu.memref_slice %arg16[%dma_wait3A_130] : memref<4x!tpu.dma_semaphore, #tpu.memory_space<semaphore_mem>> -> memref<1x!tpu.dma_semaphore, #tpu.memory_space<semaphore_mem>>
    %dma_wait3A_142 = tpu.memref_squeeze %dma_wait3A_141 : memref<1x!tpu.dma_semaphore, #tpu.memory_space<semaphore_mem>> -> memref<!tpu.dma_semaphore, #tpu.memory_space<semaphore_mem>>
    tpu.wait_indirect_dma semaphore(%dma_wait3A_142 : memref<!tpu.dma_semaphore, #tpu.memory_space<semaphore_mem>>) src(%dma_wait3A_134 : memref<128x64xf32, #tpu.memory_space<vmem>>) dst(%dma_wait3A_140 : memref<10240x64xf32, #tpu.memory_space<vmem_shared>>)
    %dma_wait3A_143 = arith.constant 0 : i32
    %dma_wait3A_144 = arith.constant 0 : i32
    %dma_wait3A_145 = tpu.memref_slice %arg11[%dma_wait3A_143, %dma_wait3A_144] : memref<80x128xi32, #tpu.memory_space<vmem>> -> memref<1x128xi32, #tpu.memory_space<vmem>>
    %dma_wait3A_146 = tpu.memref_squeeze %dma_wait3A_145 : memref<1x128xi32, #tpu.memory_space<vmem>> -> memref<128xi32, #tpu.memory_space<vmem>>
    %dma_wait3A_147 = arith.constant 0 : i32
    %dma_wait3A_148 = arith.constant 0 : i32
    %dma_wait3A_149 = tpu.memref_slice %arg19[%dma_wait3A_147, %dma_wait3A_148] : memref<10240x16xf32, #tpu.memory_space<vmem_shared>> -> memref<10240x16xf32, #tpu.memory_space<vmem_shared>>
    tpu.wait_indirect_dma semaphore(%arg20 : memref<!tpu.dma_semaphore, #tpu.memory_space<semaphore_mem>>) src(%arg17 : memref<128x16xf32, #tpu.memory_space<vmem>>) dst(%dma_wait3A_149 : memref<10240x16xf32, #tpu.memory_space<vmem_shared>>)
    %dma_wait3A_150 = arith.constant 0 : i32
    %dma_wait3A_151 = arith.constant 0 : i32
    %dma_wait3A_152 = tpu.memref_slice %arg11[%dma_wait3A_150, %dma_wait3A_151] : memref<80x128xi32, #tpu.memory_space<vmem>> -> memref<1x128xi32, #tpu.memory_space<vmem>>
    %dma_wait3A_153 = tpu.memref_squeeze %dma_wait3A_152 : memref<1x128xi32, #tpu.memory_space<vmem>> -> memref<128xi32, #tpu.memory_space<vmem>>
    %dma_wait3A_154 = arith.constant 0 : i32
    %dma_wait3A_155 = arith.constant 0 : i32
    %dma_wait3A_156 = tpu.memref_slice %arg19[%dma_wait3A_154, %dma_wait3A_155] : memref<10240x16xf32, #tpu.memory_space<vmem_shared>> -> memref<10240x16xf32, #tpu.memory_space<vmem_shared>>
    tpu.wait_indirect_dma semaphore(%arg20 : memref<!tpu.dma_semaphore, #tpu.memory_space<semaphore_mem>>) src(%arg17 : memref<128x16xf32, #tpu.memory_space<vmem>>) dst(%dma_wait3A_156 : memref<10240x16xf32, #tpu.memory_space<vmem_shared>>)
    %barrier3A_157 = arith.constant 0 : index
    tpu.barrier barrier_id(%barrier3A_157)
    %mul3A_158 = arith.constant 640 : i32
    %mul3A_159 = arith.muli %arg1, %mul3A_158 : i32
    %mul3A_160 = arith.constant 640 : i32
    %mul3A_161 = arith.muli %arg1, %mul3A_160 : i32
    "tpu.region"() ({
      %run_scoped3A = tpu.sem_alloc : memref<!tpu.dma_semaphore, #tpu.memory_space<semaphore_mem>>
      %dma_start3A_166 = arith.constant 0 : i32
      %dma_start3A_167 = tpu.memref_slice %arg8[%arg0, %mul3A_161, %dma_start3A_166] : memref<2x10240x64xf32, #tpu.memory_space<hbm>> -> memref<1x640x64xf32, #tpu.memory_space<hbm>>
      %dma_start3A_168 = tpu.memref_squeeze %dma_start3A_167 : memref<1x640x64xf32, #tpu.memory_space<hbm>> -> memref<640x64xf32, #tpu.memory_space<hbm>>
      %dma_start3A_169 = arith.constant 0 : i32
      %dma_start3A_170 = tpu.memref_slice %arg14[%mul3A_159, %dma_start3A_169] : memref<10240x64xf32, #tpu.memory_space<vmem_shared>> -> memref<640x64xf32, #tpu.memory_space<vmem_shared>>
      tpu.enqueue_dma source(%dma_start3A_170 : memref<640x64xf32, #tpu.memory_space<vmem_shared>>) target(%dma_start3A_168 : memref<640x64xf32, #tpu.memory_space<hbm>>) target_semaphore(%run_scoped3A : memref<!tpu.dma_semaphore, #tpu.memory_space<semaphore_mem>>)
      %dma_wait3A_171 = arith.constant 0 : i32
      %dma_wait3A_172 = tpu.memref_slice %arg8[%arg0, %mul3A_161, %dma_wait3A_171] : memref<2x10240x64xf32, #tpu.memory_space<hbm>> -> memref<1x640x64xf32, #tpu.memory_space<hbm>>
      %dma_wait3A_173 = tpu.memref_squeeze %dma_wait3A_172 : memref<1x640x64xf32, #tpu.memory_space<hbm>> -> memref<640x64xf32, #tpu.memory_space<hbm>>
      %dma_wait3A_174 = arith.constant 0 : i32
      %dma_wait3A_175 = tpu.memref_slice %arg14[%mul3A_159, %dma_wait3A_174] : memref<10240x64xf32, #tpu.memory_space<vmem_shared>> -> memref<640x64xf32, #tpu.memory_space<vmem_shared>>
      tpu.wait_dma2 semaphore(%run_scoped3A : memref<!tpu.dma_semaphore, #tpu.memory_space<semaphore_mem>>) src(%dma_wait3A_175 : memref<640x64xf32, #tpu.memory_space<vmem_shared>>) dst(%dma_wait3A_173 : memref<640x64xf32, #tpu.memory_space<hbm>>)
      tpu.yield
    }) : () -> ()
    %mul3A_162 = arith.constant 640 : i32
    %mul3A_163 = arith.muli %arg1, %mul3A_162 : i32
    %mul3A_164 = arith.constant 640 : i32
    %mul3A_165 = arith.muli %arg1, %mul3A_164 : i32
    "tpu.region"() ({
      %run_scoped3A = tpu.sem_alloc : memref<!tpu.dma_semaphore, #tpu.memory_space<semaphore_mem>>
      %dma_start3A_166 = arith.constant 0 : i32
      %dma_start3A_167 = tpu.memref_slice %arg9[%arg0, %mul3A_165, %dma_start3A_166] : memref<2x10240x16xf32, #tpu.memory_space<hbm>> -> memref<1x640x16xf32, #tpu.memory_space<hbm>>
      %dma_start3A_168 = tpu.memref_squeeze %dma_start3A_167 : memref<1x640x16xf32, #tpu.memory_space<hbm>> -> memref<640x16xf32, #tpu.memory_space<hbm>>
      %dma_start3A_169 = arith.constant 0 : i32
      %dma_start3A_170 = tpu.memref_slice %arg19[%mul3A_163, %dma_start3A_169] : memref<10240x16xf32, #tpu.memory_space<vmem_shared>> -> memref<640x16xf32, #tpu.memory_space<vmem_shared>>
      tpu.enqueue_dma source(%dma_start3A_170 : memref<640x16xf32, #tpu.memory_space<vmem_shared>>) target(%dma_start3A_168 : memref<640x16xf32, #tpu.memory_space<hbm>>) target_semaphore(%run_scoped3A : memref<!tpu.dma_semaphore, #tpu.memory_space<semaphore_mem>>)
      %dma_wait3A_171 = arith.constant 0 : i32
      %dma_wait3A_172 = tpu.memref_slice %arg9[%arg0, %mul3A_165, %dma_wait3A_171] : memref<2x10240x16xf32, #tpu.memory_space<hbm>> -> memref<1x640x16xf32, #tpu.memory_space<hbm>>
      %dma_wait3A_173 = tpu.memref_squeeze %dma_wait3A_172 : memref<1x640x16xf32, #tpu.memory_space<hbm>> -> memref<640x16xf32, #tpu.memory_space<hbm>>
      %dma_wait3A_174 = arith.constant 0 : i32
      %dma_wait3A_175 = tpu.memref_slice %arg19[%mul3A_163, %dma_wait3A_174] : memref<10240x16xf32, #tpu.memory_space<vmem_shared>> -> memref<640x16xf32, #tpu.memory_space<vmem_shared>>
      tpu.wait_dma2 semaphore(%run_scoped3A : memref<!tpu.dma_semaphore, #tpu.memory_space<semaphore_mem>>) src(%dma_wait3A_175 : memref<640x16xf32, #tpu.memory_space<vmem_shared>>) dst(%dma_wait3A_173 : memref<640x16xf32, #tpu.memory_space<hbm>>)
      tpu.yield
    }) : () -> ()
    return
  }
}

module attributes {stable_mosaic.version = 14 : i64} {
  func.func @_tc_proj_body(%arg0: i32, %arg1: memref<1000x128xf32, #tpu.memory_space<vmem>>, %arg2: memref<128x64xf32, #tpu.memory_space<vmem>>, %arg3: memref<1x64xf32, #tpu.memory_space<vmem>>, %arg4: memref<1000x64xf32, #tpu.memory_space<vmem>>) attributes {dimension_semantics = [#tpu.dimension_semantics<arbitrary>], iteration_bounds = array<i64: 10>, scalar_prefetch = 0 : i64, scratch_operands = 0 : i64, tpu.core_type = #tpu.core_type<tc>, window_params = [{transform_indices = @transform_0, window_bounds = array<i64: 1000, 128>}, {pipeline_mode = #tpu.pipeline_mode<synchronous>, transform_indices = @transform_1, window_bounds = array<i64: 128, 64>}, {pipeline_mode = #tpu.pipeline_mode<synchronous>, transform_indices = @transform_2, window_bounds = array<i64: 1, 64>}, {transform_indices = @transform_3, window_bounds = array<i64: 1000, 64>}]} {
    %get3A = arith.constant 0 : index
    %get3A_0 = arith.constant 0 : index
    %get3A_1 = vector.load %arg1[%get3A, %get3A_0] : memref<1000x128xf32, #tpu.memory_space<vmem>>, vector<1000x128xf32>
    %get3A_2 = arith.constant 0 : index
    %get3A_3 = arith.constant 0 : index
    %get3A_4 = vector.load %arg2[%get3A_2, %get3A_3] : memref<128x64xf32, #tpu.memory_space<vmem>>, vector<128x64xf32>
    %dot_general3A = arith.constant dense<0.000000e+00> : vector<1000x64xf32>
    %dot_general3A_5 = tpu.matmul %get3A_1, %get3A_4, %dot_general3A {dimension_numbers = #tpu.dot_dimension_numbers<[1], [0], [0], [1], [0, 0, 1, 1], [], []>, transpose_lhs_hint = false} : vector<1000x128xf32>, vector<128x64xf32>, vector<1000x64xf32> -> vector<1000x64xf32>
    %get3A_6 = arith.constant 0 : index
    %get3A_7 = arith.constant 0 : index
    %get3A_8 = vector.load %arg3[%get3A_6, %get3A_7] : memref<1x64xf32, #tpu.memory_space<vmem>>, vector<1x64xf32>
    %add3A = vector.broadcast %get3A_8 : vector<1x64xf32> to vector<1000x64xf32>
    %add3A_9 = arith.addf %dot_general3A_5, %add3A : vector<1000x64xf32>
    %max3A = arith.constant 0.000000e+00 : f32
    %max3A_10 = vector.broadcast %max3A : f32 to vector<1000x64xf32>
    %max3A_11 = arith.maximumf %add3A_9, %max3A_10 : vector<1000x64xf32>
    %swap3A = arith.constant 0 : index
    %swap3A_12 = arith.constant 0 : index
    %swap3A_13 = vector.load %arg4[%swap3A, %swap3A_12] : memref<1000x64xf32, #tpu.memory_space<vmem>>, vector<1000x64xf32>
    tpu.vector_store %arg4[%swap3A, %swap3A_12], %max3A_11 {strides = array<i32>} : memref<1000x64xf32, #tpu.memory_space<vmem>>, vector<1000x64xf32>,
    return
  }
  func.func @transform_0(%arg0: i32) -> (i32, i32) {
    %c0_i32 = arith.constant 0 : i32
    %c0_i32_0 = arith.constant 0 : i32
    return %arg0, %c0_i32 : i32, i32
  }
  func.func @transform_1(%arg0: i32) -> (i32, i32) {
    %c0_i32 = arith.constant 0 : i32
    %c0_i32_0 = arith.constant 0 : i32
    %c0_i32_1 = arith.constant 0 : i32
    return %c0_i32, %c0_i32_0 : i32, i32
  }
  func.func @transform_2(%arg0: i32) -> (i32, i32) {
    %c0_i32 = arith.constant 0 : i32
    %c0_i32_0 = arith.constant 0 : i32
    %c0_i32_1 = arith.constant 0 : i32
    return %c0_i32, %c0_i32_0 : i32, i32
  }
  func.func @transform_3(%arg0: i32) -> (i32, i32) {
    %c0_i32 = arith.constant 0 : i32
    %c0_i32_0 = arith.constant 0 : i32
    return %arg0, %c0_i32 : i32, i32
  }
}

module attributes {stable_mosaic.version = 14 : i64} {
  func.func @_tc_combine_body(%arg0: i32, %arg1: memref<2x1000x64xf32, #tpu.memory_space<vmem>>, %arg2: memref<2x1000x16xf32, #tpu.memory_space<vmem>>, %arg3: memref<1000x64xf32, #tpu.memory_space<vmem>>, %arg4: memref<64x64xf32, #tpu.memory_space<vmem>>, %arg5: memref<64x64xf32, #tpu.memory_space<vmem>>, %arg6: memref<1x64xf32, #tpu.memory_space<vmem>>, %arg7: memref<1x64xf32, #tpu.memory_space<vmem>>, %arg8: memref<1x64xf32, #tpu.memory_space<vmem>>, %arg9: memref<1000x64xf32, #tpu.memory_space<vmem>>) attributes {dimension_semantics = [#tpu.dimension_semantics<arbitrary>], iteration_bounds = array<i64: 10>, scalar_prefetch = 0 : i64, scratch_operands = 0 : i64, tpu.core_type = #tpu.core_type<tc>, window_params = [{transform_indices = @transform_0, window_bounds = array<i64: 2, 1000, 64>}, {transform_indices = @transform_1, window_bounds = array<i64: 2, 1000, 16>}, {transform_indices = @transform_2, window_bounds = array<i64: 1000, 64>}, {pipeline_mode = #tpu.pipeline_mode<synchronous>, transform_indices = @transform_3, window_bounds = array<i64: 64, 64>}, {pipeline_mode = #tpu.pipeline_mode<synchronous>, transform_indices = @transform_4, window_bounds = array<i64: 64, 64>}, {pipeline_mode = #tpu.pipeline_mode<synchronous>, transform_indices = @transform_5, window_bounds = array<i64: 1, 64>}, {pipeline_mode = #tpu.pipeline_mode<synchronous>, transform_indices = @transform_6, window_bounds = array<i64: 1, 64>}, {pipeline_mode = #tpu.pipeline_mode<synchronous>, transform_indices = @transform_7, window_bounds = array<i64: 1, 64>}, {transform_indices = @transform_8, window_bounds = array<i64: 1000, 64>}]} {
    %get3A = arith.constant 0 : index
    %get3A_0 = arith.constant 0 : index
    %get3A_1 = arith.constant 0 : index
    %get3A_2 = vector.load %arg1[%get3A, %get3A_0, %get3A_1] : memref<2x1000x64xf32, #tpu.memory_space<vmem>>, vector<1x1000x64xf32>
    %get3A_3 = vector.shape_cast %get3A_2 : vector<1x1000x64xf32> to vector<1000x64xf32>
    %get3A_4 = arith.constant 1 : index
    %get3A_5 = arith.constant 0 : index
    %get3A_6 = arith.constant 0 : index
    %get3A_7 = vector.load %arg1[%get3A_4, %get3A_5, %get3A_6] : memref<2x1000x64xf32, #tpu.memory_space<vmem>>, vector<1x1000x64xf32>
    %get3A_8 = vector.shape_cast %get3A_7 : vector<1x1000x64xf32> to vector<1000x64xf32>
    %add3A = arith.addf %get3A_3, %get3A_8 : vector<1000x64xf32>
    %get3A_9 = arith.constant 0 : index
    %get3A_10 = arith.constant 0 : index
    %get3A_11 = arith.constant 0 : index
    %get3A_12 = vector.load %arg2[%get3A_9, %get3A_10, %get3A_11] : memref<2x1000x16xf32, #tpu.memory_space<vmem>>, vector<1x1000x1xf32>
    %get3A_13 = vector.shape_cast %get3A_12 : vector<1x1000x1xf32> to vector<1000x1xf32>
    %get3A_14 = arith.constant 1 : index
    %get3A_15 = arith.constant 0 : index
    %get3A_16 = arith.constant 0 : index
    %get3A_17 = vector.load %arg2[%get3A_14, %get3A_15, %get3A_16] : memref<2x1000x16xf32, #tpu.memory_space<vmem>>, vector<1x1000x1xf32>
    %get3A_18 = vector.shape_cast %get3A_17 : vector<1x1000x1xf32> to vector<1000x1xf32>
    %add3A_19 = arith.addf %get3A_13, %get3A_18 : vector<1000x1xf32>
    %max3A = arith.constant 1.000000e+00 : f32
    %max3A_20 = vector.broadcast %max3A : f32 to vector<1000x1xf32>
    %max3A_21 = arith.maximumf %add3A_19, %max3A_20 : vector<1000x1xf32>
    %div3A = vector.broadcast %max3A_21 : vector<1000x1xf32> to vector<1000x64xf32>
    %div3A_22 = arith.divf %add3A, %div3A : vector<1000x64xf32>
    %get3A_23 = arith.constant 0 : index
    %get3A_24 = arith.constant 0 : index
    %get3A_25 = vector.load %arg4[%get3A_23, %get3A_24] : memref<64x64xf32, #tpu.memory_space<vmem>>, vector<64x64xf32>
    %dot_general3A = arith.constant dense<0.000000e+00> : vector<1000x64xf32>
    %dot_general3A_26 = tpu.matmul %div3A_22, %get3A_25, %dot_general3A {dimension_numbers = #tpu.dot_dimension_numbers<[1], [0], [0], [1], [0, 0, 1, 1], [], []>, transpose_lhs_hint = false} : vector<1000x64xf32>, vector<64x64xf32>, vector<1000x64xf32> -> vector<1000x64xf32>
    %get3A_27 = arith.constant 0 : index
    %get3A_28 = arith.constant 0 : index
    %get3A_29 = vector.load %arg3[%get3A_27, %get3A_28] : memref<1000x64xf32, #tpu.memory_space<vmem>>, vector<1000x64xf32>
    %get3A_30 = arith.constant 0 : index
    %get3A_31 = arith.constant 0 : index
    %get3A_32 = vector.load %arg5[%get3A_30, %get3A_31] : memref<64x64xf32, #tpu.memory_space<vmem>>, vector<64x64xf32>
    %dot_general3A_33 = arith.constant dense<0.000000e+00> : vector<1000x64xf32>
    %dot_general3A_34 = tpu.matmul %get3A_29, %get3A_32, %dot_general3A_33 {dimension_numbers = #tpu.dot_dimension_numbers<[1], [0], [0], [1], [0, 0, 1, 1], [], []>, transpose_lhs_hint = false} : vector<1000x64xf32>, vector<64x64xf32>, vector<1000x64xf32> -> vector<1000x64xf32>
    %add3A_35 = arith.addf %dot_general3A_26, %dot_general3A_34 : vector<1000x64xf32>
    %get3A_36 = arith.constant 0 : index
    %get3A_37 = arith.constant 0 : index
    %get3A_38 = vector.load %arg6[%get3A_36, %get3A_37] : memref<1x64xf32, #tpu.memory_space<vmem>>, vector<1x64xf32>
    %add3A_39 = vector.broadcast %get3A_38 : vector<1x64xf32> to vector<1000x64xf32>
    %add3A_40 = arith.addf %add3A_35, %add3A_39 : vector<1000x64xf32>
    %reduce_sum3A = arith.constant dense<0.000000e+00> : vector<1000xf32>
    %reduce_sum3A_41 = vector.multi_reduction <add>, %add3A_40, %reduce_sum3A [1] : vector<1000x64xf32> to vector<1000xf32>
    %broadcast_in_dim3A = vector.shape_cast %reduce_sum3A_41 : vector<1000xf32> to vector<1000x1xf32>
    %div3A_42 = arith.constant 6.400000e+01 : f32
    %div3A_43 = vector.broadcast %div3A_42 : f32 to vector<1000x1xf32>
    %div3A_44 = arith.divf %broadcast_in_dim3A, %div3A_43 : vector<1000x1xf32>
    %sub3A = vector.broadcast %div3A_44 : vector<1000x1xf32> to vector<1000x64xf32>
    %sub3A_45 = arith.subf %add3A_40, %sub3A : vector<1000x64xf32>
    %integer_pow3A = arith.mulf %sub3A_45, %sub3A_45 : vector<1000x64xf32>
    %reduce_sum3A_46 = arith.constant dense<0.000000e+00> : vector<1000xf32>
    %reduce_sum3A_47 = vector.multi_reduction <add>, %integer_pow3A, %reduce_sum3A_46 [1] : vector<1000x64xf32> to vector<1000xf32>
    %broadcast_in_dim3A_48 = vector.shape_cast %reduce_sum3A_47 : vector<1000xf32> to vector<1000x1xf32>
    %div3A_49 = arith.constant 6.400000e+01 : f32
    %div3A_50 = vector.broadcast %div3A_49 : f32 to vector<1000x1xf32>
    %div3A_51 = arith.divf %broadcast_in_dim3A_48, %div3A_50 : vector<1000x1xf32>
    %sub3A_52 = vector.broadcast %div3A_44 : vector<1000x1xf32> to vector<1000x64xf32>
    %sub3A_53 = arith.subf %add3A_40, %sub3A_52 : vector<1000x64xf32>
    %add3A_54 = arith.constant 9.99999974E-6 : f32
    %add3A_55 = vector.broadcast %add3A_54 : f32 to vector<1000x1xf32>
    %add3A_56 = arith.addf %div3A_51, %add3A_55 : vector<1000x1xf32>
    %rsqrt3A = math.rsqrt %add3A_56 : vector<1000x1xf32>
    %mul3A = vector.broadcast %rsqrt3A : vector<1000x1xf32> to vector<1000x64xf32>
    %mul3A_57 = arith.mulf %sub3A_53, %mul3A : vector<1000x64xf32>
    %get3A_58 = arith.constant 0 : index
    %get3A_59 = arith.constant 0 : index
    %get3A_60 = vector.load %arg7[%get3A_58, %get3A_59] : memref<1x64xf32, #tpu.memory_space<vmem>>, vector<1x64xf32>
    %mul3A_61 = vector.broadcast %get3A_60 : vector<1x64xf32> to vector<1000x64xf32>
    %mul3A_62 = arith.mulf %mul3A_57, %mul3A_61 : vector<1000x64xf32>
    %get3A_63 = arith.constant 0 : index
    %get3A_64 = arith.constant 0 : index
    %get3A_65 = vector.load %arg8[%get3A_63, %get3A_64] : memref<1x64xf32, #tpu.memory_space<vmem>>, vector<1x64xf32>
    %add3A_66 = vector.broadcast %get3A_65 : vector<1x64xf32> to vector<1000x64xf32>
    %add3A_67 = arith.addf %mul3A_62, %add3A_66 : vector<1000x64xf32>
    %max3A_68 = arith.constant 0.000000e+00 : f32
    %max3A_69 = vector.broadcast %max3A_68 : f32 to vector<1000x64xf32>
    %max3A_70 = arith.maximumf %add3A_67, %max3A_69 : vector<1000x64xf32>
    %swap3A = arith.constant 0 : index
    %swap3A_71 = arith.constant 0 : index
    %swap3A_72 = vector.load %arg9[%swap3A, %swap3A_71] : memref<1000x64xf32, #tpu.memory_space<vmem>>, vector<1000x64xf32>
    tpu.vector_store %arg9[%swap3A, %swap3A_71], %max3A_70 {strides = array<i32>} : memref<1000x64xf32, #tpu.memory_space<vmem>>, vector<1000x64xf32>,
    return
  }
  func.func @transform_0(%arg0: i32) -> (i32, i32, i32) {
    %c0_i32 = arith.constant 0 : i32
    %c0_i32_0 = arith.constant 0 : i32
    %c0_i32_1 = arith.constant 0 : i32
    return %c0_i32, %arg0, %c0_i32_0 : i32, i32, i32
  }
  func.func @transform_1(%arg0: i32) -> (i32, i32, i32) {
    %c0_i32 = arith.constant 0 : i32
    %c0_i32_0 = arith.constant 0 : i32
    %c0_i32_1 = arith.constant 0 : i32
    return %c0_i32, %arg0, %c0_i32_0 : i32, i32, i32
  }
  func.func @transform_2(%arg0: i32) -> (i32, i32) {
    %c0_i32 = arith.constant 0 : i32
    %c0_i32_0 = arith.constant 0 : i32
    return %arg0, %c0_i32 : i32, i32
  }
  func.func @transform_3(%arg0: i32) -> (i32, i32) {
    %c0_i32 = arith.constant 0 : i32
    %c0_i32_0 = arith.constant 0 : i32
    %c0_i32_1 = arith.constant 0 : i32
    return %c0_i32, %c0_i32_0 : i32, i32
  }
  func.func @transform_4(%arg0: i32) -> (i32, i32) {
    %c0_i32 = arith.constant 0 : i32
    %c0_i32_0 = arith.constant 0 : i32
    %c0_i32_1 = arith.constant 0 : i32
    return %c0_i32, %c0_i32_0 : i32, i32
  }
  func.func @transform_5(%arg0: i32) -> (i32, i32) {
    %c0_i32 = arith.constant 0 : i32
    %c0_i32_0 = arith.constant 0 : i32
    %c0_i32_1 = arith.constant 0 : i32
    return %c0_i32, %c0_i32_0 : i32, i32
  }
  func.func @transform_6(%arg0: i32) -> (i32, i32) {
    %c0_i32 = arith.constant 0 : i32
    %c0_i32_0 = arith.constant 0 : i32
    %c0_i32_1 = arith.constant 0 : i32
    return %c0_i32, %c0_i32_0 : i32, i32
  }
  func.func @transform_7(%arg0: i32) -> (i32, i32) {
    %c0_i32 = arith.constant 0 : i32
    %c0_i32_0 = arith.constant 0 : i32
    %c0_i32_1 = arith.constant 0 : i32
    return %c0_i32, %c0_i32_0 : i32, i32
  }
  func.func @transform_8(%arg0: i32) -> (i32, i32) {
    %c0_i32 = arith.constant 0 : i32
    %c0_i32_0 = arith.constant 0 : i32
    return %arg0, %c0_i32 : i32, i32
  }
}

module attributes {stable_mosaic.version = 14 : i64} {
  func.func @_tc_combine_body(%arg0: i32, %arg1: memref<2x1000x64xf32, #tpu.memory_space<vmem>>, %arg2: memref<2x1000x16xf32, #tpu.memory_space<vmem>>, %arg3: memref<1000x64xf32, #tpu.memory_space<vmem>>, %arg4: memref<64x128xf32, #tpu.memory_space<vmem>>, %arg5: memref<64x128xf32, #tpu.memory_space<vmem>>, %arg6: memref<1x128xf32, #tpu.memory_space<vmem>>, %arg7: memref<1x128xf32, #tpu.memory_space<vmem>>, %arg8: memref<1x128xf32, #tpu.memory_space<vmem>>, %arg9: memref<1000x128xf32, #tpu.memory_space<vmem>>) attributes {dimension_semantics = [#tpu.dimension_semantics<arbitrary>], iteration_bounds = array<i64: 10>, scalar_prefetch = 0 : i64, scratch_operands = 0 : i64, tpu.core_type = #tpu.core_type<tc>, window_params = [{transform_indices = @transform_0, window_bounds = array<i64: 2, 1000, 64>}, {transform_indices = @transform_1, window_bounds = array<i64: 2, 1000, 16>}, {transform_indices = @transform_2, window_bounds = array<i64: 1000, 64>}, {pipeline_mode = #tpu.pipeline_mode<synchronous>, transform_indices = @transform_3, window_bounds = array<i64: 64, 128>}, {pipeline_mode = #tpu.pipeline_mode<synchronous>, transform_indices = @transform_4, window_bounds = array<i64: 64, 128>}, {pipeline_mode = #tpu.pipeline_mode<synchronous>, transform_indices = @transform_5, window_bounds = array<i64: 1, 128>}, {pipeline_mode = #tpu.pipeline_mode<synchronous>, transform_indices = @transform_6, window_bounds = array<i64: 1, 128>}, {pipeline_mode = #tpu.pipeline_mode<synchronous>, transform_indices = @transform_7, window_bounds = array<i64: 1, 128>}, {transform_indices = @transform_8, window_bounds = array<i64: 1000, 128>}]} {
    %get3A = arith.constant 0 : index
    %get3A_0 = arith.constant 0 : index
    %get3A_1 = arith.constant 0 : index
    %get3A_2 = vector.load %arg1[%get3A, %get3A_0, %get3A_1] : memref<2x1000x64xf32, #tpu.memory_space<vmem>>, vector<1x1000x64xf32>
    %get3A_3 = vector.shape_cast %get3A_2 : vector<1x1000x64xf32> to vector<1000x64xf32>
    %get3A_4 = arith.constant 1 : index
    %get3A_5 = arith.constant 0 : index
    %get3A_6 = arith.constant 0 : index
    %get3A_7 = vector.load %arg1[%get3A_4, %get3A_5, %get3A_6] : memref<2x1000x64xf32, #tpu.memory_space<vmem>>, vector<1x1000x64xf32>
    %get3A_8 = vector.shape_cast %get3A_7 : vector<1x1000x64xf32> to vector<1000x64xf32>
    %add3A = arith.addf %get3A_3, %get3A_8 : vector<1000x64xf32>
    %get3A_9 = arith.constant 0 : index
    %get3A_10 = arith.constant 0 : index
    %get3A_11 = arith.constant 0 : index
    %get3A_12 = vector.load %arg2[%get3A_9, %get3A_10, %get3A_11] : memref<2x1000x16xf32, #tpu.memory_space<vmem>>, vector<1x1000x1xf32>
    %get3A_13 = vector.shape_cast %get3A_12 : vector<1x1000x1xf32> to vector<1000x1xf32>
    %get3A_14 = arith.constant 1 : index
    %get3A_15 = arith.constant 0 : index
    %get3A_16 = arith.constant 0 : index
    %get3A_17 = vector.load %arg2[%get3A_14, %get3A_15, %get3A_16] : memref<2x1000x16xf32, #tpu.memory_space<vmem>>, vector<1x1000x1xf32>
    %get3A_18 = vector.shape_cast %get3A_17 : vector<1x1000x1xf32> to vector<1000x1xf32>
    %add3A_19 = arith.addf %get3A_13, %get3A_18 : vector<1000x1xf32>
    %max3A = arith.constant 1.000000e+00 : f32
    %max3A_20 = vector.broadcast %max3A : f32 to vector<1000x1xf32>
    %max3A_21 = arith.maximumf %add3A_19, %max3A_20 : vector<1000x1xf32>
    %div3A = vector.broadcast %max3A_21 : vector<1000x1xf32> to vector<1000x64xf32>
    %div3A_22 = arith.divf %add3A, %div3A : vector<1000x64xf32>
    %get3A_23 = arith.constant 0 : index
    %get3A_24 = arith.constant 0 : index
    %get3A_25 = vector.load %arg4[%get3A_23, %get3A_24] : memref<64x128xf32, #tpu.memory_space<vmem>>, vector<64x128xf32>
    %dot_general3A = arith.constant dense<0.000000e+00> : vector<1000x128xf32>
    %dot_general3A_26 = tpu.matmul %div3A_22, %get3A_25, %dot_general3A {dimension_numbers = #tpu.dot_dimension_numbers<[1], [0], [0], [1], [0, 0, 1, 1], [], []>, transpose_lhs_hint = false} : vector<1000x64xf32>, vector<64x128xf32>, vector<1000x128xf32> -> vector<1000x128xf32>
    %get3A_27 = arith.constant 0 : index
    %get3A_28 = arith.constant 0 : index
    %get3A_29 = vector.load %arg3[%get3A_27, %get3A_28] : memref<1000x64xf32, #tpu.memory_space<vmem>>, vector<1000x64xf32>
    %get3A_30 = arith.constant 0 : index
    %get3A_31 = arith.constant 0 : index
    %get3A_32 = vector.load %arg5[%get3A_30, %get3A_31] : memref<64x128xf32, #tpu.memory_space<vmem>>, vector<64x128xf32>
    %dot_general3A_33 = arith.constant dense<0.000000e+00> : vector<1000x128xf32>
    %dot_general3A_34 = tpu.matmul %get3A_29, %get3A_32, %dot_general3A_33 {dimension_numbers = #tpu.dot_dimension_numbers<[1], [0], [0], [1], [0, 0, 1, 1], [], []>, transpose_lhs_hint = false} : vector<1000x64xf32>, vector<64x128xf32>, vector<1000x128xf32> -> vector<1000x128xf32>
    %add3A_35 = arith.addf %dot_general3A_26, %dot_general3A_34 : vector<1000x128xf32>
    %get3A_36 = arith.constant 0 : index
    %get3A_37 = arith.constant 0 : index
    %get3A_38 = vector.load %arg6[%get3A_36, %get3A_37] : memref<1x128xf32, #tpu.memory_space<vmem>>, vector<1x128xf32>
    %add3A_39 = vector.broadcast %get3A_38 : vector<1x128xf32> to vector<1000x128xf32>
    %add3A_40 = arith.addf %add3A_35, %add3A_39 : vector<1000x128xf32>
    %reduce_sum3A = arith.constant dense<0.000000e+00> : vector<1000xf32>
    %reduce_sum3A_41 = vector.multi_reduction <add>, %add3A_40, %reduce_sum3A [1] : vector<1000x128xf32> to vector<1000xf32>
    %broadcast_in_dim3A = vector.shape_cast %reduce_sum3A_41 : vector<1000xf32> to vector<1000x1xf32>
    %div3A_42 = arith.constant 1.280000e+02 : f32
    %div3A_43 = vector.broadcast %div3A_42 : f32 to vector<1000x1xf32>
    %div3A_44 = arith.divf %broadcast_in_dim3A, %div3A_43 : vector<1000x1xf32>
    %sub3A = vector.broadcast %div3A_44 : vector<1000x1xf32> to vector<1000x128xf32>
    %sub3A_45 = arith.subf %add3A_40, %sub3A : vector<1000x128xf32>
    %integer_pow3A = arith.mulf %sub3A_45, %sub3A_45 : vector<1000x128xf32>
    %reduce_sum3A_46 = arith.constant dense<0.000000e+00> : vector<1000xf32>
    %reduce_sum3A_47 = vector.multi_reduction <add>, %integer_pow3A, %reduce_sum3A_46 [1] : vector<1000x128xf32> to vector<1000xf32>
    %broadcast_in_dim3A_48 = vector.shape_cast %reduce_sum3A_47 : vector<1000xf32> to vector<1000x1xf32>
    %div3A_49 = arith.constant 1.280000e+02 : f32
    %div3A_50 = vector.broadcast %div3A_49 : f32 to vector<1000x1xf32>
    %div3A_51 = arith.divf %broadcast_in_dim3A_48, %div3A_50 : vector<1000x1xf32>
    %sub3A_52 = vector.broadcast %div3A_44 : vector<1000x1xf32> to vector<1000x128xf32>
    %sub3A_53 = arith.subf %add3A_40, %sub3A_52 : vector<1000x128xf32>
    %add3A_54 = arith.constant 9.99999974E-6 : f32
    %add3A_55 = vector.broadcast %add3A_54 : f32 to vector<1000x1xf32>
    %add3A_56 = arith.addf %div3A_51, %add3A_55 : vector<1000x1xf32>
    %rsqrt3A = math.rsqrt %add3A_56 : vector<1000x1xf32>
    %mul3A = vector.broadcast %rsqrt3A : vector<1000x1xf32> to vector<1000x128xf32>
    %mul3A_57 = arith.mulf %sub3A_53, %mul3A : vector<1000x128xf32>
    %get3A_58 = arith.constant 0 : index
    %get3A_59 = arith.constant 0 : index
    %get3A_60 = vector.load %arg7[%get3A_58, %get3A_59] : memref<1x128xf32, #tpu.memory_space<vmem>>, vector<1x128xf32>
    %mul3A_61 = vector.broadcast %get3A_60 : vector<1x128xf32> to vector<1000x128xf32>
    %mul3A_62 = arith.mulf %mul3A_57, %mul3A_61 : vector<1000x128xf32>
    %get3A_63 = arith.constant 0 : index
    %get3A_64 = arith.constant 0 : index
    %get3A_65 = vector.load %arg8[%get3A_63, %get3A_64] : memref<1x128xf32, #tpu.memory_space<vmem>>, vector<1x128xf32>
    %add3A_66 = vector.broadcast %get3A_65 : vector<1x128xf32> to vector<1000x128xf32>
    %add3A_67 = arith.addf %mul3A_62, %add3A_66 : vector<1000x128xf32>
    %max3A_68 = arith.constant 0.000000e+00 : f32
    %max3A_69 = vector.broadcast %max3A_68 : f32 to vector<1000x128xf32>
    %max3A_70 = arith.maximumf %add3A_67, %max3A_69 : vector<1000x128xf32>
    %swap3A = arith.constant 0 : index
    %swap3A_71 = arith.constant 0 : index
    %swap3A_72 = vector.load %arg9[%swap3A, %swap3A_71] : memref<1000x128xf32, #tpu.memory_space<vmem>>, vector<1000x128xf32>
    tpu.vector_store %arg9[%swap3A, %swap3A_71], %max3A_70 {strides = array<i32>} : memref<1000x128xf32, #tpu.memory_space<vmem>>, vector<1000x128xf32>,
    return
  }
  func.func @transform_0(%arg0: i32) -> (i32, i32, i32) {
    %c0_i32 = arith.constant 0 : i32
    %c0_i32_0 = arith.constant 0 : i32
    %c0_i32_1 = arith.constant 0 : i32
    return %c0_i32, %arg0, %c0_i32_0 : i32, i32, i32
  }
  func.func @transform_1(%arg0: i32) -> (i32, i32, i32) {
    %c0_i32 = arith.constant 0 : i32
    %c0_i32_0 = arith.constant 0 : i32
    %c0_i32_1 = arith.constant 0 : i32
    return %c0_i32, %arg0, %c0_i32_0 : i32, i32, i32
  }
  func.func @transform_2(%arg0: i32) -> (i32, i32) {
    %c0_i32 = arith.constant 0 : i32
    %c0_i32_0 = arith.constant 0 : i32
    return %arg0, %c0_i32 : i32, i32
  }
  func.func @transform_3(%arg0: i32) -> (i32, i32) {
    %c0_i32 = arith.constant 0 : i32
    %c0_i32_0 = arith.constant 0 : i32
    %c0_i32_1 = arith.constant 0 : i32
    return %c0_i32, %c0_i32_0 : i32, i32
  }
  func.func @transform_4(%arg0: i32) -> (i32, i32) {
    %c0_i32 = arith.constant 0 : i32
    %c0_i32_0 = arith.constant 0 : i32
    %c0_i32_1 = arith.constant 0 : i32
    return %c0_i32, %c0_i32_0 : i32, i32
  }
  func.func @transform_5(%arg0: i32) -> (i32, i32) {
    %c0_i32 = arith.constant 0 : i32
    %c0_i32_0 = arith.constant 0 : i32
    %c0_i32_1 = arith.constant 0 : i32
    return %c0_i32, %c0_i32_0 : i32, i32
  }
  func.func @transform_6(%arg0: i32) -> (i32, i32) {
    %c0_i32 = arith.constant 0 : i32
    %c0_i32_0 = arith.constant 0 : i32
    %c0_i32_1 = arith.constant 0 : i32
    return %c0_i32, %c0_i32_0 : i32, i32
  }
  func.func @transform_7(%arg0: i32) -> (i32, i32) {
    %c0_i32 = arith.constant 0 : i32
    %c0_i32_0 = arith.constant 0 : i32
    %c0_i32_1 = arith.constant 0 : i32
    return %c0_i32, %c0_i32_0 : i32, i32
  }
  func.func @transform_8(%arg0: i32) -> (i32, i32) {
    %c0_i32 = arith.constant 0 : i32
    %c0_i32_0 = arith.constant 0 : i32
    return %arg0, %c0_i32 : i32, i32
  }
}

</mosaic_0001>

<sc_bundles>
// kernel: sc_agg.3.cloned.1.call-start
scs
__scs_entry_jumppad:
0x0: {  	(pc) =	sbr.rel $0x88, $3  }
0x1: {  	(tag) =	ssettag $0x0;
	lr =	simm.s32 $0x1  }
0x2: {  	[smem:$0x3F93] =	sst lr;
	_ =	strace $0xD0000000  }
0x3: {  	_ = 	snop  }
0x4: {  	_ = 	snop  }
0x5: {  	_ = 	snop  }
0x6: {  	_ = 	snop  }
0x7: {  	_ = 	snop  }
__scs_overlays_trampoline_lowered:
0x8: {  	[smem:$0x3FA2] =	sst s0  }
0x9: {  	[smem:$0x3FA3] =	sst s1  }
0xa: {  	[smem:$0x3FA4] =	sst s2  }
0xb: {  	[smem:$0x3FA5] =	sst s3  }
0xc: {  	[smem:$0x3FA6] =	sst s4  }
0xd: {  	[smem:$0x3FA7] =	sst s5  }
0xe: {  	[smem:$0x3FA8] =	sst s6  }
0xf: {  	[smem:$0x3FA9] =	sst s7  }
0x10: {  	[smem:$0x3FAA] =	sst s8  }
0x11: {  	[smem:$0x3FAB] =	sst s9;
	s0 =	simm.s32 @!p0 $0x0  }
0x12: {  	s1 =	sld [smem:$0x3F91];
	s0 =	simm.s32 @p0 $0x1  }
0x13: {  	[smem:$0x3FAC] =	sst s0;
	s0 =	simm.s32 @!p1 $0x0  }
0x14: {  	s2 =	sld [smem:$0x3F90];
	s0 =	simm.s32 @p1 $0x1  }
0x15: {  	[smem:$0x3FAD] =	sst s0;
	s0 =	simm.s32 @!p2 $0x0  }
0x16: {  	s3 =	sld [smem:$0x3FDB];
	s0 =	simm.s32 @p2 $0x1  }
0x17: {  	s4 =	simm.s32 $0x1BF5;
	[smem:$0x3FAF] =	sst s0  }
0x18: {  	s0 =	sld [smem:$0x3F92];
	_ =	swait.ge [sflag:s4], $0x0  }
0x19: {  	s7 =	sld [smem:$0x3F93]  }
0x1a: {  	s8 =	sadd.s32 $0xFFFFE003, lr  }
0x1b: {  	s9 =	sadd.s32 $0xFFFFFEF7, lr;
	s5 =	simm.s32 $0xFFFFFFFF;
	p2 =	slt.u32 s8, $0xFFFFF086  }
0x1c: {  	p1 =	slt.u32 s9, $0xF7A;
	s5 =	simm.s32 @!p2 $0x0  }
0x1d: {  	s5 =	simm.s32 @p1 $0x1;
	p0 =	seq.s32 s7, s2  }
0x1e: {  	s7 =	smul.u32 @!p0 $0xF7A, s2;
	p2 =	seq.s32 @!p0 s5, $0x0  }
0x1f: {  	s9 =	smul.u32 $0xF7A, s1;
	s8 =	simm.s32 @!p0 $0x1BF5;
	p2 =	por !p2, p0  }
0x20: {  	[sflag:s8] =	ssyncset.s32 @!p0 $0xFFFFF086;
	s6 =	sadd.s32 @!p0 s3, s7;
	s7 =	simm.s32 @!p0 $0x108  }
0x21: {  	s3 =	sadd.s32 s3, s9;
	s6 =	sadd.s32 @!p0 $0x88, s6;
	s7 =	simm.s32 @p2 $0x1082  }
0x22: {  	[simem:s7], [sflag:s8] =	dma.local @!p0 [hbm:s6], $0xF7A  }
0x23: {  	s9 =	sor.u32 $0xD0000000, s2;
	s6 =	simm.s32 $0x108;
	_ =	swait.ge @!p0 [sflag:s8], $0x0  }
0x24: {  	s3 =	sadd.s32 $0x88, s3;
	s6 =	simm.s32 @!p1 $0x1082;
	[sflag:s4] =	ssyncset.s32 $0xFFFFF086  }
0x25: {  	[simem:s6], [sflag:s4] =	dma.local [hbm:s3], $0xF7A  }
0x26: {  	[smem:$0x3F93] =	sst s1;
	(tag) =	ssettag s2;
	_ =	strace s9  }
0x27: {  	s1 =	sld [smem:$0x3FA3]  }
0x28: {  	s2 =	sld [smem:$0x3FA4]  }
0x29: {  	s4 =	sld [smem:$0x3FA6]  }
0x2a: {  	p0 =	seq.s32 s5, $0x0;
	s5 =	sld [smem:$0x3FA7]  }
0x2b: {  	s6 =	sld [smem:$0x3FA8]  }
0x2c: {  	s7 =	sld [smem:$0x3FA9]  }
0x2d: {  	s3 =	simm.s32 $0x108;
	s8 =	sld [smem:$0x3FAA]  }
0x2e: {  	s3 =	simm.s32 @!p0 $0x1082;
	s9 =	sld [smem:$0x3FAB]  }
0x2f: {  	lr =	sadd.s32 s0, s3;
	s0 =	sld [smem:$0x3FA2]  }
0x30: {  	s3 =	sld [smem:$0x3FA5]  }
0x31: {  	[smem:$0x3FAE] =	sst s10  }
0x32: {  	s10 =	sld [smem:$0x3FAC];
	_ =	sdelay $0x3  }
0x33: {  	p0 =	seq.s32 s10, $0x1;
	s10 =	sld [smem:$0x3FAE];
	_ =	sdelay $0x3  }
0x34: {  	[smem:$0x3FAE] =	sst s10  }
0x35: {  	s10 =	sld [smem:$0x3FAD];
	_ =	sdelay $0x3  }
0x36: {  	p1 =	seq.s32 s10, $0x1;
	s10 =	sld [smem:$0x3FAE];
	_ =	sdelay $0x3  }
0x37: {  	[smem:$0x3FAE] =	sst s10  }
0x38: {  	s10 =	sld [smem:$0x3FAF]  }
0x39: {  	_ = 	snop;
	(pc) =	sbr.ind lr, $3  }
0x3a: {  	_ = 	snop  }
0x3b: {  	_ = 	snop  }
0x3c: {  	p2 =	seq.s32 s10, $0x1;
	s10 =	sld [smem:$0x3FAE]  }
0x3d: {  	_ =	shalt  }
0x3e: {  	_ =	shalt  }
0x3f: {  	_ =	shalt  }
0x40: {  	_ =	shalt  }
0x41: {  	_ =	shalt  }
0x42: {  	_ =	shalt  }
0x43: {  	_ =	shalt  }
0x44: {  	_ =	shalt  }
0x45: {  	_ =	shalt  }
0x46: {  	_ =	shalt  }
0x47: {  	_ =	shalt  }
0x48: {  	_ =	shalt  }
0x49: {  	_ =	shalt  }
0x4a: {  	_ =	shalt  }
0x4b: {  	_ =	shalt  }
0x4c: {  	_ =	shalt  }
0x4d: {  	_ =	shalt  }
0x4e: {  	_ =	shalt  }
0x4f: {  	_ =	shalt  }
0x50: {  	_ =	shalt  }
0x51: {  	_ =	shalt  }
0x52: {  	_ =	shalt  }
0x53: {  	_ =	shalt  }
0x54: {  	_ =	shalt  }
0x55: {  	_ =	shalt  }
0x56: {  	_ =	shalt  }
0x57: {  	_ =	shalt  }
0x58: {  	_ =	shalt  }
0x59: {  	_ =	shalt  }
0x5a: {  	_ =	shalt  }
0x5b: {  	_ =	shalt  }
0x5c: {  	_ =	shalt  }
0x5d: {  	_ =	shalt  }
0x5e: {  	_ =	shalt  }
0x5f: {  	_ =	shalt  }
0x60: {  	_ =	shalt  }
0x61: {  	_ =	shalt  }
0x62: {  	_ =	shalt  }
0x63: {  	_ =	shalt  }
0x64: {  	_ =	shalt  }
0x65: {  	_ =	shalt  }
0x66: {  	_ =	shalt  }
0x67: {  	_ =	shalt  }
0x68: {  	_ =	shalt  }
0x69: {  	_ =	shalt  }
0x6a: {  	_ =	shalt  }
0x6b: {  	_ =	shalt  }
0x6c: {  	_ =	shalt  }
0x6d: {  	_ =	shalt  }
0x6e: {  	_ =	shalt  }
0x6f: {  	_ =	shalt  }
0x70: {  	_ =	shalt  }
0x71: {  	_ =	shalt  }
0x72: {  	_ =	shalt  }
0x73: {  	_ =	shalt  }
0x74: {  	_ =	shalt  }
0x75: {  	_ =	shalt  }
0x76: {  	_ =	shalt  }
0x77: {  	_ =	shalt  }
0x78: {  	_ =	shalt  }
0x79: {  	_ =	shalt  }
0x7a: {  	_ =	shalt  }
0x7b: {  	_ =	shalt  }
0x7c: {  	_ =	shalt  }
0x7d: {  	_ =	shalt  }
0x7e: {  	_ =	shalt  }
0x7f: {  	_ =	shalt  }
0x80: {  	_ =	shalt  }
0x81: {  	_ =	shalt  }
0x82: {  	_ =	shalt  }
0x83: {  	_ =	shalt  }
0x84: {  	_ =	shalt  }
0x85: {  	_ =	shalt  }
0x86: {  	_ =	shalt  }
0x87: {  	_ =	shalt  }
.Lfunc_end0:
.L_simem_size_0:
called_computation.1_lowered:
.L_overlay_start_0:
0x88: {  	s2 =	sld [smem:$0x3FD9]  }
0x89: {  	s3 =	sld [smem:$0x3FFE];
	_ =	sdelay $0x1  }
0x8a: {  	s1 =	srdreg.scid  }
0x8b: {  	s0 =	sand.u32 $0x1, s1  }
0x8c: {  	s17 =	sshll.u32 s0, $0xA;
	s2 =	sadd.s32 s3, s2  }
0x8d: {  	s2 =	sadd.s32 s2, s17  }
0x8e: {  	[smem:$0x3FBA] =	sst s2  }
0x8f: {  	_ = 	snop  }
0x90: {  	s2 =	sld [smem:$0x3FD0];
	(tm) =	ssettm $0x1  }
0x91: {  	s18 =	sld [smem:$0x3FFB];
	_ =	sdelay $0x3  }
0x92: {  	_ =	strace s18  }
0x93: {  	s3 =	sld [smem:$0x3FFC];
	_ =	sdelay $0x3  }
0x94: {  	_ =	strace s3  }
0x95: {  	s3 =	sld [smem:$0x3FFD];
	_ =	sdelay $0x3  }
0x96: {  	_ =	strace s3  }
0x97: {  	_ =	strace $0x8FFFFFFF  }
0x98: {  	s19 =	sld [smem:$0x3FDB];
	_ =	sdelay $0x1  }
0x99: {  	s4 =	simm.s32 $_scs_section_size  }
0x9a: {  	s5 =	simm.s32 $_size__tile_overlayer_lowered;
	s6 =	simm.s32 $_tile_overlayer_lowered  }
0x9b: {  	s22 =	simm.s32 $0x1BFF;
	s21 =	sshll.u32 s6, $0x1;
	s3 =	sadd.s32 s4, s19  }
0x9c: {  	s7 =	simm.s32 $0x0;
	s20 =	sshll.u32 s5, $0x1;
	s5 =	sadd.s32 s21, s3  }
0x9d: {  	[timem:s7], [sflag:s22] =	dma.local [hbm:s5], s20  }
0x9e: {  	_ =	swait.ge [sflag:s22], s20  }
0x9f: {  	s4 =	ssub.s32 $0x0, s20;
	[sflag:s22] =	ssyncset.done $0x0  }
0xa0: {  	[sflag:s22] =	ssyncadd.s32 s4;
	_ =	sdelay $0x1  }
0xa1: {  	s23 =	simm.s32 $0x1B8B  }
0xa2: {  	_ =	swait.ge [sflag:s23], $0x1  }
0xa3: {  	[sflag:s23] =	ssyncset.done $0x0  }
0xa4: {  	s25 =	simm.s32 $0x1B8E;
	s24 =	sld [smem:$0x3FFE];
	[sflag:s23] =	ssyncadd.s32 $0xFFFFFFFF  }
0xa5: {  	s26 =	simm.s32 $execute0_lowered;
	[smem:$0x3FD2] =	sst s25  }
0xa6: {  	s5 =	sshll.u32 s26, $0x1;
	_ =	strace $0x80000049;
	[dreg:$0x1] =	wrdreg $0xFFFFFFFF  }
0xa7: {  	s28 =	simm.s32 $_size_execute0_lowered;
	s3 =	sadd.s32 s3, s5;
	[dreg:$0x0] =	wrdreg $0x0  }
0xa8: {  	s5 =	sshll.u32 s28, $0x1;
	[dreg:$0x2] =	wrdreg s3  }
0xa9: {  	[dreg:$0x3] =	wrdreg s5  }
0xaa: {  	[dreg:$0x4] =	wrdreg $0xC0  }
0xab: {  	_ =	task [dreg:s7], $0x5FFFF  }
0xac: {  	[dreg:$0x1] =	wrdreg $0xFFFFFFFF  }
0xad: {  	[dreg:$0x0] =	wrdreg $0x60  }
0xae: {  	[dreg:$0x2] =	wrdreg s2  }
0xaf: {  	[dreg:$0x3] =	wrdreg s24  }
0xb0: {  	[dreg:$0x4] =	wrdreg $0xF0000  }
0xb1: {  	[dreg:$0x5] =	wrdreg $0x9  }
0xb2: {  	_ =	task.clear_ibuf [dreg:s7], $0x6FFFF;
	_ =	strace $0x90000049  }
0xb3: {  	s29 =	simm.s32 $0x9;
	_ =	strace $0x8000004B  }
0xb4: {  	_ =	swait.ge [sflag:s29], $0x1  }
0xb5: {  	[sflag:s29] =	ssyncadd.s32 $0xFFFFFFFF  }
0xb6: {  	_ =	strace $0x9000004B  }
0xb7: {  	_ =	sfence  }
0xb8: {  	s30 =	sld [smem:$0x0];
	_ =	sdelay $0x2  }
0xb9: {  	s31 =	sshll.u32 s1, $0xD;
	s1 =	sshrl.u32 s1, $0x2  }
0xba: {  	s3 =	sand.u32 $0x4000, s31;
	s1 =	sadd.s32 s1, s30  }
0xbb: {  	s0 =	sor.u32 s3, s0;
	s1 =	sshll.u32 s1, $0x11  }
0xbc: {  	s0 =	sor.u32 s1, s0  }
0xbd: {  	s0 =	sadd.s32 $0x8F2B, s0  }
0xbe: {  	[sflag:s0] =	ssyncadd.remote.s32 $0x1  }
0xbf: {  	_ =	sfence.sel $0xFFFF  }
0xc0: {  	[dreg:$0x0] =	wrdreg $0xFFFFFFFF;
	(pc) =	sbr.abs _section_cstart, $3  }
0xc1: {  	[dreg:$0x1] =	wrdreg $0xFFFFFFFF  }
0xc2: {  	_ =	task.clear_ibuf [dreg:s7], $0x2FFFF;
	_ =	strace $0x9FFFFFFF  }
0xc3: {  	(tm) =	ssettm $0x7FFFFFFF  }
tec
execute0_lowered:
.L_overlay_start_1:
0x0: {  	(tag) =	ssettag $0x1  }
0x1: {  	s1 =	rddreg [dreg:$0x0]  }
0x2: {  	s0 =	srdreg.scid;
	s6 =	rddreg [dreg:$0x1]  }
0x3: {  	s9 =	stileid.u32;
	s3 =	rddreg [dreg:$0x2];
	s4 =	simm.s32 $0x0  }
0x4: {  	s15 =	simm.s32 $0x9;
	s17 =	simm.s32 $0xD000;
	s18 =	simm.s32 $0x80  }
0x5: {  	s19 =	simm.s32 $0x5000;
	s20 =	simm.s32 $0x7000;
	s22 =	simm.s32 $0x9000  }
0x6: {  	s24 =	simm.s32 $0xB000;
	s28 =	simm.s32 $0x2;
	s29 =	simm.s32 $0x6  }
0x7: {  	s30 =	simm.s32 $0x3;
	s31 =	simm.s32 $0x7;
	s21 =	simm.s32 $0x0  }
0x8: {  	s0 =	sand.u32 $0x1, s0;
	s8 =	smul.u32 $0xA000, s9;
	[smem:$0x7FF] =	sst s4  }
0x9: {  	s25 =	sadd.s32 $0x16200, s6;
	s2 =	sshll.u32 s0, $0x4;
	s5 =	smul.u32 $0xA0000, s0  }
0xa: {  	_ =	strace $0x8000004A;
	s0 =	ssub.s32 $0x2, s0;
	[dreg:$0x4] =	wrdreg s25  }
0xb: {  	s25 =	simm.s32 $0x1;
	s2 =	sor.u32 s9, s2;
	s9 =	smul.u32 $0x28000, s9  }
0xc: {  	s10 =	sshrl.u32 s0, $0x1;
	s2 =	smul.u32 $0x500, s2;
	s7 =	sadd.s32 s8, s5  }
0xd: {  	s0 =	ssub.s32 s0, s10;
	s8 =	sadd.s32 s8, s3;
	s7 =	sshrl.u32 s7, $0x3  }
0xe: {  	s9 =	sshrl.u32 s9, $0x2;
	s14 =	smax.u32 s0, $0x1;
	s0 =	simm.s32 $0x8  }
0xf: {  	s2 =	sadd.s32 s2, s6;
	s13 =	sadd.s32 s7, s6;
	s26 =	sadd.s32 s9, s3  }
0x10: {  	s6 =	sadd.s32 $0xBE00, s2;
	s7 =	sadd.s32 $0x1E00, s2;
	s9 =	sadd.s32 $0x2000, s26  }
0x11: {  	s10 =	sadd.s32 $0x4000, s26;
	s11 =	sadd.s32 $0x6000, s26;
	s12 =	sadd.s32 $0x8000, s26  }
0x12: {  	s13 =	sadd.s32 $0x66600, s13;
	s26 =	simm.s32 $0x5;
	s2 =	simm.s32 $0x4  }
.LBB2_1:
0x13: {  	[tilespmem:s4], [sflag:$0x9] =	stream.linear.gather [hbm4b:s6+s4], $0x2800, $0x38;
	[tilespmem:$0x19000] =	vst v63  }
0x14: {  	_ =	swait.ge [sflag:s15], $0x2800  }
0x15: {  	[sflag:s15] =	ssyncset.done $0x0  }
0x16: {  	s5 =	simm.s32 $0x2800;
	[sflag:s15] =	ssyncadd.s32 $0xFFFFD800  }
0x17: {  	[tilespmem:s5], [sflag:$0x9] =	stream.linear.gather [hbm4b:s7+s4], $0x2800, $0x38;
	[tilespmem:$0x19000] =	vst v63  }
0x18: {  	_ =	swait.ge [sflag:s15], $0x2800  }
0x19: {  	[sflag:s15] =	ssyncset.done $0x0  }
0x1a: {  	s23 =	rddreg [dreg:$0x4];
	[sflag:s15] =	ssyncadd.s32 $0xFFFFD800  }
0x1b: {  	[tilespmem:s17], [sflag:$0x9] =	stream.linear.gather [hbm4b:s23+s4], $0x2000, $0x38;
	[tilespmem:$0x19000] =	vst v63  }
0x1c: {  	_ =	swait.ge [sflag:s15], $0x2000  }
0x1d: {  	[sflag:s15] =	ssyncset.done $0x0  }
0x1e: {  	[sflag:s15] =	ssyncadd.s32 $0xFFFFE000  }
0x1f: {  	[spmem:s8] =	stream.linear.scatter [tilespmem:s17], [sflag:$0x9], $0x2000, $0x38;
	[tilespmem:$0x19000] =	vst v63  }
0x20: {  	_ =	swait.ge [sflag:s15], $0x2000  }
0x21: {  	[sflag:s15] =	ssyncset.done $0x0  }
0x22: {  	[sflag:s15] =	ssyncadd.s32 $0xFFFFE000  }
0x23: {  	[spmem:s9] =	stream.linear.scatter [tilespmem:s17], [sflag:$0x9], $0x2000, $0x38;
	[tilespmem:$0x19000] =	vst v63  }
0x24: {  	_ =	swait.ge [sflag:s15], $0x2000  }
0x25: {  	[sflag:s15] =	ssyncset.done $0x0  }
0x26: {  	[sflag:s15] =	ssyncadd.s32 $0xFFFFE000  }
0x27: {  	[spmem:s10] =	stream.linear.scatter [tilespmem:s17], [sflag:$0x9], $0x2000, $0x38;
	[tilespmem:$0x19000] =	vst v63  }
0x28: {  	_ =	swait.ge [sflag:s15], $0x2000  }
0x29: {  	[sflag:s15] =	ssyncset.done $0x0  }
0x2a: {  	[sflag:s15] =	ssyncadd.s32 $0xFFFFE000  }
0x2b: {  	[spmem:s11] =	stream.linear.scatter [tilespmem:s17], [sflag:$0x9], $0x2000, $0x38;
	[tilespmem:$0x19000] =	vst v63  }
0x2c: {  	_ =	swait.ge [sflag:s15], $0x2000  }
0x2d: {  	[sflag:s15] =	ssyncset.done $0x0  }
0x2e: {  	[sflag:s15] =	ssyncadd.s32 $0xFFFFE000  }
0x2f: {  	[spmem:s12] =	stream.linear.scatter [tilespmem:s17], [sflag:$0x9], $0x2000, $0x38;
	[tilespmem:$0x19000] =	vst v63  }
0x30: {  	_ =	swait.ge [sflag:s15], $0x2000  }
0x31: {  	[sflag:s15] =	ssyncset.done $0x0  }
0x32: {  	[sflag:s15] =	ssyncadd.s32 $0xFFFFE000  }
0x33: {  	[bflag:$0x0] =	sbarrier.arrive $0xFFFF  }
0x34: {  	[tilespmem:s19], [sflag:$0x1] =	stream.indirect.gather [hbm4b:s1+s18], $0x40, s4, s18, $0xb8;
	[tilespmem:$0x19000] =	vst v63  }
0x35: {  	_ = 	snop  }
0x36: {  	[tilespmem:s20], [sflag:$0x2] =	stream.indirect.gather [hbm4b:s1+s18], $0x40, s18, s18, $0xb8;
	[tilespmem:$0x19000] =	vst v63  }
0x37: {  	s16 =	simm.s32 $0x100  }
0x38: {  	[tilespmem:s22], [sflag:$0x3] =	stream.indirect.gather [hbm4b:s1+s18], $0x40, s16, s18, $0xb8;
	[tilespmem:$0x19000] =	vst v63  }
0x39: {  	s23 =	simm.s32 $0x180  }
0x3a: {  	[tilespmem:s24], [sflag:$0x4] =	stream.indirect.gather [hbm4b:s1+s18], $0x40, s23, s18, $0xb8;
	[tilespmem:$0x19000] =	vst v63  }
0x3b: {  	_ =	swait.ge [sflag:s25], $0x2000  }
0x3c: {  	[sflag:s25] =	ssyncset.done $0x0  }
0x3d: {  	s16 =	simm.s32 $0x2800;
	[sflag:s25] =	ssyncadd.s32 $0xFFFFE000  }
0x3e: {  	[spmem:s3] =	stream.indirect.scatter.add.f32 [tilespmem:s19], [sflag:$0x5], $0x40, s16, s18, $0xb8;
	[tilespmem:$0x19000] =	vst v63  }
0x3f: {  	_ =	swait.ge [sflag:s26], $0x2000  }
0x40: {  	[sflag:s26] =	ssyncset.done $0x0  }
0x41: {  	s5 =	simm.s32 $0x200;
	[sflag:s26] =	ssyncadd.s32 $0xFFFFE000  }
0x42: {  	[tilespmem:s19], [sflag:$0x1] =	stream.indirect.gather [hbm4b:s1+s18], $0x40, s5, s18, $0xb8;
	[tilespmem:$0x19000] =	vst v63  }
0x43: {  	_ =	swait.ge [sflag:s28], $0x2000  }
0x44: {  	[sflag:s28] =	ssyncset.done $0x0  }
0x45: {  	s23 =	simm.s32 $0x2880;
	[sflag:s28] =	ssyncadd.s32 $0xFFFFE000  }
0x46: {  	[spmem:s3] =	stream.indirect.scatter.add.f32 [tilespmem:s20], [sflag:$0x6], $0x40, s23, s18, $0xb8;
	[tilespmem:$0x19000] =	vst v63  }
0x47: {  	_ =	swait.ge [sflag:s29], $0x2000  }
0x48: {  	[sflag:s29] =	ssyncset.done $0x0  }
0x49: {  	s5 =	simm.s32 $0x280;
	[sflag:s29] =	ssyncadd.s32 $0xFFFFE000  }
0x4a: {  	[tilespmem:s20], [sflag:$0x2] =	stream.indirect.gather [hbm4b:s1+s18], $0x40, s5, s18, $0xb8;
	[tilespmem:$0x19000] =	vst v63  }
0x4b: {  	_ =	swait.ge [sflag:s30], $0x2000  }
0x4c: {  	[sflag:s30] =	ssyncset.done $0x0  }
0x4d: {  	s23 =	simm.s32 $0x2900;
	[sflag:s30] =	ssyncadd.s32 $0xFFFFE000  }
0x4e: {  	[spmem:s3] =	stream.indirect.scatter.add.f32 [tilespmem:s22], [sflag:$0x7], $0x40, s23, s18, $0xb8;
	[tilespmem:$0x19000] =	vst v63  }
0x4f: {  	_ =	swait.ge [sflag:s31], $0x2000  }
0x50: {  	[sflag:s31] =	ssyncset.done $0x0  }
0x51: {  	s5 =	simm.s32 $0x300;
	[sflag:s31] =	ssyncadd.s32 $0xFFFFE000  }
0x52: {  	[tilespmem:s22], [sflag:$0x3] =	stream.indirect.gather [hbm4b:s1+s18], $0x40, s5, s18, $0xb8;
	[tilespmem:$0x19000] =	vst v63  }
0x53: {  	_ =	swait.ge [sflag:s2], $0x2000  }
0x54: {  	[sflag:s2] =	ssyncset.done $0x0  }
0x55: {  	s23 =	simm.s32 $0x2980;
	[sflag:s2] =	ssyncadd.s32 $0xFFFFE000  }
0x56: {  	[spmem:s3] =	stream.indirect.scatter.add.f32 [tilespmem:s24], [sflag:$0x8], $0x40, s23, s18, $0xb8;
	[tilespmem:$0x19000] =	vst v63  }
0x57: {  	_ =	swait.ge [sflag:s0], $0x2000  }
0x58: {  	[sflag:s0] =	ssyncset.done $0x0  }
0x59: {  	s16 =	simm.s32 $0x380;
	s23 =	simm.s32 $0x800;
	[sflag:s0] =	ssyncadd.s32 $0xFFFFE000  }
.LBB2_2:
0x5a: {  	[tilespmem:s24], [sflag:$0x4] =	stream.indirect.gather [hbm4b:s1+s18], $0x40, s16, s18, $0xb8;
	[tilespmem:$0x19000] =	vst v63  }
0x5b: {  	s16 =	smov.u32 s23  }
0x5c: {  	p0 =	sne.s32 s23, $0x9000;
	s23 =	sadd.s32 $0x800, s23;
	_ =	swait.ge [sflag:s25], $0x2000  }
0x5d: {  	s16 =	sshra.s32 s16, $0x2;
	[sflag:s25] =	ssyncset.done $0x0  }
0x5e: {  	s5 =	sadd.s32 $0x2800, s16;
	[sflag:s25] =	ssyncadd.s32 $0xFFFFE000  }
0x5f: {  	[spmem:s3] =	stream.indirect.scatter.add.f32 [tilespmem:s19], [sflag:$0x5], $0x40, s5, s18, $0xb8;
	[tilespmem:$0x19000] =	vst v63  }
0x60: {  	_ =	swait.ge [sflag:s26], $0x2000  }
0x61: {  	[sflag:s26] =	ssyncset.done $0x0  }
0x62: {  	s5 =	sadd.s32 $0x200, s16;
	[sflag:s26] =	ssyncadd.s32 $0xFFFFE000  }
0x63: {  	[tilespmem:s19], [sflag:$0x1] =	stream.indirect.gather [hbm4b:s1+s18], $0x40, s5, s18, $0xb8;
	[tilespmem:$0x19000] =	vst v63  }
0x64: {  	_ =	swait.ge [sflag:s28], $0x2000  }
0x65: {  	[sflag:s28] =	ssyncset.done $0x0  }
0x66: {  	s5 =	sadd.s32 $0x2880, s16;
	[sflag:s28] =	ssyncadd.s32 $0xFFFFE000  }
0x67: {  	[spmem:s3] =	stream.indirect.scatter.add.f32 [tilespmem:s20], [sflag:$0x6], $0x40, s5, s18, $0xb8;
	[tilespmem:$0x19000] =	vst v63  }
0x68: {  	_ =	swait.ge [sflag:s29], $0x2000  }
0x69: {  	[sflag:s29] =	ssyncset.done $0x0  }
0x6a: {  	s5 =	sadd.s32 $0x280, s16;
	[sflag:s29] =	ssyncadd.s32 $0xFFFFE000  }
0x6b: {  	[tilespmem:s20], [sflag:$0x2] =	stream.indirect.gather [hbm4b:s1+s18], $0x40, s5, s18, $0xb8;
	[tilespmem:$0x19000] =	vst v63  }
0x6c: {  	_ =	swait.ge [sflag:s30], $0x2000  }
0x6d: {  	[sflag:s30] =	ssyncset.done $0x0  }
0x6e: {  	s5 =	sadd.s32 $0x2900, s16;
	[sflag:s30] =	ssyncadd.s32 $0xFFFFE000  }
0x6f: {  	[spmem:s3] =	stream.indirect.scatter.add.f32 [tilespmem:s22], [sflag:$0x7], $0x40, s5, s18, $0xb8;
	[tilespmem:$0x19000] =	vst v63  }
0x70: {  	_ =	swait.ge [sflag:s31], $0x2000  }
0x71: {  	[sflag:s31] =	ssyncset.done $0x0  }
0x72: {  	s5 =	sadd.s32 $0x300, s16;
	[sflag:s31] =	ssyncadd.s32 $0xFFFFE000  }
0x73: {  	[tilespmem:s22], [sflag:$0x3] =	stream.indirect.gather [hbm4b:s1+s18], $0x40, s5, s18, $0xb8;
	[tilespmem:$0x19000] =	vst v63  }
0x74: {  	_ =	swait.ge [sflag:s2], $0x2000  }
0x75: {  	[sflag:s2] =	ssyncset.done $0x0  }
.Ltmp0:
0x76: {  	s5 =	sadd.s32 $0x2980, s16;
	[sflag:s2] =	ssyncadd.s32 $0xFFFFE000;
	(pc) =	sbr.rel @p0 .LBB2_2-.Ltmp0, $4  }
0x77: {  	[spmem:s3] =	stream.indirect.scatter.add.f32 [tilespmem:s24], [sflag:$0x8], $0x40, s5, s18, $0xb8;
	[tilespmem:$0x19000] =	vst v63  }
0x78: {  	_ =	swait.ge [sflag:s0], $0x2000  }
0x79: {  	[sflag:s0] =	ssyncset.done $0x0  }
0x7a: {  	s16 =	sadd.s32 $0x380, s16;
	[sflag:s0] =	ssyncadd.s32 $0xFFFFE000  }
0x7b: {  	[tilespmem:s24], [sflag:$0x4] =	stream.indirect.gather [hbm4b:s1+s18], $0x40, s16, s18, $0xb8;
	[tilespmem:$0x19000] =	vst v63  }
0x7c: {  	_ =	swait.ge [sflag:s25], $0x2000  }
0x7d: {  	[sflag:s25] =	ssyncset.done $0x0  }
0x7e: {  	s5 =	simm.s32 $0x4E00;
	[sflag:s25] =	ssyncadd.s32 $0xFFFFE000  }
0x7f: {  	[spmem:s3] =	stream.indirect.scatter.add.f32 [tilespmem:s19], [sflag:$0x5], $0x40, s5, s18, $0xb8;
	[tilespmem:$0x19000] =	vst v63  }
0x80: {  	_ =	swait.ge [sflag:s28], $0x2000  }
0x81: {  	[sflag:s28] =	ssyncset.done $0x0  }
0x82: {  	s23 =	simm.s32 $0x4E80;
	[sflag:s28] =	ssyncadd.s32 $0xFFFFE000  }
0x83: {  	[spmem:s3] =	stream.indirect.scatter.add.f32 [tilespmem:s20], [sflag:$0x6], $0x40, s23, s18, $0xb8;
	[tilespmem:$0x19000] =	vst v63  }
0x84: {  	_ =	swait.ge [sflag:s30], $0x2000  }
0x85: {  	[sflag:s30] =	ssyncset.done $0x0  }
0x86: {  	s16 =	simm.s32 $0x4F00;
	[sflag:s30] =	ssyncadd.s32 $0xFFFFE000  }
0x87: {  	[spmem:s3] =	stream.indirect.scatter.add.f32 [tilespmem:s22], [sflag:$0x7], $0x40, s16, s18, $0xb8;
	[tilespmem:$0x19000] =	vst v63  }
0x88: {  	_ =	swait.ge [sflag:s2], $0x2000  }
0x89: {  	[sflag:s2] =	ssyncset.done $0x0  }
0x8a: {  	s23 =	simm.s32 $0x4F80;
	[sflag:s2] =	ssyncadd.s32 $0xFFFFE000  }
0x8b: {  	[spmem:s3] =	stream.indirect.scatter.add.f32 [tilespmem:s24], [sflag:$0x8], $0x40, s23, s18, $0xb8;
	[tilespmem:$0x19000] =	vst v63  }
0x8c: {  	_ =	swait.ge [sflag:s26], $0x2000  }
0x8d: {  	[sflag:s26] =	ssyncset.done $0x0  }
0x8e: {  	[sflag:s26] =	ssyncadd.s32 $0xFFFFE000  }
0x8f: {  	_ =	swait.ge [sflag:s29], $0x2000  }
0x90: {  	[sflag:s29] =	ssyncset.done $0x0  }
0x91: {  	[sflag:s29] =	ssyncadd.s32 $0xFFFFE000  }
0x92: {  	_ =	swait.ge [sflag:s31], $0x2000  }
0x93: {  	[sflag:s31] =	ssyncset.done $0x0  }
0x94: {  	[sflag:s31] =	ssyncadd.s32 $0xFFFFE000  }
0x95: {  	s16 =	stileid.u32;
	_ =	swait.ge [sflag:s0], $0x2000  }
0x96: {  	s21 =	sadd.s32 $0x1, s21;
	s5 =	sshll.u32 s16, $0x6;
	[sflag:s0] =	ssyncset.done $0x0  }
0x97: {  	p0 =	sne.s32 s21, s14;
	s5 =	sor.u32 $0x1C09, s5;
	[sflag:s0] =	ssyncadd.s32 $0xFFFFE000  }
.Ltmp1:
0x98: {  	s23 =	sshrl.u32 s8, $0x3;
	[bflag:$0x0] =	sbarrier.arrive $0xFFFF;
	(pc) =	sbr.rel @p0 .LBB2_1-.Ltmp1, $4  }
0x99: {  	[hbm:s13], [sflag:s5] =	dma.local [spmem:s23], $0x1400  }
0x9a: {  	_ =	swait.ge [sflag:s15], $0x1400  }
0x9b: {  	[sflag:s15] =	ssyncset.done $0x0  }
0x9c: {  	[sflag:s15] =	ssyncadd.s32 $0xFFFFEC00  }
0x9d: {  	_ =	sfence.sel $0x180000  }
0x9e: {  	[bflag:$0x0] =	sbarrier.arrive $0xFFFF  }
0x9f: {  	_ =	strace $0x9000004A  }
0xa0: {  	s0 =	stileid.u32;
	[bflag:$0x2] =	sbarrier.arrive $0xFFFF  }
0xa1: {  	p0 =	sne.s32 s0, $0x0;
	s0 =	rddreg [dreg:$0x3]  }
0xa2: {  	s0 =	sadd.s32 @!p0 $0x100000, s0  }
0xa3: {  	[sflag:s0] =	ssyncadd.tile.s32 @!p0 $0x1;
	_ =	shalt  }
.Lfunc_end2:
_tile_overlayer_lowered:
.L_overlay_start_2:
0xa4: {  	(tag) =	ssettag $0x2  }
0xa5: {  	s0 =	rddreg [dreg:$0x0];
	s2 =	stileid.u32  }
0xa6: {  	s1 =	rddreg [dreg:$0x1];
	p0 =	sne.s32 s2, $0x0  }
0xa7: {  	s3 =	rddreg [dreg:$0x2];
	[bflag:$0x3] =	sbarrier.arrive $0xFFFF;
	s2 =	simm.s32 @!p0 $0x1C09  }
0xa8: {  	[timem:s3], [sflag:s2] =	dma.local @!p0 [hbm:s0], s1  }
0xa9: {  	s0 =	simm.s32 @!p0 $0x9  }
0xaa: {  	_ =	swait.ge @!p0 [sflag:s0], s1  }
0xab: {  	s1 =	ssub.s32 @!p0 $0x0, s1;
	[sflag:s0] =	ssyncset.done @!p0 $0x0  }
0xac: {  	[sflag:s0] =	ssyncadd.s32 @!p0 s1  }
0xad: {  	[bflag:$0x3] =	sbarrier.arrive $0xFFFF  }
0xae: {  	_ =	shalt  }

// kernel: sc_agg_cnt.3.cloned.1.call-start
scs
__scs_entry_jumppad:
0x0: {  	(pc) =	sbr.rel $0x88, $3  }
0x1: {  	(tag) =	ssettag $0x0;
	lr =	simm.s32 $0x1  }
0x2: {  	[smem:$0x3F93] =	sst lr;
	_ =	strace $0xD0000000  }
0x3: {  	_ = 	snop  }
0x4: {  	_ = 	snop  }
0x5: {  	_ = 	snop  }
0x6: {  	_ = 	snop  }
0x7: {  	_ = 	snop  }
__scs_overlays_trampoline_lowered:
0x8: {  	[smem:$0x3FA2] =	sst s0  }
0x9: {  	[smem:$0x3FA3] =	sst s1  }
0xa: {  	[smem:$0x3FA4] =	sst s2  }
0xb: {  	[smem:$0x3FA5] =	sst s3  }
0xc: {  	[smem:$0x3FA6] =	sst s4  }
0xd: {  	[smem:$0x3FA7] =	sst s5  }
0xe: {  	[smem:$0x3FA8] =	sst s6  }
0xf: {  	[smem:$0x3FA9] =	sst s7  }
0x10: {  	[smem:$0x3FAA] =	sst s8  }
0x11: {  	[smem:$0x3FAB] =	sst s9;
	s0 =	simm.s32 @!p0 $0x0  }
0x12: {  	s1 =	sld [smem:$0x3F91];
	s0 =	simm.s32 @p0 $0x1  }
0x13: {  	[smem:$0x3FAC] =	sst s0;
	s0 =	simm.s32 @!p1 $0x0  }
0x14: {  	s2 =	sld [smem:$0x3F90];
	s0 =	simm.s32 @p1 $0x1  }
0x15: {  	[smem:$0x3FAD] =	sst s0;
	s0 =	simm.s32 @!p2 $0x0  }
0x16: {  	s3 =	sld [smem:$0x3FDB];
	s0 =	simm.s32 @p2 $0x1  }
0x17: {  	s4 =	simm.s32 $0x1BF5;
	[smem:$0x3FAF] =	sst s0  }
0x18: {  	s0 =	sld [smem:$0x3F92];
	_ =	swait.ge [sflag:s4], $0x0  }
0x19: {  	s7 =	sld [smem:$0x3F93]  }
0x1a: {  	s8 =	sadd.s32 $0xFFFFE003, lr  }
0x1b: {  	s9 =	sadd.s32 $0xFFFFFEF7, lr;
	s5 =	simm.s32 $0xFFFFFFFF;
	p2 =	slt.u32 s8, $0xFFFFF086  }
0x1c: {  	p1 =	slt.u32 s9, $0xF7A;
	s5 =	simm.s32 @!p2 $0x0  }
0x1d: {  	s5 =	simm.s32 @p1 $0x1;
	p0 =	seq.s32 s7, s2  }
0x1e: {  	s7 =	smul.u32 @!p0 $0xF7A, s2;
	p2 =	seq.s32 @!p0 s5, $0x0  }
0x1f: {  	s9 =	smul.u32 $0xF7A, s1;
	s8 =	simm.s32 @!p0 $0x1BF5;
	p2 =	por !p2, p0  }
0x20: {  	[sflag:s8] =	ssyncset.s32 @!p0 $0xFFFFF086;
	s6 =	sadd.s32 @!p0 s3, s7;
	s7 =	simm.s32 @!p0 $0x108  }
0x21: {  	s3 =	sadd.s32 s3, s9;
	s6 =	sadd.s32 @!p0 $0x88, s6;
	s7 =	simm.s32 @p2 $0x1082  }
0x22: {  	[simem:s7], [sflag:s8] =	dma.local @!p0 [hbm:s6], $0xF7A  }
0x23: {  	s9 =	sor.u32 $0xD0000000, s2;
	s6 =	simm.s32 $0x108;
	_ =	swait.ge @!p0 [sflag:s8], $0x0  }
0x24: {  	s3 =	sadd.s32 $0x88, s3;
	s6 =	simm.s32 @!p1 $0x1082;
	[sflag:s4] =	ssyncset.s32 $0xFFFFF086  }
0x25: {  	[simem:s6], [sflag:s4] =	dma.local [hbm:s3], $0xF7A  }
0x26: {  	[smem:$0x3F93] =	sst s1;
	(tag) =	ssettag s2;
	_ =	strace s9  }
0x27: {  	s1 =	sld [smem:$0x3FA3]  }
0x28: {  	s2 =	sld [smem:$0x3FA4]  }
0x29: {  	s4 =	sld [smem:$0x3FA6]  }
0x2a: {  	p0 =	seq.s32 s5, $0x0;
	s5 =	sld [smem:$0x3FA7]  }
0x2b: {  	s6 =	sld [smem:$0x3FA8]  }
0x2c: {  	s7 =	sld [smem:$0x3FA9]  }
0x2d: {  	s3 =	simm.s32 $0x108;
	s8 =	sld [smem:$0x3FAA]  }
0x2e: {  	s3 =	simm.s32 @!p0 $0x1082;
	s9 =	sld [smem:$0x3FAB]  }
0x2f: {  	lr =	sadd.s32 s0, s3;
	s0 =	sld [smem:$0x3FA2]  }
0x30: {  	s3 =	sld [smem:$0x3FA5]  }
0x31: {  	[smem:$0x3FAE] =	sst s10  }
0x32: {  	s10 =	sld [smem:$0x3FAC];
	_ =	sdelay $0x3  }
0x33: {  	p0 =	seq.s32 s10, $0x1;
	s10 =	sld [smem:$0x3FAE];
	_ =	sdelay $0x3  }
0x34: {  	[smem:$0x3FAE] =	sst s10  }
0x35: {  	s10 =	sld [smem:$0x3FAD];
	_ =	sdelay $0x3  }
0x36: {  	p1 =	seq.s32 s10, $0x1;
	s10 =	sld [smem:$0x3FAE];
	_ =	sdelay $0x3  }
0x37: {  	[smem:$0x3FAE] =	sst s10  }
0x38: {  	s10 =	sld [smem:$0x3FAF]  }
0x39: {  	_ = 	snop;
	(pc) =	sbr.ind lr, $3  }
0x3a: {  	_ = 	snop  }
0x3b: {  	_ = 	snop  }
0x3c: {  	p2 =	seq.s32 s10, $0x1;
	s10 =	sld [smem:$0x3FAE]  }
0x3d: {  	_ =	shalt  }
0x3e: {  	_ =	shalt  }
0x3f: {  	_ =	shalt  }
0x40: {  	_ =	shalt  }
0x41: {  	_ =	shalt  }
0x42: {  	_ =	shalt  }
0x43: {  	_ =	shalt  }
0x44: {  	_ =	shalt  }
0x45: {  	_ =	shalt  }
0x46: {  	_ =	shalt  }
0x47: {  	_ =	shalt  }
0x48: {  	_ =	shalt  }
0x49: {  	_ =	shalt  }
0x4a: {  	_ =	shalt  }
0x4b: {  	_ =	shalt  }
0x4c: {  	_ =	shalt  }
0x4d: {  	_ =	shalt  }
0x4e: {  	_ =	shalt  }
0x4f: {  	_ =	shalt  }
0x50: {  	_ =	shalt  }
0x51: {  	_ =	shalt  }
0x52: {  	_ =	shalt  }
0x53: {  	_ =	shalt  }
0x54: {  	_ =	shalt  }
0x55: {  	_ =	shalt  }
0x56: {  	_ =	shalt  }
0x57: {  	_ =	shalt  }
0x58: {  	_ =	shalt  }
0x59: {  	_ =	shalt  }
0x5a: {  	_ =	shalt  }
0x5b: {  	_ =	shalt  }
0x5c: {  	_ =	shalt  }
0x5d: {  	_ =	shalt  }
0x5e: {  	_ =	shalt  }
0x5f: {  	_ =	shalt  }
0x60: {  	_ =	shalt  }
0x61: {  	_ =	shalt  }
0x62: {  	_ =	shalt  }
0x63: {  	_ =	shalt  }
0x64: {  	_ =	shalt  }
0x65: {  	_ =	shalt  }
0x66: {  	_ =	shalt  }
0x67: {  	_ =	shalt  }
0x68: {  	_ =	shalt  }
0x69: {  	_ =	shalt  }
0x6a: {  	_ =	shalt  }
0x6b: {  	_ =	shalt  }
0x6c: {  	_ =	shalt  }
0x6d: {  	_ =	shalt  }
0x6e: {  	_ =	shalt  }
0x6f: {  	_ =	shalt  }
0x70: {  	_ =	shalt  }
0x71: {  	_ =	shalt  }
0x72: {  	_ =	shalt  }
0x73: {  	_ =	shalt  }
0x74: {  	_ =	shalt  }
0x75: {  	_ =	shalt  }
0x76: {  	_ =	shalt  }
0x77: {  	_ =	shalt  }
0x78: {  	_ =	shalt  }
0x79: {  	_ =	shalt  }
0x7a: {  	_ =	shalt  }
0x7b: {  	_ =	shalt  }
0x7c: {  	_ =	shalt  }
0x7d: {  	_ =	shalt  }
0x7e: {  	_ =	shalt  }
0x7f: {  	_ =	shalt  }
0x80: {  	_ =	shalt  }
0x81: {  	_ =	shalt  }
0x82: {  	_ =	shalt  }
0x83: {  	_ =	shalt  }
0x84: {  	_ =	shalt  }
0x85: {  	_ =	shalt  }
0x86: {  	_ =	shalt  }
0x87: {  	_ =	shalt  }
.Lfunc_end0:
.L_simem_size_0:
called_computation_lowered:
.L_overlay_start_0:
0x88: {  	s2 =	sld [smem:$0x3FD9]  }
0x89: {  	s3 =	sld [smem:$0x3FFE];
	_ =	sdelay $0x1  }
0x8a: {  	s1 =	srdreg.scid  }
0x8b: {  	s0 =	sand.u32 $0x1, s1  }
0x8c: {  	s17 =	sshll.u32 s0, $0xA;
	s2 =	sadd.s32 s3, s2  }
0x8d: {  	s2 =	sadd.s32 s2, s17  }
0x8e: {  	[smem:$0x3FBA] =	sst s2  }
0x8f: {  	_ = 	snop  }
0x90: {  	s2 =	sld [smem:$0x3FD0];
	(tm) =	ssettm $0x1  }
0x91: {  	s18 =	sld [smem:$0x3FFB];
	_ =	sdelay $0x3  }
0x92: {  	_ =	strace s18  }
0x93: {  	s3 =	sld [smem:$0x3FFC];
	_ =	sdelay $0x3  }
0x94: {  	_ =	strace s3  }
0x95: {  	s3 =	sld [smem:$0x3FFD];
	_ =	sdelay $0x3  }
0x96: {  	_ =	strace s3  }
0x97: {  	_ =	strace $0x8FFFFFFF  }
0x98: {  	s19 =	sld [smem:$0x3FDB];
	_ =	sdelay $0x1  }
0x99: {  	s4 =	simm.s32 $_scs_section_size  }
0x9a: {  	s5 =	simm.s32 $_size__tile_overlayer_lowered;
	s6 =	simm.s32 $_tile_overlayer_lowered  }
0x9b: {  	s22 =	simm.s32 $0x1BFF;
	s21 =	sshll.u32 s6, $0x1;
	s3 =	sadd.s32 s4, s19  }
0x9c: {  	s7 =	simm.s32 $0x0;
	s20 =	sshll.u32 s5, $0x1;
	s5 =	sadd.s32 s21, s3  }
0x9d: {  	[timem:s7], [sflag:s22] =	dma.local [hbm:s5], s20  }
0x9e: {  	_ =	swait.ge [sflag:s22], s20  }
0x9f: {  	s4 =	ssub.s32 $0x0, s20;
	[sflag:s22] =	ssyncset.done $0x0  }
0xa0: {  	[sflag:s22] =	ssyncadd.s32 s4;
	_ =	sdelay $0x1  }
0xa1: {  	s23 =	simm.s32 $0x1B8B  }
0xa2: {  	_ =	swait.ge [sflag:s23], $0x1  }
0xa3: {  	[sflag:s23] =	ssyncset.done $0x0  }
0xa4: {  	s25 =	simm.s32 $0x1B8E;
	s24 =	sld [smem:$0x3FFE];
	[sflag:s23] =	ssyncadd.s32 $0xFFFFFFFF  }
0xa5: {  	s26 =	simm.s32 $execute0_lowered;
	[smem:$0x3FD2] =	sst s25  }
0xa6: {  	s5 =	sshll.u32 s26, $0x1;
	_ =	strace $0x80000046;
	[dreg:$0x1] =	wrdreg $0xFFFFFFFF  }
0xa7: {  	s28 =	simm.s32 $_size_execute0_lowered;
	s3 =	sadd.s32 s3, s5;
	[dreg:$0x0] =	wrdreg $0x0  }
0xa8: {  	s5 =	sshll.u32 s28, $0x1;
	[dreg:$0x2] =	wrdreg s3  }
0xa9: {  	[dreg:$0x3] =	wrdreg s5  }
0xaa: {  	[dreg:$0x4] =	wrdreg $0xC0  }
0xab: {  	_ =	task [dreg:s7], $0x5FFFF  }
0xac: {  	[dreg:$0x1] =	wrdreg $0xFFFFFFFF  }
0xad: {  	[dreg:$0x0] =	wrdreg $0x60  }
0xae: {  	[dreg:$0x2] =	wrdreg s2  }
0xaf: {  	[dreg:$0x3] =	wrdreg s24  }
0xb0: {  	[dreg:$0x4] =	wrdreg $0xF0000  }
0xb1: {  	[dreg:$0x5] =	wrdreg $0x1A0000  }
0xb2: {  	[dreg:$0x6] =	wrdreg $0x9  }
0xb3: {  	_ =	task.clear_ibuf [dreg:s7], $0x7FFFF;
	_ =	strace $0x90000046  }
0xb4: {  	s29 =	simm.s32 $0x9;
	_ =	strace $0x80000048  }
0xb5: {  	_ =	swait.ge [sflag:s29], $0x1  }
0xb6: {  	[sflag:s29] =	ssyncadd.s32 $0xFFFFFFFF  }
0xb7: {  	_ =	strace $0x90000048  }
0xb8: {  	_ =	sfence  }
0xb9: {  	s30 =	sld [smem:$0x0];
	_ =	sdelay $0x2  }
0xba: {  	s31 =	sshll.u32 s1, $0xD;
	s1 =	sshrl.u32 s1, $0x2  }
0xbb: {  	s3 =	sand.u32 $0x4000, s31;
	s1 =	sadd.s32 s1, s30  }
0xbc: {  	s0 =	sor.u32 s3, s0;
	s1 =	sshll.u32 s1, $0x11  }
0xbd: {  	s0 =	sor.u32 s1, s0  }
0xbe: {  	s0 =	sadd.s32 $0x8F2B, s0  }
0xbf: {  	[sflag:s0] =	ssyncadd.remote.s32 $0x1  }
0xc0: {  	_ =	sfence.sel $0xFFFF  }
0xc1: {  	[dreg:$0x0] =	wrdreg $0xFFFFFFFF;
	(pc) =	sbr.abs _section_cstart, $3  }
0xc2: {  	[dreg:$0x1] =	wrdreg $0xFFFFFFFF  }
0xc3: {  	_ =	task.clear_ibuf [dreg:s7], $0x2FFFF;
	_ =	strace $0x9FFFFFFF  }
0xc4: {  	(tm) =	ssettm $0x7FFFFFFF  }
0xc5: {  	_ =	shalt  }
tec
execute0_lowered:
.L_overlay_start_1:
0x0: {  	(tag) =	ssettag $0x1  }
0x1: {  	s1 =	rddreg [dreg:$0x0]  }
0x2: {  	s6 =	rddreg [dreg:$0x1]  }
0x3: {  	s0 =	srdreg.scid;
	s3 =	rddreg [dreg:$0x2]  }
0x4: {  	s11 =	stileid.u32;
	s4 =	rddreg [dreg:$0x3];
	s5 =	simm.s32 $0x0  }
0x5: {  	s28 =	simm.s32 $0x19000;
	s29 =	simm.s32 $0x19800;
	s30 =	simm.s32 $0x80  }
0x6: {  	s31 =	simm.s32 $0x5000;
	s0 =	sand.u32 $0x1, s0;
	s7 =	smul.u32 $0xA000, s11  }
0x7: {  	[smem:$0x7FF] =	sst s5;
	s9 =	smul.u32 $0x2800, s11;
	s12 =	sadd.s32 $0x16200, s6  }
0x8: {  	s23 =	sadd.s32 $0x16000, s6;
	s24 =	sadd.s32 $0x15E00, s6;
	s13 =	smul.u32 $0x280, s11  }
0x9: {  	s8 =	smul.u32 $0xA0000, s0;
	_ =	strace $0x80000047;
	[dreg:$0x5] =	wrdreg s12  }
0xa: {  	s2 =	sshll.u32 s0, $0x4;
	s10 =	smul.u32 $0x28000, s0;
	[dreg:$0x6] =	wrdreg s23  }
0xb: {  	[dreg:$0x7] =	wrdreg s24;
	s0 =	ssub.s32 $0x2, s0;
	s2 =	sor.u32 s11, s2  }
0xc: {  	s25 =	sshrl.u32 s0, $0x1;
	s11 =	sadd.s32 s7, s3;
	s12 =	sadd.s32 s9, s4  }
0xd: {  	s15 =	sadd.s32 $0x100, s13;
	s18 =	sadd.s32 $0x180, s13;
	s20 =	sadd.s32 $0x200, s13  }
0xe: {  	s2 =	smul.u32 $0x500, s2;
	s8 =	sadd.s32 s7, s8;
	s10 =	sadd.s32 s9, s10  }
0xf: {  	s0 =	ssub.s32 s0, s25;
	s16 =	sshll.u32 s15, $0x6;
	s17 =	sshll.u32 s15, $0x4  }
0x10: {  	s19 =	sshll.u32 s18, $0x6;
	s21 =	sshll.u32 s18, $0x4;
	s22 =	sshll.u32 s20, $0x6  }
0x11: {  	s24 =	sshll.u32 s20, $0x4;
	s9 =	simm.s32 $0x2;
	s18 =	simm.s32 $0x4  }
0x12: {  	s20 =	simm.s32 $0x8;
	s8 =	sshrl.u32 s8, $0x3;
	s10 =	sshrl.u32 s10, $0x3  }
0x13: {  	s23 =	sadd.s32 s22, s3;
	s0 =	smax.u32 s0, $0x1;
	s2 =	sadd.s32 s2, s6  }
0x14: {  	s8 =	sadd.s32 s8, s6;
	s6 =	sadd.s32 s10, s6;
	[dreg:$0x10] =	wrdreg s23  }
0x15: {  	s10 =	sadd.s32 $0x80, s13;
	[dreg:$0x14] =	wrdreg s0;
	s0 =	simm.s32 $0x9000  }
0x16: {  	s13 =	simm.s32 $0x6;
	s26 =	sadd.s32 $0xBE00, s2;
	s2 =	sadd.s32 $0x1E00, s2  }
0x17: {  	s14 =	sshll.u32 s10, $0x6;
	s25 =	sadd.s32 $0x16600, s8;
	[dreg:$0x8] =	wrdreg s26  }
0x18: {  	s8 =	simm.s32 $0x5;
	[dreg:$0x9] =	wrdreg s2;
	s2 =	sshll.u32 s10, $0x4  }
0x19: {  	s7 =	sadd.s32 s14, s3;
	[dreg:$0x12] =	wrdreg s25;
	s26 =	sadd.s32 $0x3E600, s6  }
0x1a: {  	s6 =	simm.s32 $0xB000;
	s14 =	simm.s32 $0x3;
	[dreg:$0xa] =	wrdreg s7  }
0x1b: {  	s2 =	sadd.s32 s2, s4;
	[dreg:$0x13] =	wrdreg s26;
	s26 =	simm.s32 $0xD000  }
0x1c: {  	s7 =	simm.s32 $0x1;
	[dreg:$0xb] =	wrdreg s2;
	s2 =	sadd.s32 s16, s3  }
.Ltmp0:
0x1d: {  	[dreg:$0xc] =	wrdreg s2;
	s2 =	sadd.s32 s17, s4;
	(pc) =	sbr.rel .LBB2_1-.Ltmp0, $4  }
0x1e: {  	s16 =	simm.s32 $0x9;
	[dreg:$0xd] =	wrdreg s2;
	s2 =	sadd.s32 s19, s3  }
0x1f: {  	s17 =	simm.s32 $0x7;
	[dreg:$0xe] =	wrdreg s2;
	s2 =	sadd.s32 s21, s4  }
0x20: {  	s21 =	simm.s32 $0x0;
	[dreg:$0xf] =	wrdreg s2;
	s2 =	sadd.s32 s24, s4  }
0x21: {  	s24 =	simm.s32 $0xA;
	[dreg:$0x11] =	wrdreg s2;
	s2 =	simm.s32 $0x7000  }
.LBB2_4:
0x22: {  	_ =	swait.ge [sflag:s18], $0x2000  }
0x23: {  	[sflag:s18] =	ssyncset.done $0x0  }
0x24: {  	[sflag:s18] =	ssyncadd.s32 $0xFFFFE000  }
0x25: {  	[spmem:s3] =	stream.indirect.scatter.add.f32 [tilespmem:s6], [sflag:$0x8], $0x40, s10, s30, $0xb8;
	[tilespmem:$0x1C800] =	vst v63  }
0x26: {  	_ = 	snop  }
0x27: {  	[spmem:s4] =	stream.indirect.scatter.add.f32 [tilespmem:s28], [sflag:$0x9], $0x10, s10, s30, $0xb8;
	[tilespmem:$0x1C800] =	vst v63  }
0x28: {  	_ =	swait.ge [sflag:s16], $0x800  }
0x29: {  	[sflag:s16] =	ssyncset.done $0x0  }
0x2a: {  	[sflag:s16] =	ssyncadd.s32 $0xFFFFF800  }
0x2b: {  	_ =	swait.ge [sflag:s8], $0x2000  }
0x2c: {  	[sflag:s8] =	ssyncset.done $0x0  }
0x2d: {  	[sflag:s8] =	ssyncadd.s32 $0xFFFFE000  }
0x2e: {  	_ =	swait.ge [sflag:s13], $0x2000  }
0x2f: {  	[sflag:s13] =	ssyncset.done $0x0  }
0x30: {  	[sflag:s13] =	ssyncadd.s32 $0xFFFFE000  }
0x31: {  	_ =	swait.ge [sflag:s17], $0x2000  }
0x32: {  	[sflag:s17] =	ssyncset.done $0x0  }
0x33: {  	[sflag:s17] =	ssyncadd.s32 $0xFFFFE000  }
0x34: {  	_ =	swait.ge [sflag:s20], $0x2000  }
0x35: {  	[sflag:s20] =	ssyncset.done $0x0  }
0x36: {  	[sflag:s20] =	ssyncadd.s32 $0xFFFFE000  }
0x37: {  	_ =	swait.ge [sflag:s16], $0x800  }
0x38: {  	[sflag:s16] =	ssyncset.done $0x0  }
0x39: {  	[sflag:s16] =	ssyncadd.s32 $0xFFFFF800  }
0x3a: {  	_ =	swait.ge [sflag:s16], $0x800  }
0x3b: {  	[sflag:s16] =	ssyncset.done $0x0  }
0x3c: {  	s19 =	stileid.u32;
	[sflag:s16] =	ssyncadd.s32 $0xFFFFF800  }
0x3d: {  	s10 =	sshll.u32 s19, $0x6;
	[bflag:$0x0] =	sbarrier.arrive $0xFFFF  }
0x3e: {  	s15 =	sshrl.u32 s11, $0x3;
	s10 =	sor.u32 $0x1C0A, s10;
	s19 =	rddreg [dreg:$0x12]  }
0x3f: {  	[hbm:s19], [sflag:s10] =	dma.local [spmem:s15], $0x1400  }
0x40: {  	_ =	swait.ge [sflag:s24], $0x1400  }
0x41: {  	[sflag:s24] =	ssyncset.done $0x0  }
0x42: {  	s22 =	sshrl.u32 s12, $0x3;
	s23 =	rddreg [dreg:$0x13];
	[sflag:s24] =	ssyncadd.s32 $0xFFFFEC00  }
0x43: {  	[hbm:s23], [sflag:s10] =	dma.local [spmem:s22], $0x500  }
0x44: {  	_ =	swait.ge [sflag:s24], $0x500  }
0x45: {  	s21 =	sadd.s32 $0x1, s21;
	s25 =	rddreg [dreg:$0x14]  }
0x46: {  	p0 =	sne.s32 s21, s25  }
.Ltmp1:
0x47: {  	_ = 	snop;
	(pc) =	sbr.rel @!p0 .LBB2_5-.Ltmp1, $3  }
0x48: {  	_ =	sdelay $0x1  }
0x49: {  	[sflag:s24] =	ssyncset.done $0x0  }
0x4a: {  	[sflag:s24] =	ssyncadd.s32 $0xFFFFFB00  }
.LBB2_1:
0x4b: {  	s10 =	rddreg [dreg:$0x8]  }
0x4c: {  	[tilespmem:s5], [sflag:$0xA] =	stream.linear.gather [hbm4b:s10+s5], $0x2800, $0x38;
	[tilespmem:$0x1C800] =	vst v63  }
0x4d: {  	_ =	swait.ge [sflag:s24], $0x2800  }
0x4e: {  	[sflag:s24] =	ssyncset.done $0x0  }
0x4f: {  	s15 =	simm.s32 $0x2800;
	s19 =	rddreg [dreg:$0x9];
	[sflag:s24] =	ssyncadd.s32 $0xFFFFD800  }
0x50: {  	[tilespmem:s15], [sflag:$0xA] =	stream.linear.gather [hbm4b:s19+s5], $0x2800, $0x38;
	[tilespmem:$0x1C800] =	vst v63  }
0x51: {  	_ =	swait.ge [sflag:s24], $0x2800  }
0x52: {  	[sflag:s24] =	ssyncset.done $0x0  }
0x53: {  	s22 =	rddreg [dreg:$0x5];
	[sflag:s24] =	ssyncadd.s32 $0xFFFFD800  }
0x54: {  	[tilespmem:s26], [sflag:$0xA] =	stream.linear.gather [hbm4b:s22+s5], $0x2000, $0x38;
	[tilespmem:$0x1C800] =	vst v63  }
0x55: {  	_ =	swait.ge [sflag:s24], $0x2000  }
0x56: {  	[sflag:s24] =	ssyncset.done $0x0  }
0x57: {  	s23 =	rddreg [dreg:$0x6];
	[sflag:s24] =	ssyncadd.s32 $0xFFFFE000  }
0x58: {  	[tilespmem:s28], [sflag:$0xA] =	stream.linear.gather [hbm4b:s23+s5], $0x800, $0x38;
	[tilespmem:$0x1C800] =	vst v63  }
0x59: {  	_ =	swait.ge [sflag:s24], $0x800  }
0x5a: {  	[sflag:s24] =	ssyncset.done $0x0  }
0x5b: {  	s25 =	rddreg [dreg:$0x7];
	[sflag:s24] =	ssyncadd.s32 $0xFFFFF800  }
0x5c: {  	[tilespmem:s29], [sflag:$0xA] =	stream.linear.gather [hbm4b:s25+s5], $0x800, $0x38;
	[tilespmem:$0x1C800] =	vst v63  }
0x5d: {  	_ =	swait.ge [sflag:s24], $0x800  }
0x5e: {  	[sflag:s24] =	ssyncset.done $0x0  }
0x5f: {  	[sflag:s24] =	ssyncadd.s32 $0xFFFFF800  }
0x60: {  	[spmem:s11] =	stream.linear.scatter [tilespmem:s26], [sflag:$0xA], $0x2000, $0x38;
	[tilespmem:$0x1C800] =	vst v63  }
0x61: {  	_ =	swait.ge [sflag:s24], $0x2000  }
0x62: {  	[sflag:s24] =	ssyncset.done $0x0  }
0x63: {  	[sflag:s24] =	ssyncadd.s32 $0xFFFFE000  }
0x64: {  	[spmem:s12] =	stream.linear.scatter [tilespmem:s29], [sflag:$0xA], $0x800, $0x38;
	[tilespmem:$0x1C800] =	vst v63  }
0x65: {  	_ =	swait.ge [sflag:s24], $0x800  }
0x66: {  	[sflag:s24] =	ssyncset.done $0x0  }
0x67: {  	s19 =	rddreg [dreg:$0xa];
	[sflag:s24] =	ssyncadd.s32 $0xFFFFF800  }
0x68: {  	[spmem:s19] =	stream.linear.scatter [tilespmem:s26], [sflag:$0xA], $0x2000, $0x38;
	[tilespmem:$0x1C800] =	vst v63  }
0x69: {  	_ =	swait.ge [sflag:s24], $0x2000  }
0x6a: {  	[sflag:s24] =	ssyncset.done $0x0  }
0x6b: {  	s22 =	rddreg [dreg:$0xb];
	[sflag:s24] =	ssyncadd.s32 $0xFFFFE000  }
0x6c: {  	[spmem:s22] =	stream.linear.scatter [tilespmem:s29], [sflag:$0xA], $0x800, $0x38;
	[tilespmem:$0x1C800] =	vst v63  }
0x6d: {  	_ =	swait.ge [sflag:s24], $0x800  }
0x6e: {  	[sflag:s24] =	ssyncset.done $0x0  }
0x6f: {  	s23 =	rddreg [dreg:$0xc];
	[sflag:s24] =	ssyncadd.s32 $0xFFFFF800  }
0x70: {  	[spmem:s23] =	stream.linear.scatter [tilespmem:s26], [sflag:$0xA], $0x2000, $0x38;
	[tilespmem:$0x1C800] =	vst v63  }
0x71: {  	_ =	swait.ge [sflag:s24], $0x2000  }
0x72: {  	[sflag:s24] =	ssyncset.done $0x0  }
0x73: {  	s25 =	rddreg [dreg:$0xd];
	[sflag:s24] =	ssyncadd.s32 $0xFFFFE000  }
0x74: {  	[spmem:s25] =	stream.linear.scatter [tilespmem:s29], [sflag:$0xA], $0x800, $0x38;
	[tilespmem:$0x1C800] =	vst v63  }
0x75: {  	_ =	swait.ge [sflag:s24], $0x800  }
0x76: {  	[sflag:s24] =	ssyncset.done $0x0  }
0x77: {  	s19 =	rddreg [dreg:$0xe];
	[sflag:s24] =	ssyncadd.s32 $0xFFFFF800  }
0x78: {  	[spmem:s19] =	stream.linear.scatter [tilespmem:s26], [sflag:$0xA], $0x2000, $0x38;
	[tilespmem:$0x1C800] =	vst v63  }
0x79: {  	_ =	swait.ge [sflag:s24], $0x2000  }
0x7a: {  	[sflag:s24] =	ssyncset.done $0x0  }
0x7b: {  	s22 =	rddreg [dreg:$0xf];
	[sflag:s24] =	ssyncadd.s32 $0xFFFFE000  }
0x7c: {  	[spmem:s22] =	stream.linear.scatter [tilespmem:s29], [sflag:$0xA], $0x800, $0x38;
	[tilespmem:$0x1C800] =	vst v63  }
0x7d: {  	_ =	swait.ge [sflag:s24], $0x800  }
0x7e: {  	[sflag:s24] =	ssyncset.done $0x0  }
0x7f: {  	s23 =	rddreg [dreg:$0x10];
	[sflag:s24] =	ssyncadd.s32 $0xFFFFF800  }
0x80: {  	[spmem:s23] =	stream.linear.scatter [tilespmem:s26], [sflag:$0xA], $0x2000, $0x38;
	[tilespmem:$0x1C800] =	vst v63  }
0x81: {  	_ =	swait.ge [sflag:s24], $0x2000  }
0x82: {  	[sflag:s24] =	ssyncset.done $0x0  }
0x83: {  	s25 =	rddreg [dreg:$0x11];
	[sflag:s24] =	ssyncadd.s32 $0xFFFFE000  }
0x84: {  	[spmem:s25] =	stream.linear.scatter [tilespmem:s29], [sflag:$0xA], $0x800, $0x38;
	[tilespmem:$0x1C800] =	vst v63  }
0x85: {  	_ =	swait.ge [sflag:s24], $0x800  }
0x86: {  	[sflag:s24] =	ssyncset.done $0x0  }
0x87: {  	[sflag:s24] =	ssyncadd.s32 $0xFFFFF800  }
0x88: {  	[bflag:$0x0] =	sbarrier.arrive $0xFFFF  }
0x89: {  	[tilespmem:s31], [sflag:$0x1] =	stream.indirect.gather [hbm4b:s1+s30], $0x40, s5, s30, $0xb8;
	[tilespmem:$0x1C800] =	vst v63  }
0x8a: {  	_ = 	snop  }
0x8b: {  	[tilespmem:s2], [sflag:$0x2] =	stream.indirect.gather [hbm4b:s1+s30], $0x40, s30, s30, $0xb8;
	[tilespmem:$0x1C800] =	vst v63  }
0x8c: {  	s19 =	simm.s32 $0x100  }
0x8d: {  	[tilespmem:s0], [sflag:$0x3] =	stream.indirect.gather [hbm4b:s1+s30], $0x40, s19, s30, $0xb8;
	[tilespmem:$0x1C800] =	vst v63  }
0x8e: {  	s22 =	simm.s32 $0x180  }
0x8f: {  	[tilespmem:s6], [sflag:$0x4] =	stream.indirect.gather [hbm4b:s1+s30], $0x40, s22, s30, $0xb8;
	[tilespmem:$0x1C800] =	vst v63  }
0x90: {  	_ =	swait.ge [sflag:s7], $0x2000  }
0x91: {  	[sflag:s7] =	ssyncset.done $0x0  }
0x92: {  	[sflag:s7] =	ssyncadd.s32 $0xFFFFE000  }
0x93: {  	[spmem:s3] =	stream.indirect.scatter.add.f32 [tilespmem:s31], [sflag:$0x5], $0x40, s15, s30, $0xb8;
	[tilespmem:$0x1C800] =	vst v63  }
0x94: {  	_ = 	snop  }
0x95: {  	[spmem:s4] =	stream.indirect.scatter.add.f32 [tilespmem:s28], [sflag:$0x9], $0x10, s15, s30, $0xb8;
	[tilespmem:$0x1C800] =	vst v63  }
0x96: {  	_ =	swait.ge [sflag:s8], $0x2000  }
0x97: {  	[sflag:s8] =	ssyncset.done $0x0  }
0x98: {  	s23 =	simm.s32 $0x200;
	[sflag:s8] =	ssyncadd.s32 $0xFFFFE000  }
0x99: {  	[tilespmem:s31], [sflag:$0x1] =	stream.indirect.gather [hbm4b:s1+s30], $0x40, s23, s30, $0xb8;
	[tilespmem:$0x1C800] =	vst v63  }
0x9a: {  	_ =	swait.ge [sflag:s9], $0x2000  }
0x9b: {  	[sflag:s9] =	ssyncset.done $0x0  }
0x9c: {  	s25 =	simm.s32 $0x2880;
	[sflag:s9] =	ssyncadd.s32 $0xFFFFE000  }
0x9d: {  	[spmem:s3] =	stream.indirect.scatter.add.f32 [tilespmem:s2], [sflag:$0x6], $0x40, s25, s30, $0xb8;
	[tilespmem:$0x1C800] =	vst v63  }
0x9e: {  	_ = 	snop  }
0x9f: {  	[spmem:s4] =	stream.indirect.scatter.add.f32 [tilespmem:s28], [sflag:$0x9], $0x10, s25, s30, $0xb8;
	[tilespmem:$0x1C800] =	vst v63  }
0xa0: {  	_ =	swait.ge [sflag:s13], $0x2000  }
0xa1: {  	[sflag:s13] =	ssyncset.done $0x0  }
0xa2: {  	s15 =	simm.s32 $0x280;
	[sflag:s13] =	ssyncadd.s32 $0xFFFFE000  }
0xa3: {  	[tilespmem:s2], [sflag:$0x2] =	stream.indirect.gather [hbm4b:s1+s30], $0x40, s15, s30, $0xb8;
	[tilespmem:$0x1C800] =	vst v63  }
0xa4: {  	_ =	swait.ge [sflag:s14], $0x2000  }
0xa5: {  	[sflag:s14] =	ssyncset.done $0x0  }
0xa6: {  	s19 =	simm.s32 $0x2900;
	[sflag:s14] =	ssyncadd.s32 $0xFFFFE000  }
0xa7: {  	[spmem:s3] =	stream.indirect.scatter.add.f32 [tilespmem:s0], [sflag:$0x7], $0x40, s19, s30, $0xb8;
	[tilespmem:$0x1C800] =	vst v63  }
0xa8: {  	_ = 	snop  }
0xa9: {  	[spmem:s4] =	stream.indirect.scatter.add.f32 [tilespmem:s28], [sflag:$0x9], $0x10, s19, s30, $0xb8;
	[tilespmem:$0x1C800] =	vst v63  }
0xaa: {  	_ =	swait.ge [sflag:s16], $0x800  }
0xab: {  	[sflag:s16] =	ssyncset.done $0x0  }
0xac: {  	[sflag:s16] =	ssyncadd.s32 $0xFFFFF800  }
0xad: {  	_ =	swait.ge [sflag:s17], $0x2000  }
0xae: {  	[sflag:s17] =	ssyncset.done $0x0  }
0xaf: {  	s22 =	simm.s32 $0x300;
	[sflag:s17] =	ssyncadd.s32 $0xFFFFE000  }
0xb0: {  	[tilespmem:s0], [sflag:$0x3] =	stream.indirect.gather [hbm4b:s1+s30], $0x40, s22, s30, $0xb8;
	[tilespmem:$0x1C800] =	vst v63  }
0xb1: {  	_ =	swait.ge [sflag:s18], $0x2000  }
0xb2: {  	[sflag:s18] =	ssyncset.done $0x0  }
0xb3: {  	s23 =	simm.s32 $0x2980;
	[sflag:s18] =	ssyncadd.s32 $0xFFFFE000  }
0xb4: {  	[spmem:s3] =	stream.indirect.scatter.add.f32 [tilespmem:s6], [sflag:$0x8], $0x40, s23, s30, $0xb8;
	[tilespmem:$0x1C800] =	vst v63  }
0xb5: {  	_ = 	snop  }
0xb6: {  	[spmem:s4] =	stream.indirect.scatter.add.f32 [tilespmem:s28], [sflag:$0x9], $0x10, s23, s30, $0xb8;
	[tilespmem:$0x1C800] =	vst v63  }
0xb7: {  	_ =	swait.ge [sflag:s16], $0x800  }
0xb8: {  	[sflag:s16] =	ssyncset.done $0x0  }
0xb9: {  	[sflag:s16] =	ssyncadd.s32 $0xFFFFF800  }
0xba: {  	_ =	swait.ge [sflag:s20], $0x2000  }
0xbb: {  	[sflag:s20] =	ssyncset.done $0x0  }
0xbc: {  	s25 =	simm.s32 $0x380;
	s22 =	simm.s32 $0x0;
	[sflag:s20] =	ssyncadd.s32 $0xFFFFE000  }
0xbd: {  	[tilespmem:s6], [sflag:$0x4] =	stream.indirect.gather [hbm4b:s1+s30], $0x40, s25, s30, $0xb8;
	[tilespmem:$0x1C800] =	vst v63  }
.LBB2_2:
0xbe: {  	_ =	swait.ge [sflag:s7], $0x2000  }
0xbf: {  	s23 =	sshra.s32 s22, $0x2;
	[sflag:s7] =	ssyncset.done $0x0  }
0xc0: {  	s10 =	sadd.s32 $0x2A00, s23;
	[sflag:s7] =	ssyncadd.s32 $0xFFFFE000  }
0xc1: {  	[spmem:s3] =	stream.indirect.scatter.add.f32 [tilespmem:s31], [sflag:$0x5], $0x40, s10, s30, $0xb8;
	[tilespmem:$0x1C800] =	vst v63  }
0xc2: {  	_ = 	snop  }
0xc3: {  	[spmem:s4] =	stream.indirect.scatter.add.f32 [tilespmem:s28], [sflag:$0x9], $0x10, s10, s30, $0xb8;
	[tilespmem:$0x1C800] =	vst v63  }
0xc4: {  	_ =	swait.ge [sflag:s16], $0x800  }
0xc5: {  	p0 =	seq.s32 s22, $0x9000;
	[sflag:s16] =	ssyncset.done $0x0  }
0xc6: {  	s10 =	simm.s32 @!p0 $0x5;
	[sflag:s16] =	ssyncadd.s32 $0xFFFFF800  }
0xc7: {  	_ =	swait.ge @!p0 [sflag:s10], $0x2000  }
0xc8: {  	[sflag:s10] =	ssyncset.done @!p0 $0x0  }
0xc9: {  	[sflag:s10] =	ssyncadd.s32 @!p0 $0xFFFFE000;
	s10 =	sshra.s32 @!p0 s22, $0x2  }
0xca: {  	s19 =	simm.s32 @!p0 $0x80;
	s25 =	simm.s32 @!p0 $0x5000;
	s15 =	sadd.s32 @!p0 $0x400, s10  }
0xcb: {  	[tilespmem:s25], [sflag:$0x1] =	stream.indirect.gather @!p0 [hbm4b:s1+s19], $0x40, s15, s19, $0xb8;
	[tilespmem:$0x1C800] =	vst v63  }
0xcc: {  	_ =	swait.ge [sflag:s9], $0x2000  }
0xcd: {  	[sflag:s9] =	ssyncset.done $0x0  }
0xce: {  	s25 =	sadd.s32 $0x2A80, s23;
	[sflag:s9] =	ssyncadd.s32 $0xFFFFE000  }
0xcf: {  	[spmem:s3] =	stream.indirect.scatter.add.f32 [tilespmem:s2], [sflag:$0x6], $0x40, s25, s30, $0xb8;
	[tilespmem:$0x1C800] =	vst v63  }
0xd0: {  	_ = 	snop  }
0xd1: {  	[spmem:s4] =	stream.indirect.scatter.add.f32 [tilespmem:s28], [sflag:$0x9], $0x10, s25, s30, $0xb8;
	[tilespmem:$0x1C800] =	vst v63  }
0xd2: {  	_ =	swait.ge [sflag:s16], $0x800  }
0xd3: {  	[sflag:s16] =	ssyncset.done $0x0  }
0xd4: {  	s15 =	simm.s32 @!p0 $0x6;
	[sflag:s16] =	ssyncadd.s32 $0xFFFFF800  }
0xd5: {  	_ =	swait.ge @!p0 [sflag:s15], $0x2000  }
0xd6: {  	[sflag:s15] =	ssyncset.done @!p0 $0x0  }
0xd7: {  	s10 =	sadd.s32 @!p0 $0x480, s10;
	[sflag:s15] =	ssyncadd.s32 @!p0 $0xFFFFE000;
	s15 =	simm.s32 @!p0 $0x7000  }
0xd8: {  	[tilespmem:s15], [sflag:$0x2] =	stream.indirect.gather @!p0 [hbm4b:s1+s19], $0x40, s10, s19, $0xb8;
	[tilespmem:$0x1C800] =	vst v63  }
0xd9: {  	_ =	swait.ge [sflag:s14], $0x2000  }
0xda: {  	[sflag:s14] =	ssyncset.done $0x0  }
0xdb: {  	s25 =	sadd.s32 $0x2B00, s23;
	[sflag:s14] =	ssyncadd.s32 $0xFFFFE000  }
0xdc: {  	[spmem:s3] =	stream.indirect.scatter.add.f32 [tilespmem:s0], [sflag:$0x7], $0x40, s25, s30, $0xb8;
	[tilespmem:$0x1C800] =	vst v63  }
.Ltmp2:
0xdd: {  	_ = 	snop;
	(pc) =	sbr.rel @p0 .LBB2_4-.Ltmp2, $4  }
0xde: {  	[spmem:s4] =	stream.indirect.scatter.add.f32 [tilespmem:s28], [sflag:$0x9], $0x10, s25, s30, $0xb8;
	[tilespmem:$0x1C800] =	vst v63  }
0xdf: {  	_ =	swait.ge [sflag:s16], $0x800  }
0xe0: {  	[sflag:s16] =	ssyncset.done $0x0  }
0xe1: {  	s10 =	sadd.s32 $0x2B80, s23;
	[sflag:s16] =	ssyncadd.s32 $0xFFFFF800  }
0xe2: {  	_ =	swait.ge [sflag:s17], $0x2000  }
0xe3: {  	[sflag:s17] =	ssyncset.done $0x0  }
0xe4: {  	s15 =	sadd.s32 $0x500, s23;
	[sflag:s17] =	ssyncadd.s32 $0xFFFFE000  }
0xe5: {  	[tilespmem:s0], [sflag:$0x3] =	stream.indirect.gather [hbm4b:s1+s30], $0x40, s15, s30, $0xb8;
	[tilespmem:$0x1C800] =	vst v63  }
0xe6: {  	_ =	swait.ge [sflag:s18], $0x2000  }
0xe7: {  	[sflag:s18] =	ssyncset.done $0x0  }
0xe8: {  	[sflag:s18] =	ssyncadd.s32 $0xFFFFE000  }
0xe9: {  	[spmem:s3] =	stream.indirect.scatter.add.f32 [tilespmem:s6], [sflag:$0x8], $0x40, s10, s30, $0xb8;
	[tilespmem:$0x1C800] =	vst v63  }
0xea: {  	_ = 	snop  }
0xeb: {  	[spmem:s4] =	stream.indirect.scatter.add.f32 [tilespmem:s28], [sflag:$0x9], $0x10, s10, s30, $0xb8;
	[tilespmem:$0x1C800] =	vst v63  }
0xec: {  	_ =	swait.ge [sflag:s16], $0x800  }
0xed: {  	[sflag:s16] =	ssyncset.done $0x0  }
.Ltmp3:
0xee: {  	[sflag:s16] =	ssyncadd.s32 $0xFFFFF800;
	(pc) =	sbr.rel .LBB2_2-.Ltmp3, $4  }
0xef: {  	_ =	swait.ge [sflag:s20], $0x2000  }
0xf0: {  	[sflag:s20] =	ssyncset.done $0x0  }
0xf1: {  	s25 =	sadd.s32 $0x580, s23;
	s22 =	sadd.s32 $0x800, s22;
	[sflag:s20] =	ssyncadd.s32 $0xFFFFE000  }
0xf2: {  	[tilespmem:s6], [sflag:$0x4] =	stream.indirect.gather [hbm4b:s1+s30], $0x40, s25, s30, $0xb8;
	[tilespmem:$0x1C800] =	vst v63  }
.LBB2_5:
0xf3: {  	_ =	sfence.sel $0x180000  }
0xf4: {  	[bflag:$0x0] =	sbarrier.arrive $0xFFFF  }
0xf5: {  	_ =	strace $0x90000047  }
0xf6: {  	s0 =	stileid.u32;
	[bflag:$0x2] =	sbarrier.arrive $0xFFFF  }
0xf7: {  	p0 =	sne.s32 s0, $0x0;
	s0 =	rddreg [dreg:$0x4]  }
0xf8: {  	s0 =	sadd.s32 @!p0 $0x100000, s0  }
0xf9: {  	[sflag:s0] =	ssyncadd.tile.s32 @!p0 $0x1;
	_ =	shalt  }
.Lfunc_end2:
_tile_overlayer_lowered:
.L_overlay_start_2:
0xfa: {  	(tag) =	ssettag $0x2  }
0xfb: {  	s0 =	rddreg [dreg:$0x0];
	s2 =	stileid.u32  }
0xfc: {  	s1 =	rddreg [dreg:$0x1];
	p0 =	sne.s32 s2, $0x0  }
0xfd: {  	s3 =	rddreg [dreg:$0x2];
	[bflag:$0x3] =	sbarrier.arrive $0xFFFF;
	s2 =	simm.s32 @!p0 $0x1C0A  }
0xfe: {  	[timem:s3], [sflag:s2] =	dma.local @!p0 [hbm:s0], s1  }
0xff: {  	s0 =	simm.s32 @!p0 $0xA  }
0x100: {  	_ =	swait.ge @!p0 [sflag:s0], s1  }
0x101: {  	s1 =	ssub.s32 @!p0 $0x0, s1;
	[sflag:s0] =	ssyncset.done @!p0 $0x0  }
0x102: {  	[sflag:s0] =	ssyncadd.s32 @!p0 s1  }
0x103: {  	[bflag:$0x3] =	sbarrier.arrive $0xFFFF  }
0x104: {  	_ =	shalt  }

</sc_bundles>
